<compile_context>
chip_gen: v7x
topology: tpu7x:2x2x1
jax: 0.10.2.dev20260603
libtpu: 0.0.44.dev20260713+nightly
codegen_flags: <defaults>
</compile_context>

<pallas_src>
import functools

import jax
import jax.numpy as jnp
from jax import lax
from jax.experimental import pallas as pl
from jax.experimental.pallas import tpu as pltpu
from jax.experimental.pallas import tpu_sc as plsc

N = 10000
NP = 10240
E = 160000
B = 4
F_IN = 128
T = 12
OUT = 32
NB = 200
GRID_N = N // NB

C_CH = 64
C_NCH = 2500
A_CH = 128
A_NCH = E // A_CH

_MESH = plsc.VectorSubcoreMesh(core_axis_name="c", subcore_axis_name="s")


def _fill1d(ref, n, val, dtype=jnp.float32):
    def body(r, _):
        ref[pl.ds(r * 16, 16)] = jnp.full((16,), val, dtype)
        return 0
    lax.fori_loop(0, n // 16, body, 0)


@functools.partial(
    pl.kernel,
    mesh=_MESH,
    out_type=jax.ShapeDtypeStruct((2, NP), jnp.float32),
    scratch_types=[
        pltpu.VMEM((A_CH,), jnp.int32),
        pltpu.VMEM((A_CH,), jnp.float32),
        pltpu.VMEM((640,), jnp.float32),
        pltpu.VMEM_SHARED((NP,), jnp.float32),
    ],
)
def _deg_kernel(dst_hbm, deg_hbm, idx_v, ones_v, zb_v, acc_sh):
    c = lax.axis_index("c")
    s = lax.axis_index("s")
    w = c * 16 + s
    _fill1d(ones_v, A_CH, 1.0)
    _fill1d(zb_v, 640, 0.0)
    pltpu.sync_copy(zb_v, acc_sh.at[pl.ds(s * 640, 640)])
    plsc.subcore_barrier()
    nch = jnp.where(w < 2, 40, 39)

    def body(k, _):
        ci = w + 32 * k
        pltpu.sync_copy(dst_hbm.at[ci], idx_v)
        pltpu.sync_copy(ones_v, acc_sh.at[idx_v], add=True)
        return 0

    lax.fori_loop(0, nch, body, 0)
    plsc.subcore_barrier()
    pltpu.sync_copy(acc_sh.at[pl.ds(s * 640, 640)],
                    deg_hbm.at[c, pl.ds(s * 640, 640)])


@functools.partial(
    pl.kernel,
    mesh=_MESH,
    out_type=jax.ShapeDtypeStruct((2, T, NP, 128), jnp.float32),
    scratch_types=[
        pltpu.VMEM((2, C_CH), jnp.int32),
        pltpu.VMEM((2, C_CH), jnp.int32),
        pltpu.VMEM((2, C_CH), jnp.int32),
        pltpu.VMEM((C_CH,), jnp.int32),
        pltpu.VMEM((C_CH,), jnp.int32),
        pltpu.VMEM((C_CH,), jnp.int32),
        pltpu.VMEM((C_CH,), jnp.int32),
        pltpu.VMEM((C_CH,), jnp.int32),
        pltpu.VMEM((C_CH,), jnp.int32),
        pltpu.VMEM((C_CH, 128), jnp.float32),
        pltpu.VMEM((C_CH, 128), jnp.float32),
        pltpu.VMEM((C_CH, 128), jnp.float32),
        pltpu.VMEM_SHARED((NP, 128), jnp.float32),
        pltpu.SemaphoreType.DMA,
        pltpu.SemaphoreType.DMA,
        pltpu.SemaphoreType.DMA,
        pltpu.SemaphoreType.DMA,
        pltpu.SemaphoreType.DMA,
        pltpu.SemaphoreType.DMA,
    ],
)
def _agg_kernel(u_hbm, eidx_hbm, zrow_hbm, s_hbm,
                eb0, eb1, eb2, adj0, adj1, adj2, dsti0, dsti1, dsti2,
                rows0, rows1, rows2, acc_sh,
                sg0, sg1, sg2, si0, si1, si2):
    c = lax.axis_index("c")
    s = lax.axis_index("s")
    slots = ((eb0, adj0, dsti0, rows0, sg0, si0),
             (eb1, adj1, dsti1, rows1, sg1, si1),
             (eb2, adj2, dsti2, rows2, sg2, si2))

    def zero_acc():
        for i in range(5):
            pltpu.sync_copy(zrow_hbm, acc_sh.at[pl.ds(s * 640 + i * 128, 128)])

    zero_acc()
    plsc.subcore_barrier()

    def extract(eb, adj, dsti, off):
        for i in range(C_CH // 16):
            adj[pl.ds(i * 16, 16)] = eb[0, pl.ds(i * 16, 16)] + off
            dsti[pl.ds(i * 16, 16)] = eb[1, pl.ds(i * 16, 16)]

    def has_chunk(k):
        return jnp.logical_or(k < 156, jnp.logical_and(k == 156, s < 4))

    def t_body(t, _):
        off = (c * T + t) * N

        for b in range(3):
            eb, adj, dsti, rows, sg, si = slots[b]
            pltpu.sync_copy(eidx_hbm.at[s + 16 * b], eb)
            extract(eb, adj, dsti, off)
            pltpu.async_copy(u_hbm.at[adj], rows, sg)
            pltpu.async_copy(eidx_hbm.at[s + 16 * (b + 3)], eb, si)

        def m_body(m, _):
            for b in range(3):
                eb, adj, dsti, rows, sg, si = slots[b]
                q = 3 * m + b
                pltpu.make_async_copy(u_hbm.at[adj], rows, sg).wait()
                pltpu.sync_copy(rows, acc_sh.at[dsti], add=True)

                @pl.when(has_chunk(q + 3))
                def _():
                    pltpu.make_async_copy(eidx_hbm.at[s], eb, si).wait()
                    extract(eb, adj, dsti, off)
                    pltpu.async_copy(u_hbm.at[adj], rows, sg)

                @pl.when(has_chunk(q + 6))
                def _():
                    pltpu.async_copy(eidx_hbm.at[s + 16 * (q + 6)], eb, si)

            return 0

        lax.fori_loop(0, 52, m_body, 0)

        @pl.when(s < 4)
        def _():
            pltpu.make_async_copy(u_hbm.at[adj0], rows0, sg0).wait()
            pltpu.sync_copy(rows0, acc_sh.at[dsti0], add=True)

        plsc.subcore_barrier()
        pltpu.sync_copy(acc_sh.at[pl.ds(s * 640, 640)],
                        s_hbm.at[c, t, pl.ds(s * 640, 640)])
        zero_acc()
        plsc.subcore_barrier()
        return 0

    lax.fori_loop(0, T, t_body, 0)


def _proj_body(xT_ref, degT_ref, Wz_ref, lzw_ref, Wh_ref, lhw_ref, out_ref):
    Wzp = jnp.dot(Wz_ref[...], lzw_ref[0:OUT, :],
                  preferred_element_type=jnp.float32)
    Whp = jnp.dot(Wh_ref[...], lhw_ref[0:OUT, :],
                  preferred_element_type=jnp.float32)
    d = degT_ref[:, 0:1] + degT_ref[:, 1:2] + 1.0
    dis = lax.rsqrt(d)
    for h in range(2):
        for bl in range(2):
            xb = xT_ref[0, 2 * h + bl]
            yz = jnp.dot(xb, Wzp, preferred_element_type=jnp.float32)
            yh = jnp.dot(xb, Whp, preferred_element_type=jnp.float32)
            out_ref[h, 0, :, bl * 64:bl * 64 + OUT] = dis * yz
            out_ref[h, 0, :, bl * 64 + OUT:bl * 64 + 64] = dis * yh


def _head_body(S_ref, U_ref, degT_ref, attn_ref,
               bz_ref, lzw_ref, lzb_ref, bh_ref, lhw_ref, lhb_ref,
               l1w_ref, l1b_ref, l2w_ref, l2b_ref, out_ref):
    a = attn_ref[0, :]
    m = jnp.max(a)
    e = jnp.exp(a - m)
    p = e / jnp.sum(e)
    cz = jnp.dot(bz_ref[...], lzw_ref[0:OUT, :],
                 preferred_element_type=jnp.float32) + lzb_ref[...]
    ch = jnp.dot(bh_ref[...], lhw_ref[0:OUT, :],
                 preferred_element_type=jnp.float32) + lhb_ref[...]
    d = degT_ref[:, 0:1] + degT_ref[:, 1:2] + 1.0
    dis = lax.rsqrt(d)
    Hacc = [jnp.zeros((NB, OUT), jnp.float32) for _ in range(B)]
    for t in range(T):
        pt = p[t]
        for h in range(2):
            Prow = dis * (S_ref[h, t] + U_ref[h, t])
            for bl in range(2):
                b = 2 * h + bl
                preZ = Prow[:, bl * 64:bl * 64 + OUT] + cz
                preH = Prow[:, bl * 64 + OUT:bl * 64 + 64] + ch
                Hn = (1.0 - jax.nn.sigmoid(preZ)) * jnp.tanh(preH)
                Hacc[b] = Hacc[b] + pt * Hn
    for b in range(B):
        h = jnp.tanh(Hacc[b])
        h2 = jnp.tanh(jnp.dot(h, l1w_ref[...],
                              preferred_element_type=jnp.float32)
                      + l1b_ref[...])
        out_ref[b] = jnp.dot(h2, l2w_ref[...],
                             preferred_element_type=jnp.float32) + l2b_ref[...]


def kernel(x, edge_index, edge_features, attn, Wz, bz, Wr, br, Wh, bh,
           lz_w, lz_b, lr_w, lr_b, lh_w, lh_b, l1_w, l1_b, l2_w, l2_b):
    eidx = jnp.stack([edge_index[0].reshape(C_NCH, C_CH),
                      edge_index[1].reshape(C_NCH, C_CH)], axis=1)
    dst_a = edge_index[1].reshape(A_NCH, A_CH)
    zrow = jnp.zeros((128, 128), jnp.float32)
    xT = jnp.transpose(x, (3, 0, 1, 2))

    deg2 = _deg_kernel(dst_a)
    degT = jnp.transpose(deg2)

    ubar = pl.pallas_call(
        _proj_body,
        grid=(T, GRID_N),
        in_specs=[
            pl.BlockSpec((1, B, NB, F_IN), lambda t, nb: (t, 0, nb, 0)),
            pl.BlockSpec((NB, 2), lambda t, nb: (nb, 0)),
            pl.BlockSpec((F_IN, OUT), lambda t, nb: (0, 0)),
            pl.BlockSpec((2 * OUT, OUT), lambda t, nb: (0, 0)),
            pl.BlockSpec((F_IN, OUT), lambda t, nb: (0, 0)),
            pl.BlockSpec((2 * OUT, OUT), lambda t, nb: (0, 0)),
        ],
        out_specs=pl.BlockSpec((2, 1, NB, 128), lambda t, nb: (0, t, nb, 0)),
        out_shape=jax.ShapeDtypeStruct((2, T, N, 128), jnp.float32),
    )(xT, degT, Wz, lz_w, Wh, lh_w)

    u_flat = ubar.reshape(2 * T * N, 128)
    s_out = _agg_kernel(u_flat, eidx, zrow)

    out = pl.pallas_call(
        _head_body,
        grid=(GRID_N,),
        in_specs=[
            pl.BlockSpec((2, T, NB, 128), lambda nb: (0, 0, nb, 0)),
            pl.BlockSpec((2, T, NB, 128), lambda nb: (0, 0, nb, 0)),
            pl.BlockSpec((NB, 2), lambda nb: (nb, 0)),
            pl.BlockSpec((1, T), lambda nb: (0, 0)),
            pl.BlockSpec((1, OUT), lambda nb: (0, 0)),
            pl.BlockSpec((2 * OUT, OUT), lambda nb: (0, 0)),
            pl.BlockSpec((1, OUT), lambda nb: (0, 0)),
            pl.BlockSpec((1, OUT), lambda nb: (0, 0)),
            pl.BlockSpec((2 * OUT, OUT), lambda nb: (0, 0)),
            pl.BlockSpec((1, OUT), lambda nb: (0, 0)),
            pl.BlockSpec((OUT, 16), lambda nb: (0, 0)),
            pl.BlockSpec((1, 16), lambda nb: (0, 0)),
            pl.BlockSpec((16, 12), lambda nb: (0, 0)),
            pl.BlockSpec((1, 12), lambda nb: (0, 0)),
        ],
        out_specs=pl.BlockSpec((B, NB, 12), lambda nb: (0, nb, 0)),
        out_shape=jax.ShapeDtypeStruct((B, N, 12), jnp.float32),
    )(s_out, ubar, degT, attn.reshape(1, T),
      bz.reshape(1, OUT), lz_w, lz_b.reshape(1, OUT),
      bh.reshape(1, OUT), lh_w, lh_b.reshape(1, OUT),
      l1_w, l1_b.reshape(1, 16), l2_w, l2_b.reshape(1, 12))
    return out

# --- scband reference (transcript-rebuilt; emitter-appended) ---
"""Pipeline reference for scband-traffic-a3-tgcnsingle-shot-25348896981348 (READ-ONLY COPY).

The authoritative reference and input builder live on the scoring server;
editing this copy changes nothing except your own understanding.
"""

import jax, jax.numpy as jnp
import numpy as np

N = 10000
E = 160000
B = 4
F_IN = 128
T = 12
OUT = 32
HID = 16
P_OUT = 12


def setup_inputs(seed: int = 0) -> dict:
    key = jax.random.key(seed)
    ks = jax.random.split(key, 24)
    inp = {}
    inp["x"] = jax.random.normal(ks[0], (B, N, F_IN, T), dtype=jnp.float32)
    inp["edge_index"] = jax.random.randint(ks[1], (2, E), 0, N, dtype=jnp.int32)
    inp["edge_features"] = jax.random.normal(ks[2], (E, 4), dtype=jnp.float32)
    # A3TGCN2 attention over periods
    inp["attn"] = jax.random.uniform(ks[3], (T,), dtype=jnp.float32)
    # GCNConv weights (stored [in, out]) + biases for z/r/h gates
    s_in = 1.0 / np.sqrt(F_IN)
    inp["Wz"] = jax.random.normal(ks[4], (F_IN, OUT), dtype=jnp.float32) * s_in
    inp["bz"] = jnp.zeros((OUT,), jnp.float32)
    inp["Wr"] = jax.random.normal(ks[5], (F_IN, OUT), dtype=jnp.float32) * s_in
    inp["br"] = jnp.zeros((OUT,), jnp.float32)
    inp["Wh"] = jax.random.normal(ks[6], (F_IN, OUT), dtype=jnp.float32) * s_in
    inp["bh"] = jnp.zeros((OUT,), jnp.float32)
    # TGCN2 gate linears: Linear(2*OUT, OUT), stored [in, out]
    s_g = 1.0 / np.sqrt(2 * OUT)
    inp["lz_w"] = jax.random.normal(ks[7], (2 * OUT, OUT), dtype=jnp.float32) * s_g
    inp["lz_b"] = jax.random.uniform(ks[8], (OUT,), dtype=jnp.float32, minval=-s_g, maxval=s_g)
    inp["lr_w"] = jax.random.normal(ks[9], (2 * OUT, OUT), dtype=jnp.float32) * s_g
    inp["lr_b"] = jax.random.uniform(ks[10], (OUT,), dtype=jnp.float32, minval=-s_g, maxval=s_g)
    inp["lh_w"] = jax.random.normal(ks[11], (2 * OUT, OUT), dtype=jnp.float32) * s_g
    inp["lh_b"] = jax.random.uniform(ks[12], (OUT,), dtype=jnp.float32, minval=-s_g, maxval=s_g)
    # head linears
    s1 = 1.0 / np.sqrt(OUT)
    inp["l1_w"] = jax.random.normal(ks[13], (OUT, HID), dtype=jnp.float32) * s1
    inp["l1_b"] = jax.random.uniform(ks[14], (HID,), dtype=jnp.float32, minval=-s1, maxval=s1)
    s2 = 1.0 / np.sqrt(HID)
    inp["l2_w"] = jax.random.normal(ks[15], (HID, P_OUT), dtype=jnp.float32) * s2
    inp["l2_b"] = jax.random.uniform(ks[16], (P_OUT,), dtype=jnp.float32, minval=-s2, maxval=s2)
    return inp


def reference(x, edge_index, edge_features, attn, Wz, bz, Wr, br, Wh, bh,
              lz_w, lz_b, lr_w, lr_b, lh_w, lh_b, l1_w, l1_b, l2_w, l2_b):
    # edge_features is accepted by the torch forward but never used.
    # GCN normalization with self-loops (shared by all three convs)
    loop = jnp.arange(N, dtype=edge_index.dtype)
    src = jnp.concatenate([edge_index[0], loop])
    dst = jnp.concatenate([edge_index[1], loop])
    w = jnp.ones(src.shape[0], jnp.float32)
    deg = jnp.zeros(N, jnp.float32).at[dst].add(w)
    dis = jnp.where(deg > 0, deg ** -0.5, 0.0)
    norm = dis[src] * w * dis[dst]

    def gcn(xt, W, b):
        xw = jnp.einsum('bnf,fo->bno', xt, W)
        msg = xw[:, src, :] * norm[None, :, None]
        agg = jnp.zeros((B, N, W.shape[1]), jnp.float32).at[:, dst, :].add(msg)
        return agg + b

    H0 = jnp.zeros((B, N, OUT), jnp.float32)  # hidden state is None -> zeros each period
    probs = jax.nn.softmax(attn)
    H_accum = jnp.zeros((B, N, OUT), jnp.float32)
    for t in range(T):
        xt = x[:, :, :, t]
        Z = jax.nn.sigmoid(jnp.concatenate([gcn(xt, Wz, bz), H0], axis=2) @ lz_w + lz_b)
        R = jax.nn.sigmoid(jnp.concatenate([gcn(xt, Wr, br), H0], axis=2) @ lr_w + lr_b)
        Ht = jnp.tanh(jnp.concatenate([gcn(xt, Wh, bh), H0 * R], axis=2) @ lh_w + lh_b)
        Hn = Z * H0 + (1.0 - Z) * Ht
        H_accum = H_accum + probs[t] * Hn

    h = jnp.tanh(H_accum)
    h = jnp.tanh(h @ l1_w + l1_b)
    # dropout is identity at inference
    out = h @ l2_w + l2_b
    return out

if __name__ == "__main__":
    import jax
    _d = setup_inputs()
    print(jax.jit(kernel)(*tuple(_d.values())))

</pallas_src>

<mosaic_0001>
#map = affine_map<(d0, d1) -> (0, 0)>
module attributes {stable_mosaic.version = 14 : i64} {
  func.func @_deg_kernel(%arg0: i32, %arg1: i32, %arg2: memref<1250x128xi32, #tpu.memory_space<hbm>>, %arg3: memref<2x10240xf32, #tpu.memory_space<hbm>>, %arg4: memref<128xi32, #tpu.memory_space<vmem>>, %arg5: memref<128xf32, #tpu.memory_space<vmem>>, %arg6: memref<640xf32, #tpu.memory_space<vmem>>, %arg7: memref<10240xf32, #tpu.memory_space<vmem_shared>>) attributes {dimension_semantics = [#tpu.dimension_semantics<core_parallel>, #tpu.dimension_semantics<subcore_parallel>], iteration_bounds = array<i64: 2, 16>, scalar_prefetch = 0 : i64, scratch_operands = 4 : i64, tpu.core_type = #tpu.core_type<sc_vector_subcore>, window_params = [{transform_indices = #map}, {transform_indices = #map}]} {
    %mul3A = arith.constant 16 : i32
    %mul3A_0 = arith.muli %arg0, %mul3A : i32
    %add3A = arith.addi %mul3A_0, %arg1 : i32
    %scan3A = arith.constant 0 : i32
    %scan3A_1 = arith.constant 0 : i32
    %scan3A_2 = arith.constant 8 : i32
    %scan3A_3 = arith.addi %scan3A_1, %scan3A_2 : i32
    %scan3A_4 = arith.constant 1 : i32
    %scan3A_5 = scf.for %scan3A_34 = %scan3A_1 to %scan3A_3 step %scan3A_4 iter_args(%scan3A_35 = %scan3A) -> (i32)  : i32 {
      %broadcast_in_dim3A = arith.constant 1.000000e+00 : f32
      %broadcast_in_dim3A_36 = vector.broadcast %broadcast_in_dim3A : f32 to vector<16xf32>
      %mul3A_37 = arith.constant 16 : i32
      %mul3A_38 = arith.muli %scan3A_34, %mul3A_37 : i32
      %swap3A = arith.index_cast %mul3A_38 : i32 to index
      %swap3A_39 = tpu.vector_load %arg5[%swap3A] {strides = array<i32>} : memref<128xf32, #tpu.memory_space<vmem>>, vector<16xf32>,
      %swap3A_40 = vector.shape_cast %swap3A_39 : vector<16xf32> to vector<16xf32>
      %swap3A_41 = vector.shape_cast %broadcast_in_dim3A_36 : vector<16xf32> to vector<16xf32>
      tpu.vector_store %arg5[%swap3A], %swap3A_41 {strides = array<i32>} : memref<128xf32, #tpu.memory_space<vmem>>, vector<16xf32>,
      %scan3A_42 = arith.constant 0 : i32
      scf.yield %scan3A_42 : i32
    }
    %scan3A_6 = arith.constant 8 : i32
    %scan3A_7 = arith.constant 0 : i32
    %scan3A_8 = arith.constant 0 : i32
    %scan3A_9 = arith.constant 40 : i32
    %scan3A_10 = arith.addi %scan3A_8, %scan3A_9 : i32
    %scan3A_11 = arith.constant 1 : i32
    %scan3A_12 = scf.for %scan3A_34 = %scan3A_8 to %scan3A_10 step %scan3A_11 iter_args(%scan3A_35 = %scan3A_7) -> (i32)  : i32 {
      %broadcast_in_dim3A = arith.constant 0.000000e+00 : f32
      %broadcast_in_dim3A_36 = vector.broadcast %broadcast_in_dim3A : f32 to vector<16xf32>
      %mul3A_37 = arith.constant 16 : i32
      %mul3A_38 = arith.muli %scan3A_34, %mul3A_37 : i32
      %swap3A = arith.index_cast %mul3A_38 : i32 to index
      %swap3A_39 = tpu.vector_load %arg6[%swap3A] {strides = array<i32>} : memref<640xf32, #tpu.memory_space<vmem>>, vector<16xf32>,
      %swap3A_40 = vector.shape_cast %swap3A_39 : vector<16xf32> to vector<16xf32>
      %swap3A_41 = vector.shape_cast %broadcast_in_dim3A_36 : vector<16xf32> to vector<16xf32>
      tpu.vector_store %arg6[%swap3A], %swap3A_41 {strides = array<i32>} : memref<640xf32, #tpu.memory_space<vmem>>, vector<16xf32>,
      %scan3A_42 = arith.constant 0 : i32
      scf.yield %scan3A_42 : i32
    }
    %scan3A_13 = arith.constant 40 : i32
    %mul3A_14 = arith.constant 640 : i32
    %mul3A_15 = arith.muli %arg1, %mul3A_14 : i32
    "tpu.region"() ({
      %run_scoped3A = tpu.sem_alloc : memref<!tpu.dma_semaphore, #tpu.memory_space<semaphore_mem>>
      %dma_start3A = tpu.memref_slice %arg7[%mul3A_15] : memref<10240xf32, #tpu.memory_space<vmem_shared>> -> memref<640xf32, #tpu.memory_space<vmem_shared>>
      %dma_start3A_34 = tpu.memref_slice %arg7[%mul3A_15] : memref<10240xf32, #tpu.memory_space<vmem_shared>> -> memref<640xf32, #tpu.memory_space<vmem_shared>>
      tpu.enqueue_dma source(%arg6 : memref<640xf32, #tpu.memory_space<vmem>>) target(%dma_start3A_34 : memref<640xf32, #tpu.memory_space<vmem_shared>>) target_semaphore(%run_scoped3A : memref<!tpu.dma_semaphore, #tpu.memory_space<semaphore_mem>>)
      %dma_wait3A = tpu.memref_slice %arg7[%mul3A_15] : memref<10240xf32, #tpu.memory_space<vmem_shared>> -> memref<640xf32, #tpu.memory_space<vmem_shared>>
      %dma_wait3A_35 = tpu.memref_slice %arg7[%mul3A_15] : memref<10240xf32, #tpu.memory_space<vmem_shared>> -> memref<640xf32, #tpu.memory_space<vmem_shared>>
      tpu.wait_dma2 semaphore(%run_scoped3A : memref<!tpu.dma_semaphore, #tpu.memory_space<semaphore_mem>>) src(%arg6 : memref<640xf32, #tpu.memory_space<vmem>>) dst(%dma_wait3A_35 : memref<640xf32, #tpu.memory_space<vmem_shared>>)
      tpu.yield
    }) : () -> ()
    %barrier3A = arith.constant 0 : index
    tpu.barrier barrier_id(%barrier3A)
    %lt3A = arith.constant 2 : i32
    %lt3A_16 = arith.cmpi slt, %add3A, %lt3A : i32
    %jit3A = arith.constant 40 : i32
    %jit3A_17 = arith.constant 39 : i32
    %select_n3A = arith.select %lt3A_16, %jit3A, %jit3A_17 : i32
    %while3A = arith.constant 0 : i32
    %while3A_18 = arith.constant 0 : i32
    %while3A_19 = arith.subi %select_n3A, %while3A : i32
    %while3A_20 = arith.addi %while3A, %while3A_19 : i32
    %while3A_21 = arith.constant 1 : i32
    %while3A_22 = arith.divsi %while3A_19, %while3A_21 : i32
    %while3A_23 = arith.muli %while3A_22, %while3A_21 : i32
    %while3A_24 = arith.addi %while3A, %while3A_23 : i32
    %while3A_25 = arith.constant 1 : i32
    %while3A_26 = scf.for %while3A_34 = %while3A to %while3A_24 step %while3A_25 iter_args(%while3A_35 = %while3A_18) -> (i32)  : i32 {
      %mul3A_36 = arith.constant 32 : i32
      %mul3A_37 = arith.muli %mul3A_36, %while3A_34 : i32
      %add3A_38 = arith.addi %add3A, %mul3A_37 : i32
      "tpu.region"() ({
        %run_scoped3A = tpu.sem_alloc : memref<!tpu.dma_semaphore, #tpu.memory_space<semaphore_mem>>
        %dma_start3A = arith.constant 0 : i32
        %dma_start3A_40 = tpu.memref_slice %arg2[%add3A_38, %dma_start3A] : memref<1250x128xi32, #tpu.memory_space<hbm>> -> memref<1x128xi32, #tpu.memory_space<hbm>>
        %dma_start3A_41 = tpu.memref_squeeze %dma_start3A_40 : memref<1x128xi32, #tpu.memory_space<hbm>> -> memref<128xi32, #tpu.memory_space<hbm>>
        %dma_start3A_42 = arith.constant 0 : i32
        %dma_start3A_43 = tpu.memref_slice %arg2[%add3A_38, %dma_start3A_42] : memref<1250x128xi32, #tpu.memory_space<hbm>> -> memref<1x128xi32, #tpu.memory_space<hbm>>
        %dma_start3A_44 = tpu.memref_squeeze %dma_start3A_43 : memref<1x128xi32, #tpu.memory_space<hbm>> -> memref<128xi32, #tpu.memory_space<hbm>>
        tpu.enqueue_dma source(%dma_start3A_44 : memref<128xi32, #tpu.memory_space<hbm>>) target(%arg4 : memref<128xi32, #tpu.memory_space<vmem>>) target_semaphore(%run_scoped3A : memref<!tpu.dma_semaphore, #tpu.memory_space<semaphore_mem>>)
        %dma_wait3A = arith.constant 0 : i32
        %dma_wait3A_45 = tpu.memref_slice %arg2[%add3A_38, %dma_wait3A] : memref<1250x128xi32, #tpu.memory_space<hbm>> -> memref<1x128xi32, #tpu.memory_space<hbm>>
        %dma_wait3A_46 = tpu.memref_squeeze %dma_wait3A_45 : memref<1x128xi32, #tpu.memory_space<hbm>> -> memref<128xi32, #tpu.memory_space<hbm>>
        %dma_wait3A_47 = arith.constant 0 : i32
        %dma_wait3A_48 = tpu.memref_slice %arg2[%add3A_38, %dma_wait3A_47] : memref<1250x128xi32, #tpu.memory_space<hbm>> -> memref<1x128xi32, #tpu.memory_space<hbm>>
        %dma_wait3A_49 = tpu.memref_squeeze %dma_wait3A_48 : memref<1x128xi32, #tpu.memory_space<hbm>> -> memref<128xi32, #tpu.memory_space<hbm>>
        tpu.wait_dma2 semaphore(%run_scoped3A : memref<!tpu.dma_semaphore, #tpu.memory_space<semaphore_mem>>) src(%dma_wait3A_49 : memref<128xi32, #tpu.memory_space<hbm>>) dst(%arg4 : memref<128xi32, #tpu.memory_space<vmem>>)
        tpu.yield
      }) : () -> ()
      "tpu.region"() ({
        %run_scoped3A = tpu.sem_alloc : memref<!tpu.dma_semaphore, #tpu.memory_space<semaphore_mem>>
        %dma_start3A = arith.constant 0 : i32
        %dma_start3A_40 = tpu.memref_slice %arg7[%dma_start3A] : memref<10240xf32, #tpu.memory_space<vmem_shared>> -> memref<10240xf32, #tpu.memory_space<vmem_shared>>
        tpu.enqueue_indirect_dma source(%arg5 : memref<128xf32, #tpu.memory_space<vmem>>) target(%dma_start3A_40 : memref<10240xf32, #tpu.memory_space<vmem_shared>>) offsets(%arg4 : memref<128xi32, #tpu.memory_space<vmem>>) semaphore(%run_scoped3A : memref<!tpu.dma_semaphore, #tpu.memory_space<semaphore_mem>>) {add = true}
        %dma_wait3A = arith.constant 0 : i32
        %dma_wait3A_41 = tpu.memref_slice %arg7[%dma_wait3A] : memref<10240xf32, #tpu.memory_space<vmem_shared>> -> memref<10240xf32, #tpu.memory_space<vmem_shared>>
        tpu.wait_indirect_dma semaphore(%run_scoped3A : memref<!tpu.dma_semaphore, #tpu.memory_space<semaphore_mem>>) src(%arg5 : memref<128xf32, #tpu.memory_space<vmem>>) dst(%dma_wait3A_41 : memref<10240xf32, #tpu.memory_space<vmem_shared>>)
        tpu.yield
      }) : () -> ()
      %while3A_39 = arith.constant 0 : i32
      scf.yield %while3A_39 : i32
    }
    %while3A_27 = arith.constant 1 : i32
    %while3A_28 = scf.for %while3A_34 = %while3A_24 to %while3A_20 step %while3A_27 iter_args(%while3A_35 = %while3A_26) -> (i32)  : i32 {
      %mul3A_36 = arith.constant 32 : i32
      %mul3A_37 = arith.muli %mul3A_36, %while3A_34 : i32
      %add3A_38 = arith.addi %add3A, %mul3A_37 : i32
      "tpu.region"() ({
        %run_scoped3A = tpu.sem_alloc : memref<!tpu.dma_semaphore, #tpu.memory_space<semaphore_mem>>
        %dma_start3A = arith.constant 0 : i32
        %dma_start3A_40 = tpu.memref_slice %arg2[%add3A_38, %dma_start3A] : memref<1250x128xi32, #tpu.memory_space<hbm>> -> memref<1x128xi32, #tpu.memory_space<hbm>>
        %dma_start3A_41 = tpu.memref_squeeze %dma_start3A_40 : memref<1x128xi32, #tpu.memory_space<hbm>> -> memref<128xi32, #tpu.memory_space<hbm>>
        %dma_start3A_42 = arith.constant 0 : i32
        %dma_start3A_43 = tpu.memref_slice %arg2[%add3A_38, %dma_start3A_42] : memref<1250x128xi32, #tpu.memory_space<hbm>> -> memref<1x128xi32, #tpu.memory_space<hbm>>
        %dma_start3A_44 = tpu.memref_squeeze %dma_start3A_43 : memref<1x128xi32, #tpu.memory_space<hbm>> -> memref<128xi32, #tpu.memory_space<hbm>>
        tpu.enqueue_dma source(%dma_start3A_44 : memref<128xi32, #tpu.memory_space<hbm>>) target(%arg4 : memref<128xi32, #tpu.memory_space<vmem>>) target_semaphore(%run_scoped3A : memref<!tpu.dma_semaphore, #tpu.memory_space<semaphore_mem>>)
        %dma_wait3A = arith.constant 0 : i32
        %dma_wait3A_45 = tpu.memref_slice %arg2[%add3A_38, %dma_wait3A] : memref<1250x128xi32, #tpu.memory_space<hbm>> -> memref<1x128xi32, #tpu.memory_space<hbm>>
        %dma_wait3A_46 = tpu.memref_squeeze %dma_wait3A_45 : memref<1x128xi32, #tpu.memory_space<hbm>> -> memref<128xi32, #tpu.memory_space<hbm>>
        %dma_wait3A_47 = arith.constant 0 : i32
        %dma_wait3A_48 = tpu.memref_slice %arg2[%add3A_38, %dma_wait3A_47] : memref<1250x128xi32, #tpu.memory_space<hbm>> -> memref<1x128xi32, #tpu.memory_space<hbm>>
        %dma_wait3A_49 = tpu.memref_squeeze %dma_wait3A_48 : memref<1x128xi32, #tpu.memory_space<hbm>> -> memref<128xi32, #tpu.memory_space<hbm>>
        tpu.wait_dma2 semaphore(%run_scoped3A : memref<!tpu.dma_semaphore, #tpu.memory_space<semaphore_mem>>) src(%dma_wait3A_49 : memref<128xi32, #tpu.memory_space<hbm>>) dst(%arg4 : memref<128xi32, #tpu.memory_space<vmem>>)
        tpu.yield
      }) : () -> ()
      "tpu.region"() ({
        %run_scoped3A = tpu.sem_alloc : memref<!tpu.dma_semaphore, #tpu.memory_space<semaphore_mem>>
        %dma_start3A = arith.constant 0 : i32
        %dma_start3A_40 = tpu.memref_slice %arg7[%dma_start3A] : memref<10240xf32, #tpu.memory_space<vmem_shared>> -> memref<10240xf32, #tpu.memory_space<vmem_shared>>
        tpu.enqueue_indirect_dma source(%arg5 : memref<128xf32, #tpu.memory_space<vmem>>) target(%dma_start3A_40 : memref<10240xf32, #tpu.memory_space<vmem_shared>>) offsets(%arg4 : memref<128xi32, #tpu.memory_space<vmem>>) semaphore(%run_scoped3A : memref<!tpu.dma_semaphore, #tpu.memory_space<semaphore_mem>>) {add = true}
        %dma_wait3A = arith.constant 0 : i32
        %dma_wait3A_41 = tpu.memref_slice %arg7[%dma_wait3A] : memref<10240xf32, #tpu.memory_space<vmem_shared>> -> memref<10240xf32, #tpu.memory_space<vmem_shared>>
        tpu.wait_indirect_dma semaphore(%run_scoped3A : memref<!tpu.dma_semaphore, #tpu.memory_space<semaphore_mem>>) src(%arg5 : memref<128xf32, #tpu.memory_space<vmem>>) dst(%dma_wait3A_41 : memref<10240xf32, #tpu.memory_space<vmem_shared>>)
        tpu.yield
      }) : () -> ()
      %while3A_39 = arith.constant 0 : i32
      scf.yield %while3A_39 : i32
    }
    %barrier3A_29 = arith.constant 0 : index
    tpu.barrier barrier_id(%barrier3A_29)
    %mul3A_30 = arith.constant 640 : i32
    %mul3A_31 = arith.muli %arg1, %mul3A_30 : i32
    %mul3A_32 = arith.constant 640 : i32
    %mul3A_33 = arith.muli %arg1, %mul3A_32 : i32
    "tpu.region"() ({
      %run_scoped3A = tpu.sem_alloc : memref<!tpu.dma_semaphore, #tpu.memory_space<semaphore_mem>>
      %dma_start3A = tpu.memref_slice %arg3[%arg0, %mul3A_33] : memref<2x10240xf32, #tpu.memory_space<hbm>> -> memref<1x640xf32, #tpu.memory_space<hbm>>
      %dma_start3A_34 = tpu.memref_squeeze %dma_start3A : memref<1x640xf32, #tpu.memory_space<hbm>> -> memref<640xf32, #tpu.memory_space<hbm>>
      %dma_start3A_35 = tpu.memref_slice %arg7[%mul3A_31] : memref<10240xf32, #tpu.memory_space<vmem_shared>> -> memref<640xf32, #tpu.memory_space<vmem_shared>>
      tpu.enqueue_dma source(%dma_start3A_35 : memref<640xf32, #tpu.memory_space<vmem_shared>>) target(%dma_start3A_34 : memref<640xf32, #tpu.memory_space<hbm>>) target_semaphore(%run_scoped3A : memref<!tpu.dma_semaphore, #tpu.memory_space<semaphore_mem>>)
      %dma_wait3A = tpu.memref_slice %arg3[%arg0, %mul3A_33] : memref<2x10240xf32, #tpu.memory_space<hbm>> -> memref<1x640xf32, #tpu.memory_space<hbm>>
      %dma_wait3A_36 = tpu.memref_squeeze %dma_wait3A : memref<1x640xf32, #tpu.memory_space<hbm>> -> memref<640xf32, #tpu.memory_space<hbm>>
      %dma_wait3A_37 = tpu.memref_slice %arg7[%mul3A_31] : memref<10240xf32, #tpu.memory_space<vmem_shared>> -> memref<640xf32, #tpu.memory_space<vmem_shared>>
      tpu.wait_dma2 semaphore(%run_scoped3A : memref<!tpu.dma_semaphore, #tpu.memory_space<semaphore_mem>>) src(%dma_wait3A_37 : memref<640xf32, #tpu.memory_space<vmem_shared>>) dst(%dma_wait3A_36 : memref<640xf32, #tpu.memory_space<hbm>>)
      tpu.yield
    }) : () -> ()
    return
  }
}

#map = affine_map<(d0, d1) -> (0, 0)>
#map1 = affine_map<(d0, d1) -> (0, 0, 0)>
#map2 = affine_map<(d0, d1) -> (0, 0, 0, 0)>
module attributes {stable_mosaic.version = 14 : i64} {
  func.func @_agg_kernel(%arg0: i32, %arg1: i32, %arg2: memref<240000x128xf32, #tpu.memory_space<hbm>>, %arg3: memref<2500x2x64xi32, #tpu.memory_space<hbm>>, %arg4: memref<128x128xf32, #tpu.memory_space<hbm>>, %arg5: memref<2x12x10240x128xf32, #tpu.memory_space<hbm>>, %arg6: memref<2x64xi32, #tpu.memory_space<vmem>>, %arg7: memref<2x64xi32, #tpu.memory_space<vmem>>, %arg8: memref<2x64xi32, #tpu.memory_space<vmem>>, %arg9: memref<64xi32, #tpu.memory_space<vmem>>, %arg10: memref<64xi32, #tpu.memory_space<vmem>>, %arg11: memref<64xi32, #tpu.memory_space<vmem>>, %arg12: memref<64xi32, #tpu.memory_space<vmem>>, %arg13: memref<64xi32, #tpu.memory_space<vmem>>, %arg14: memref<64xi32, #tpu.memory_space<vmem>>, %arg15: memref<64x128xf32, #tpu.memory_space<vmem>>, %arg16: memref<64x128xf32, #tpu.memory_space<vmem>>, %arg17: memref<64x128xf32, #tpu.memory_space<vmem>>, %arg18: memref<10240x128xf32, #tpu.memory_space<vmem_shared>>, %arg19: memref<!tpu.dma_semaphore, #tpu.memory_space<semaphore_mem>>, %arg20: memref<!tpu.dma_semaphore, #tpu.memory_space<semaphore_mem>>, %arg21: memref<!tpu.dma_semaphore, #tpu.memory_space<semaphore_mem>>, %arg22: memref<!tpu.dma_semaphore, #tpu.memory_space<semaphore_mem>>, %arg23: memref<!tpu.dma_semaphore, #tpu.memory_space<semaphore_mem>>, %arg24: memref<!tpu.dma_semaphore, #tpu.memory_space<semaphore_mem>>) attributes {dimension_semantics = [#tpu.dimension_semantics<core_parallel>, #tpu.dimension_semantics<subcore_parallel>], iteration_bounds = array<i64: 2, 16>, scalar_prefetch = 0 : i64, scratch_operands = 19 : i64, tpu.core_type = #tpu.core_type<sc_vector_subcore>, window_params = [{transform_indices = #map}, {transform_indices = #map1}, {transform_indices = #map}, {transform_indices = #map2}]} {
    %mul3A = arith.constant 640 : i32
    %mul3A_0 = arith.muli %arg1, %mul3A : i32
    %add3A = arith.constant 0 : i32
    %add3A_1 = arith.addi %mul3A_0, %add3A : i32
    "tpu.region"() ({
      %run_scoped3A = tpu.sem_alloc : memref<!tpu.dma_semaphore, #tpu.memory_space<semaphore_mem>>
      %dma_start3A = arith.constant 0 : i32
      %dma_start3A_24 = tpu.memref_slice %arg18[%add3A_1, %dma_start3A] : memref<10240x128xf32, #tpu.memory_space<vmem_shared>> -> memref<128x128xf32, #tpu.memory_space<vmem_shared>>
      tpu.enqueue_dma source(%arg4 : memref<128x128xf32, #tpu.memory_space<hbm>>) target(%dma_start3A_24 : memref<128x128xf32, #tpu.memory_space<vmem_shared>>) target_semaphore(%run_scoped3A : memref<!tpu.dma_semaphore, #tpu.memory_space<semaphore_mem>>)
      %dma_wait3A = arith.constant 0 : i32
      %dma_wait3A_25 = tpu.memref_slice %arg18[%add3A_1, %dma_wait3A] : memref<10240x128xf32, #tpu.memory_space<vmem_shared>> -> memref<128x128xf32, #tpu.memory_space<vmem_shared>>
      tpu.wait_dma2 semaphore(%run_scoped3A : memref<!tpu.dma_semaphore, #tpu.memory_space<semaphore_mem>>) src(%arg4 : memref<128x128xf32, #tpu.memory_space<hbm>>) dst(%dma_wait3A_25 : memref<128x128xf32, #tpu.memory_space<vmem_shared>>)
      tpu.yield
    }) : () -> ()
    %mul3A_2 = arith.constant 640 : i32
    %mul3A_3 = arith.muli %arg1, %mul3A_2 : i32
    %add3A_4 = arith.constant 128 : i32
    %add3A_5 = arith.addi %mul3A_3, %add3A_4 : i32
    "tpu.region"() ({
      %run_scoped3A = tpu.sem_alloc : memref<!tpu.dma_semaphore, #tpu.memory_space<semaphore_mem>>
      %dma_start3A = arith.constant 0 : i32
      %dma_start3A_24 = tpu.memref_slice %arg18[%add3A_5, %dma_start3A] : memref<10240x128xf32, #tpu.memory_space<vmem_shared>> -> memref<128x128xf32, #tpu.memory_space<vmem_shared>>
      tpu.enqueue_dma source(%arg4 : memref<128x128xf32, #tpu.memory_space<hbm>>) target(%dma_start3A_24 : memref<128x128xf32, #tpu.memory_space<vmem_shared>>) target_semaphore(%run_scoped3A : memref<!tpu.dma_semaphore, #tpu.memory_space<semaphore_mem>>)
      %dma_wait3A = arith.constant 0 : i32
      %dma_wait3A_25 = tpu.memref_slice %arg18[%add3A_5, %dma_wait3A] : memref<10240x128xf32, #tpu.memory_space<vmem_shared>> -> memref<128x128xf32, #tpu.memory_space<vmem_shared>>
      tpu.wait_dma2 semaphore(%run_scoped3A : memref<!tpu.dma_semaphore, #tpu.memory_space<semaphore_mem>>) src(%arg4 : memref<128x128xf32, #tpu.memory_space<hbm>>) dst(%dma_wait3A_25 : memref<128x128xf32, #tpu.memory_space<vmem_shared>>)
      tpu.yield
    }) : () -> ()
    %mul3A_6 = arith.constant 640 : i32
    %mul3A_7 = arith.muli %arg1, %mul3A_6 : i32
    %add3A_8 = arith.constant 256 : i32
    %add3A_9 = arith.addi %mul3A_7, %add3A_8 : i32
    "tpu.region"() ({
      %run_scoped3A = tpu.sem_alloc : memref<!tpu.dma_semaphore, #tpu.memory_space<semaphore_mem>>
      %dma_start3A = arith.constant 0 : i32
      %dma_start3A_24 = tpu.memref_slice %arg18[%add3A_9, %dma_start3A] : memref<10240x128xf32, #tpu.memory_space<vmem_shared>> -> memref<128x128xf32, #tpu.memory_space<vmem_shared>>
      tpu.enqueue_dma source(%arg4 : memref<128x128xf32, #tpu.memory_space<hbm>>) target(%dma_start3A_24 : memref<128x128xf32, #tpu.memory_space<vmem_shared>>) target_semaphore(%run_scoped3A : memref<!tpu.dma_semaphore, #tpu.memory_space<semaphore_mem>>)
      %dma_wait3A = arith.constant 0 : i32
      %dma_wait3A_25 = tpu.memref_slice %arg18[%add3A_9, %dma_wait3A] : memref<10240x128xf32, #tpu.memory_space<vmem_shared>> -> memref<128x128xf32, #tpu.memory_space<vmem_shared>>
      tpu.wait_dma2 semaphore(%run_scoped3A : memref<!tpu.dma_semaphore, #tpu.memory_space<semaphore_mem>>) src(%arg4 : memref<128x128xf32, #tpu.memory_space<hbm>>) dst(%dma_wait3A_25 : memref<128x128xf32, #tpu.memory_space<vmem_shared>>)
      tpu.yield
    }) : () -> ()
    %mul3A_10 = arith.constant 640 : i32
    %mul3A_11 = arith.muli %arg1, %mul3A_10 : i32
    %add3A_12 = arith.constant 384 : i32
    %add3A_13 = arith.addi %mul3A_11, %add3A_12 : i32
    "tpu.region"() ({
      %run_scoped3A = tpu.sem_alloc : memref<!tpu.dma_semaphore, #tpu.memory_space<semaphore_mem>>
      %dma_start3A = arith.constant 0 : i32
      %dma_start3A_24 = tpu.memref_slice %arg18[%add3A_13, %dma_start3A] : memref<10240x128xf32, #tpu.memory_space<vmem_shared>> -> memref<128x128xf32, #tpu.memory_space<vmem_shared>>
      tpu.enqueue_dma source(%arg4 : memref<128x128xf32, #tpu.memory_space<hbm>>) target(%dma_start3A_24 : memref<128x128xf32, #tpu.memory_space<vmem_shared>>) target_semaphore(%run_scoped3A : memref<!tpu.dma_semaphore, #tpu.memory_space<semaphore_mem>>)
      %dma_wait3A = arith.constant 0 : i32
      %dma_wait3A_25 = tpu.memref_slice %arg18[%add3A_13, %dma_wait3A] : memref<10240x128xf32, #tpu.memory_space<vmem_shared>> -> memref<128x128xf32, #tpu.memory_space<vmem_shared>>
      tpu.wait_dma2 semaphore(%run_scoped3A : memref<!tpu.dma_semaphore, #tpu.memory_space<semaphore_mem>>) src(%arg4 : memref<128x128xf32, #tpu.memory_space<hbm>>) dst(%dma_wait3A_25 : memref<128x128xf32, #tpu.memory_space<vmem_shared>>)
      tpu.yield
    }) : () -> ()
    %mul3A_14 = arith.constant 640 : i32
    %mul3A_15 = arith.muli %arg1, %mul3A_14 : i32
    %add3A_16 = arith.constant 512 : i32
    %add3A_17 = arith.addi %mul3A_15, %add3A_16 : i32
    "tpu.region"() ({
      %run_scoped3A = tpu.sem_alloc : memref<!tpu.dma_semaphore, #tpu.memory_space<semaphore_mem>>
      %dma_start3A = arith.constant 0 : i32
      %dma_start3A_24 = tpu.memref_slice %arg18[%add3A_17, %dma_start3A] : memref<10240x128xf32, #tpu.memory_space<vmem_shared>> -> memref<128x128xf32, #tpu.memory_space<vmem_shared>>
      tpu.enqueue_dma source(%arg4 : memref<128x128xf32, #tpu.memory_space<hbm>>) target(%dma_start3A_24 : memref<128x128xf32, #tpu.memory_space<vmem_shared>>) target_semaphore(%run_scoped3A : memref<!tpu.dma_semaphore, #tpu.memory_space<semaphore_mem>>)
      %dma_wait3A = arith.constant 0 : i32
      %dma_wait3A_25 = tpu.memref_slice %arg18[%add3A_17, %dma_wait3A] : memref<10240x128xf32, #tpu.memory_space<vmem_shared>> -> memref<128x128xf32, #tpu.memory_space<vmem_shared>>
      tpu.wait_dma2 semaphore(%run_scoped3A : memref<!tpu.dma_semaphore, #tpu.memory_space<semaphore_mem>>) src(%arg4 : memref<128x128xf32, #tpu.memory_space<hbm>>) dst(%dma_wait3A_25 : memref<128x128xf32, #tpu.memory_space<vmem_shared>>)
      tpu.yield
    }) : () -> ()
    %barrier3A = arith.constant 0 : index
    tpu.barrier barrier_id(%barrier3A)
    %scan3A = arith.constant 0 : i32
    %scan3A_18 = arith.constant 0 : i32
    %scan3A_19 = arith.constant 12 : i32
    %scan3A_20 = arith.addi %scan3A_18, %scan3A_19 : i32
    %scan3A_21 = arith.constant 1 : i32
    %scan3A_22 = scf.for %scan3A_24 = %scan3A_18 to %scan3A_20 step %scan3A_21 iter_args(%scan3A_25 = %scan3A) -> (i32)  : i32 {
      %mul3A_26 = arith.constant 12 : i32
      %mul3A_27 = arith.muli %arg0, %mul3A_26 : i32
      %add3A_28 = arith.addi %mul3A_27, %scan3A_24 : i32
      %mul3A_29 = arith.constant 10000 : i32
      %mul3A_30 = arith.muli %add3A_28, %mul3A_29 : i32
      %add3A_31 = arith.constant 0 : i32
      %add3A_32 = arith.addi %arg1, %add3A_31 : i32
      "tpu.region"() ({
        %run_scoped3A = tpu.sem_alloc : memref<!tpu.dma_semaphore, #tpu.memory_space<semaphore_mem>>
        %dma_start3A_349 = arith.constant 0 : i32
        %dma_start3A_350 = arith.constant 0 : i32
        %dma_start3A_351 = tpu.memref_slice %arg3[%add3A_32, %dma_start3A_349, %dma_start3A_350] : memref<2500x2x64xi32, #tpu.memory_space<hbm>> -> memref<1x2x64xi32, #tpu.memory_space<hbm>>
        %dma_start3A_352 = tpu.memref_squeeze %dma_start3A_351 : memref<1x2x64xi32, #tpu.memory_space<hbm>> -> memref<2x64xi32, #tpu.memory_space<hbm>>
        %dma_start3A_353 = arith.constant 0 : i32
        %dma_start3A_354 = arith.constant 0 : i32
        %dma_start3A_355 = tpu.memref_slice %arg3[%add3A_32, %dma_start3A_353, %dma_start3A_354] : memref<2500x2x64xi32, #tpu.memory_space<hbm>> -> memref<1x2x64xi32, #tpu.memory_space<hbm>>
        %dma_start3A_356 = tpu.memref_squeeze %dma_start3A_355 : memref<1x2x64xi32, #tpu.memory_space<hbm>> -> memref<2x64xi32, #tpu.memory_space<hbm>>
        tpu.enqueue_dma source(%dma_start3A_356 : memref<2x64xi32, #tpu.memory_space<hbm>>) target(%arg6 : memref<2x64xi32, #tpu.memory_space<vmem>>) target_semaphore(%run_scoped3A : memref<!tpu.dma_semaphore, #tpu.memory_space<semaphore_mem>>)
        %dma_wait3A = arith.constant 0 : i32
        %dma_wait3A_357 = arith.constant 0 : i32
        %dma_wait3A_358 = tpu.memref_slice %arg3[%add3A_32, %dma_wait3A, %dma_wait3A_357] : memref<2500x2x64xi32, #tpu.memory_space<hbm>> -> memref<1x2x64xi32, #tpu.memory_space<hbm>>
        %dma_wait3A_359 = tpu.memref_squeeze %dma_wait3A_358 : memref<1x2x64xi32, #tpu.memory_space<hbm>> -> memref<2x64xi32, #tpu.memory_space<hbm>>
        %dma_wait3A_360 = arith.constant 0 : i32
        %dma_wait3A_361 = arith.constant 0 : i32
        %dma_wait3A_362 = tpu.memref_slice %arg3[%add3A_32, %dma_wait3A_360, %dma_wait3A_361] : memref<2500x2x64xi32, #tpu.memory_space<hbm>> -> memref<1x2x64xi32, #tpu.memory_space<hbm>>
        %dma_wait3A_363 = tpu.memref_squeeze %dma_wait3A_362 : memref<1x2x64xi32, #tpu.memory_space<hbm>> -> memref<2x64xi32, #tpu.memory_space<hbm>>
        tpu.wait_dma2 semaphore(%run_scoped3A : memref<!tpu.dma_semaphore, #tpu.memory_space<semaphore_mem>>) src(%dma_wait3A_363 : memref<2x64xi32, #tpu.memory_space<hbm>>) dst(%arg6 : memref<2x64xi32, #tpu.memory_space<vmem>>)
        tpu.yield
      }) : () -> ()
      %get3A = arith.constant 0 : i32
      %get3A_33 = arith.index_cast %get3A : i32 to index
      %get3A_34 = arith.constant 0 : index
      %get3A_35 = tpu.vector_load %arg6[%get3A_33, %get3A_34] {strides = array<i32>} : memref<2x64xi32, #tpu.memory_space<vmem>>, vector<1x16xi32>,
      %get3A_36 = vector.shape_cast %get3A_35 : vector<1x16xi32> to vector<16xi32>
      %add3A_37 = vector.broadcast %mul3A_30 : i32 to vector<16xi32>
      %add3A_38 = arith.addi %get3A_36, %add3A_37 : vector<16xi32>
      %swap3A = arith.constant 0 : index
      %swap3A_39 = tpu.vector_load %arg9[%swap3A] {strides = array<i32>} : memref<64xi32, #tpu.memory_space<vmem>>, vector<16xi32>,
      %swap3A_40 = vector.shape_cast %swap3A_39 : vector<16xi32> to vector<16xi32>
      %swap3A_41 = vector.shape_cast %add3A_38 : vector<16xi32> to vector<16xi32>
      tpu.vector_store %arg9[%swap3A], %swap3A_41 {strides = array<i32>} : memref<64xi32, #tpu.memory_space<vmem>>, vector<16xi32>,
      %get3A_42 = arith.constant 1 : i32
      %get3A_43 = arith.index_cast %get3A_42 : i32 to index
      %get3A_44 = arith.constant 0 : index
      %get3A_45 = tpu.vector_load %arg6[%get3A_43, %get3A_44] {strides = array<i32>} : memref<2x64xi32, #tpu.memory_space<vmem>>, vector<1x16xi32>,
      %get3A_46 = vector.shape_cast %get3A_45 : vector<1x16xi32> to vector<16xi32>
      %swap3A_47 = arith.constant 0 : index
      %swap3A_48 = tpu.vector_load %arg12[%swap3A_47] {strides = array<i32>} : memref<64xi32, #tpu.memory_space<vmem>>, vector<16xi32>,
      %swap3A_49 = vector.shape_cast %swap3A_48 : vector<16xi32> to vector<16xi32>
      %swap3A_50 = vector.shape_cast %get3A_46 : vector<16xi32> to vector<16xi32>
      tpu.vector_store %arg12[%swap3A_47], %swap3A_50 {strides = array<i32>} : memref<64xi32, #tpu.memory_space<vmem>>, vector<16xi32>,
      %get3A_51 = arith.constant 0 : i32
      %get3A_52 = arith.index_cast %get3A_51 : i32 to index
      %get3A_53 = arith.constant 16 : index
      %get3A_54 = tpu.vector_load %arg6[%get3A_52, %get3A_53] {strides = array<i32>} : memref<2x64xi32, #tpu.memory_space<vmem>>, vector<1x16xi32>,
      %get3A_55 = vector.shape_cast %get3A_54 : vector<1x16xi32> to vector<16xi32>
      %add3A_56 = vector.broadcast %mul3A_30 : i32 to vector<16xi32>
      %add3A_57 = arith.addi %get3A_55, %add3A_56 : vector<16xi32>
      %swap3A_58 = arith.constant 16 : index
      %swap3A_59 = tpu.vector_load %arg9[%swap3A_58] {strides = array<i32>} : memref<64xi32, #tpu.memory_space<vmem>>, vector<16xi32>,
      %swap3A_60 = vector.shape_cast %swap3A_59 : vector<16xi32> to vector<16xi32>
      %swap3A_61 = vector.shape_cast %add3A_57 : vector<16xi32> to vector<16xi32>
      tpu.vector_store %arg9[%swap3A_58], %swap3A_61 {strides = array<i32>} : memref<64xi32, #tpu.memory_space<vmem>>, vector<16xi32>,
      %get3A_62 = arith.constant 1 : i32
      %get3A_63 = arith.index_cast %get3A_62 : i32 to index
      %get3A_64 = arith.constant 16 : index
      %get3A_65 = tpu.vector_load %arg6[%get3A_63, %get3A_64] {strides = array<i32>} : memref<2x64xi32, #tpu.memory_space<vmem>>, vector<1x16xi32>,
      %get3A_66 = vector.shape_cast %get3A_65 : vector<1x16xi32> to vector<16xi32>
      %swap3A_67 = arith.constant 16 : index
      %swap3A_68 = tpu.vector_load %arg12[%swap3A_67] {strides = array<i32>} : memref<64xi32, #tpu.memory_space<vmem>>, vector<16xi32>,
      %swap3A_69 = vector.shape_cast %swap3A_68 : vector<16xi32> to vector<16xi32>
      %swap3A_70 = vector.shape_cast %get3A_66 : vector<16xi32> to vector<16xi32>
      tpu.vector_store %arg12[%swap3A_67], %swap3A_70 {strides = array<i32>} : memref<64xi32, #tpu.memory_space<vmem>>, vector<16xi32>,
      %get3A_71 = arith.constant 0 : i32
      %get3A_72 = arith.index_cast %get3A_71 : i32 to index
      %get3A_73 = arith.constant 32 : index
      %get3A_74 = tpu.vector_load %arg6[%get3A_72, %get3A_73] {strides = array<i32>} : memref<2x64xi32, #tpu.memory_space<vmem>>, vector<1x16xi32>,
      %get3A_75 = vector.shape_cast %get3A_74 : vector<1x16xi32> to vector<16xi32>
      %add3A_76 = vector.broadcast %mul3A_30 : i32 to vector<16xi32>
      %add3A_77 = arith.addi %get3A_75, %add3A_76 : vector<16xi32>
      %swap3A_78 = arith.constant 32 : index
      %swap3A_79 = tpu.vector_load %arg9[%swap3A_78] {strides = array<i32>} : memref<64xi32, #tpu.memory_space<vmem>>, vector<16xi32>,
      %swap3A_80 = vector.shape_cast %swap3A_79 : vector<16xi32> to vector<16xi32>
      %swap3A_81 = vector.shape_cast %add3A_77 : vector<16xi32> to vector<16xi32>
      tpu.vector_store %arg9[%swap3A_78], %swap3A_81 {strides = array<i32>} : memref<64xi32, #tpu.memory_space<vmem>>, vector<16xi32>,
      %get3A_82 = arith.constant 1 : i32
      %get3A_83 = arith.index_cast %get3A_82 : i32 to index
      %get3A_84 = arith.constant 32 : index
      %get3A_85 = tpu.vector_load %arg6[%get3A_83, %get3A_84] {strides = array<i32>} : memref<2x64xi32, #tpu.memory_space<vmem>>, vector<1x16xi32>,
      %get3A_86 = vector.shape_cast %get3A_85 : vector<1x16xi32> to vector<16xi32>
      %swap3A_87 = arith.constant 32 : index
      %swap3A_88 = tpu.vector_load %arg12[%swap3A_87] {strides = array<i32>} : memref<64xi32, #tpu.memory_space<vmem>>, vector<16xi32>,
      %swap3A_89 = vector.shape_cast %swap3A_88 : vector<16xi32> to vector<16xi32>
      %swap3A_90 = vector.shape_cast %get3A_86 : vector<16xi32> to vector<16xi32>
      tpu.vector_store %arg12[%swap3A_87], %swap3A_90 {strides = array<i32>} : memref<64xi32, #tpu.memory_space<vmem>>, vector<16xi32>,
      %get3A_91 = arith.constant 0 : i32
      %get3A_92 = arith.index_cast %get3A_91 : i32 to index
      %get3A_93 = arith.constant 48 : index
      %get3A_94 = tpu.vector_load %arg6[%get3A_92, %get3A_93] {strides = array<i32>} : memref<2x64xi32, #tpu.memory_space<vmem>>, vector<1x16xi32>,
      %get3A_95 = vector.shape_cast %get3A_94 : vector<1x16xi32> to vector<16xi32>
      %add3A_96 = vector.broadcast %mul3A_30 : i32 to vector<16xi32>
      %add3A_97 = arith.addi %get3A_95, %add3A_96 : vector<16xi32>
      %swap3A_98 = arith.constant 48 : index
      %swap3A_99 = tpu.vector_load %arg9[%swap3A_98] {strides = array<i32>} : memref<64xi32, #tpu.memory_space<vmem>>, vector<16xi32>,
      %swap3A_100 = vector.shape_cast %swap3A_99 : vector<16xi32> to vector<16xi32>
      %swap3A_101 = vector.shape_cast %add3A_97 : vector<16xi32> to vector<16xi32>
      tpu.vector_store %arg9[%swap3A_98], %swap3A_101 {strides = array<i32>} : memref<64xi32, #tpu.memory_space<vmem>>, vector<16xi32>,
      %get3A_102 = arith.constant 1 : i32
      %get3A_103 = arith.index_cast %get3A_102 : i32 to index
      %get3A_104 = arith.constant 48 : index
      %get3A_105 = tpu.vector_load %arg6[%get3A_103, %get3A_104] {strides = array<i32>} : memref<2x64xi32, #tpu.memory_space<vmem>>, vector<1x16xi32>,
      %get3A_106 = vector.shape_cast %get3A_105 : vector<1x16xi32> to vector<16xi32>
      %swap3A_107 = arith.constant 48 : index
      %swap3A_108 = tpu.vector_load %arg12[%swap3A_107] {strides = array<i32>} : memref<64xi32, #tpu.memory_space<vmem>>, vector<16xi32>,
      %swap3A_109 = vector.shape_cast %swap3A_108 : vector<16xi32> to vector<16xi32>
      %swap3A_110 = vector.shape_cast %get3A_106 : vector<16xi32> to vector<16xi32>
      tpu.vector_store %arg12[%swap3A_107], %swap3A_110 {strides = array<i32>} : memref<64xi32, #tpu.memory_space<vmem>>, vector<16xi32>,
      %dma_start3A = arith.constant 0 : i32
      %dma_start3A_111 = arith.constant 0 : i32
      %dma_start3A_112 = tpu.memref_slice %arg2[%dma_start3A, %dma_start3A_111] : memref<240000x128xf32, #tpu.memory_space<hbm>> -> memref<240000x128xf32, #tpu.memory_space<hbm>>
      tpu.enqueue_indirect_dma source(%dma_start3A_112 : memref<240000x128xf32, #tpu.memory_space<hbm>>) target(%arg15 : memref<64x128xf32, #tpu.memory_space<vmem>>) offsets(%arg9 : memref<64xi32, #tpu.memory_space<vmem>>) semaphore(%arg19 : memref<!tpu.dma_semaphore, #tpu.memory_space<semaphore_mem>>)
      %add3A_113 = arith.constant 48 : i32
      %add3A_114 = arith.addi %arg1, %add3A_113 : i32
      %dma_start3A_115 = arith.constant 0 : i32
      %dma_start3A_116 = arith.constant 0 : i32
      %dma_start3A_117 = tpu.memref_slice %arg3[%add3A_114, %dma_start3A_115, %dma_start3A_116] : memref<2500x2x64xi32, #tpu.memory_space<hbm>> -> memref<1x2x64xi32, #tpu.memory_space<hbm>>
      %dma_start3A_118 = tpu.memref_squeeze %dma_start3A_117 : memref<1x2x64xi32, #tpu.memory_space<hbm>> -> memref<2x64xi32, #tpu.memory_space<hbm>>
      %dma_start3A_119 = arith.constant 0 : i32
      %dma_start3A_120 = arith.constant 0 : i32
      %dma_start3A_121 = tpu.memref_slice %arg3[%add3A_114, %dma_start3A_119, %dma_start3A_120] : memref<2500x2x64xi32, #tpu.memory_space<hbm>> -> memref<1x2x64xi32, #tpu.memory_space<hbm>>
      %dma_start3A_122 = tpu.memref_squeeze %dma_start3A_121 : memref<1x2x64xi32, #tpu.memory_space<hbm>> -> memref<2x64xi32, #tpu.memory_space<hbm>>
      tpu.enqueue_dma source(%dma_start3A_122 : memref<2x64xi32, #tpu.memory_space<hbm>>) target(%arg6 : memref<2x64xi32, #tpu.memory_space<vmem>>) target_semaphore(%arg22 : memref<!tpu.dma_semaphore, #tpu.memory_space<semaphore_mem>>)
      %add3A_123 = arith.constant 16 : i32
      %add3A_124 = arith.addi %arg1, %add3A_123 : i32
      "tpu.region"() ({
        %run_scoped3A = tpu.sem_alloc : memref<!tpu.dma_semaphore, #tpu.memory_space<semaphore_mem>>
        %dma_start3A_349 = arith.constant 0 : i32
        %dma_start3A_350 = arith.constant 0 : i32
        %dma_start3A_351 = tpu.memref_slice %arg3[%add3A_124, %dma_start3A_349, %dma_start3A_350] : memref<2500x2x64xi32, #tpu.memory_space<hbm>> -> memref<1x2x64xi32, #tpu.memory_space<hbm>>
        %dma_start3A_352 = tpu.memref_squeeze %dma_start3A_351 : memref<1x2x64xi32, #tpu.memory_space<hbm>> -> memref<2x64xi32, #tpu.memory_space<hbm>>
        %dma_start3A_353 = arith.constant 0 : i32
        %dma_start3A_354 = arith.constant 0 : i32
        %dma_start3A_355 = tpu.memref_slice %arg3[%add3A_124, %dma_start3A_353, %dma_start3A_354] : memref<2500x2x64xi32, #tpu.memory_space<hbm>> -> memref<1x2x64xi32, #tpu.memory_space<hbm>>
        %dma_start3A_356 = tpu.memref_squeeze %dma_start3A_355 : memref<1x2x64xi32, #tpu.memory_space<hbm>> -> memref<2x64xi32, #tpu.memory_space<hbm>>
        tpu.enqueue_dma source(%dma_start3A_356 : memref<2x64xi32, #tpu.memory_space<hbm>>) target(%arg7 : memref<2x64xi32, #tpu.memory_space<vmem>>) target_semaphore(%run_scoped3A : memref<!tpu.dma_semaphore, #tpu.memory_space<semaphore_mem>>)
        %dma_wait3A = arith.constant 0 : i32
        %dma_wait3A_357 = arith.constant 0 : i32
        %dma_wait3A_358 = tpu.memref_slice %arg3[%add3A_124, %dma_wait3A, %dma_wait3A_357] : memref<2500x2x64xi32, #tpu.memory_space<hbm>> -> memref<1x2x64xi32, #tpu.memory_space<hbm>>
        %dma_wait3A_359 = tpu.memref_squeeze %dma_wait3A_358 : memref<1x2x64xi32, #tpu.memory_space<hbm>> -> memref<2x64xi32, #tpu.memory_space<hbm>>
        %dma_wait3A_360 = arith.constant 0 : i32
        %dma_wait3A_361 = arith.constant 0 : i32
        %dma_wait3A_362 = tpu.memref_slice %arg3[%add3A_124, %dma_wait3A_360, %dma_wait3A_361] : memref<2500x2x64xi32, #tpu.memory_space<hbm>> -> memref<1x2x64xi32, #tpu.memory_space<hbm>>
        %dma_wait3A_363 = tpu.memref_squeeze %dma_wait3A_362 : memref<1x2x64xi32, #tpu.memory_space<hbm>> -> memref<2x64xi32, #tpu.memory_space<hbm>>
        tpu.wait_dma2 semaphore(%run_scoped3A : memref<!tpu.dma_semaphore, #tpu.memory_space<semaphore_mem>>) src(%dma_wait3A_363 : memref<2x64xi32, #tpu.memory_space<hbm>>) dst(%arg7 : memref<2x64xi32, #tpu.memory_space<vmem>>)
        tpu.yield
      }) : () -> ()
      %get3A_125 = arith.constant 0 : i32
      %get3A_126 = arith.index_cast %get3A_125 : i32 to index
      %get3A_127 = arith.constant 0 : index
      %get3A_128 = tpu.vector_load %arg7[%get3A_126, %get3A_127] {strides = array<i32>} : memref<2x64xi32, #tpu.memory_space<vmem>>, vector<1x16xi32>,
      %get3A_129 = vector.shape_cast %get3A_128 : vector<1x16xi32> to vector<16xi32>
      %add3A_130 = vector.broadcast %mul3A_30 : i32 to vector<16xi32>
      %add3A_131 = arith.addi %get3A_129, %add3A_130 : vector<16xi32>
      %swap3A_132 = arith.constant 0 : index
      %swap3A_133 = tpu.vector_load %arg10[%swap3A_132] {strides = array<i32>} : memref<64xi32, #tpu.memory_space<vmem>>, vector<16xi32>,
      %swap3A_134 = vector.shape_cast %swap3A_133 : vector<16xi32> to vector<16xi32>
      %swap3A_135 = vector.shape_cast %add3A_131 : vector<16xi32> to vector<16xi32>
      tpu.vector_store %arg10[%swap3A_132], %swap3A_135 {strides = array<i32>} : memref<64xi32, #tpu.memory_space<vmem>>, vector<16xi32>,
      %get3A_136 = arith.constant 1 : i32
      %get3A_137 = arith.index_cast %get3A_136 : i32 to index
      %get3A_138 = arith.constant 0 : index
      %get3A_139 = tpu.vector_load %arg7[%get3A_137, %get3A_138] {strides = array<i32>} : memref<2x64xi32, #tpu.memory_space<vmem>>, vector<1x16xi32>,
      %get3A_140 = vector.shape_cast %get3A_139 : vector<1x16xi32> to vector<16xi32>
      %swap3A_141 = arith.constant 0 : index
      %swap3A_142 = tpu.vector_load %arg13[%swap3A_141] {strides = array<i32>} : memref<64xi32, #tpu.memory_space<vmem>>, vector<16xi32>,
      %swap3A_143 = vector.shape_cast %swap3A_142 : vector<16xi32> to vector<16xi32>
      %swap3A_144 = vector.shape_cast %get3A_140 : vector<16xi32> to vector<16xi32>
      tpu.vector_store %arg13[%swap3A_141], %swap3A_144 {strides = array<i32>} : memref<64xi32, #tpu.memory_space<vmem>>, vector<16xi32>,
      %get3A_145 = arith.constant 0 : i32
      %get3A_146 = arith.index_cast %get3A_145 : i32 to index
      %get3A_147 = arith.constant 16 : index
      %get3A_148 = tpu.vector_load %arg7[%get3A_146, %get3A_147] {strides = array<i32>} : memref<2x64xi32, #tpu.memory_space<vmem>>, vector<1x16xi32>,
      %get3A_149 = vector.shape_cast %get3A_148 : vector<1x16xi32> to vector<16xi32>
      %add3A_150 = vector.broadcast %mul3A_30 : i32 to vector<16xi32>
      %add3A_151 = arith.addi %get3A_149, %add3A_150 : vector<16xi32>
      %swap3A_152 = arith.constant 16 : index
      %swap3A_153 = tpu.vector_load %arg10[%swap3A_152] {strides = array<i32>} : memref<64xi32, #tpu.memory_space<vmem>>, vector<16xi32>,
      %swap3A_154 = vector.shape_cast %swap3A_153 : vector<16xi32> to vector<16xi32>
      %swap3A_155 = vector.shape_cast %add3A_151 : vector<16xi32> to vector<16xi32>
      tpu.vector_store %arg10[%swap3A_152], %swap3A_155 {strides = array<i32>} : memref<64xi32, #tpu.memory_space<vmem>>, vector<16xi32>,
      %get3A_156 = arith.constant 1 : i32
      %get3A_157 = arith.index_cast %get3A_156 : i32 to index
      %get3A_158 = arith.constant 16 : index
      %get3A_159 = tpu.vector_load %arg7[%get3A_157, %get3A_158] {strides = array<i32>} : memref<2x64xi32, #tpu.memory_space<vmem>>, vector<1x16xi32>,
      %get3A_160 = vector.shape_cast %get3A_159 : vector<1x16xi32> to vector<16xi32>
      %swap3A_161 = arith.constant 16 : index
      %swap3A_162 = tpu.vector_load %arg13[%swap3A_161] {strides = array<i32>} : memref<64xi32, #tpu.memory_space<vmem>>, vector<16xi32>,
      %swap3A_163 = vector.shape_cast %swap3A_162 : vector<16xi32> to vector<16xi32>
      %swap3A_164 = vector.shape_cast %get3A_160 : vector<16xi32> to vector<16xi32>
      tpu.vector_store %arg13[%swap3A_161], %swap3A_164 {strides = array<i32>} : memref<64xi32, #tpu.memory_space<vmem>>, vector<16xi32>,
      %get3A_165 = arith.constant 0 : i32
      %get3A_166 = arith.index_cast %get3A_165 : i32 to index
      %get3A_167 = arith.constant 32 : index
      %get3A_168 = tpu.vector_load %arg7[%get3A_166, %get3A_167] {strides = array<i32>} : memref<2x64xi32, #tpu.memory_space<vmem>>, vector<1x16xi32>,
      %get3A_169 = vector.shape_cast %get3A_168 : vector<1x16xi32> to vector<16xi32>
      %add3A_170 = vector.broadcast %mul3A_30 : i32 to vector<16xi32>
      %add3A_171 = arith.addi %get3A_169, %add3A_170 : vector<16xi32>
      %swap3A_172 = arith.constant 32 : index
      %swap3A_173 = tpu.vector_load %arg10[%swap3A_172] {strides = array<i32>} : memref<64xi32, #tpu.memory_space<vmem>>, vector<16xi32>,
      %swap3A_174 = vector.shape_cast %swap3A_173 : vector<16xi32> to vector<16xi32>
      %swap3A_175 = vector.shape_cast %add3A_171 : vector<16xi32> to vector<16xi32>
      tpu.vector_store %arg10[%swap3A_172], %swap3A_175 {strides = array<i32>} : memref<64xi32, #tpu.memory_space<vmem>>, vector<16xi32>,
      %get3A_176 = arith.constant 1 : i32
      %get3A_177 = arith.index_cast %get3A_176 : i32 to index
      %get3A_178 = arith.constant 32 : index
      %get3A_179 = tpu.vector_load %arg7[%get3A_177, %get3A_178] {strides = array<i32>} : memref<2x64xi32, #tpu.memory_space<vmem>>, vector<1x16xi32>,
      %get3A_180 = vector.shape_cast %get3A_179 : vector<1x16xi32> to vector<16xi32>
      %swap3A_181 = arith.constant 32 : index
      %swap3A_182 = tpu.vector_load %arg13[%swap3A_181] {strides = array<i32>} : memref<64xi32, #tpu.memory_space<vmem>>, vector<16xi32>,
      %swap3A_183 = vector.shape_cast %swap3A_182 : vector<16xi32> to vector<16xi32>
      %swap3A_184 = vector.shape_cast %get3A_180 : vector<16xi32> to vector<16xi32>
      tpu.vector_store %arg13[%swap3A_181], %swap3A_184 {strides = array<i32>} : memref<64xi32, #tpu.memory_space<vmem>>, vector<16xi32>,
      %get3A_185 = arith.constant 0 : i32
      %get3A_186 = arith.index_cast %get3A_185 : i32 to index
      %get3A_187 = arith.constant 48 : index
      %get3A_188 = tpu.vector_load %arg7[%get3A_186, %get3A_187] {strides = array<i32>} : memref<2x64xi32, #tpu.memory_space<vmem>>, vector<1x16xi32>,
      %get3A_189 = vector.shape_cast %get3A_188 : vector<1x16xi32> to vector<16xi32>
      %add3A_190 = vector.broadcast %mul3A_30 : i32 to vector<16xi32>
      %add3A_191 = arith.addi %get3A_189, %add3A_190 : vector<16xi32>
      %swap3A_192 = arith.constant 48 : index
      %swap3A_193 = tpu.vector_load %arg10[%swap3A_192] {strides = array<i32>} : memref<64xi32, #tpu.memory_space<vmem>>, vector<16xi32>,
      %swap3A_194 = vector.shape_cast %swap3A_193 : vector<16xi32> to vector<16xi32>
      %swap3A_195 = vector.shape_cast %add3A_191 : vector<16xi32> to vector<16xi32>
      tpu.vector_store %arg10[%swap3A_192], %swap3A_195 {strides = array<i32>} : memref<64xi32, #tpu.memory_space<vmem>>, vector<16xi32>,
      %get3A_196 = arith.constant 1 : i32
      %get3A_197 = arith.index_cast %get3A_196 : i32 to index
      %get3A_198 = arith.constant 48 : index
      %get3A_199 = tpu.vector_load %arg7[%get3A_197, %get3A_198] {strides = array<i32>} : memref<2x64xi32, #tpu.memory_space<vmem>>, vector<1x16xi32>,
      %get3A_200 = vector.shape_cast %get3A_199 : vector<1x16xi32> to vector<16xi32>
      %swap3A_201 = arith.constant 48 : index
      %swap3A_202 = tpu.vector_load %arg13[%swap3A_201] {strides = array<i32>} : memref<64xi32, #tpu.memory_space<vmem>>, vector<16xi32>,
      %swap3A_203 = vector.shape_cast %swap3A_202 : vector<16xi32> to vector<16xi32>
      %swap3A_204 = vector.shape_cast %get3A_200 : vector<16xi32> to vector<16xi32>
      tpu.vector_store %arg13[%swap3A_201], %swap3A_204 {strides = array<i32>} : memref<64xi32, #tpu.memory_space<vmem>>, vector<16xi32>,
      %dma_start3A_205 = arith.constant 0 : i32
      %dma_start3A_206 = arith.constant 0 : i32
      %dma_start3A_207 = tpu.memref_slice %arg2[%dma_start3A_205, %dma_start3A_206] : memref<240000x128xf32, #tpu.memory_space<hbm>> -> memref<240000x128xf32, #tpu.memory_space<hbm>>
      tpu.enqueue_indirect_dma source(%dma_start3A_207 : memref<240000x128xf32, #tpu.memory_space<hbm>>) target(%arg16 : memref<64x128xf32, #tpu.memory_space<vmem>>) offsets(%arg10 : memref<64xi32, #tpu.memory_space<vmem>>) semaphore(%arg20 : memref<!tpu.dma_semaphore, #tpu.memory_space<semaphore_mem>>)
      %add3A_208 = arith.constant 64 : i32
      %add3A_209 = arith.addi %arg1, %add3A_208 : i32
      %dma_start3A_210 = arith.constant 0 : i32
      %dma_start3A_211 = arith.constant 0 : i32
      %dma_start3A_212 = tpu.memref_slice %arg3[%add3A_209, %dma_start3A_210, %dma_start3A_211] : memref<2500x2x64xi32, #tpu.memory_space<hbm>> -> memref<1x2x64xi32, #tpu.memory_space<hbm>>
      %dma_start3A_213 = tpu.memref_squeeze %dma_start3A_212 : memref<1x2x64xi32, #tpu.memory_space<hbm>> -> memref<2x64xi32, #tpu.memory_space<hbm>>
      %dma_start3A_214 = arith.constant 0 : i32
      %dma_start3A_215 = arith.constant 0 : i32
      %dma_start3A_216 = tpu.memref_slice %arg3[%add3A_209, %dma_start3A_214, %dma_start3A_215] : memref<2500x2x64xi32, #tpu.memory_space<hbm>> -> memref<1x2x64xi32, #tpu.memory_space<hbm>>
      %dma_start3A_217 = tpu.memref_squeeze %dma_start3A_216 : memref<1x2x64xi32, #tpu.memory_space<hbm>> -> memref<2x64xi32, #tpu.memory_space<hbm>>
      tpu.enqueue_dma source(%dma_start3A_217 : memref<2x64xi32, #tpu.memory_space<hbm>>) target(%arg7 : memref<2x64xi32, #tpu.memory_space<vmem>>) target_semaphore(%arg23 : memref<!tpu.dma_semaphore, #tpu.memory_space<semaphore_mem>>)
      %add3A_218 = arith.constant 32 : i32
      %add3A_219 = arith.addi %arg1, %add3A_218 : i32
      "tpu.region"() ({
        %run_scoped3A = tpu.sem_alloc : memref<!tpu.dma_semaphore, #tpu.memory_space<semaphore_mem>>
        %dma_start3A_349 = arith.constant 0 : i32
        %dma_start3A_350 = arith.constant 0 : i32
        %dma_start3A_351 = tpu.memref_slice %arg3[%add3A_219, %dma_start3A_349, %dma_start3A_350] : memref<2500x2x64xi32, #tpu.memory_space<hbm>> -> memref<1x2x64xi32, #tpu.memory_space<hbm>>
        %dma_start3A_352 = tpu.memref_squeeze %dma_start3A_351 : memref<1x2x64xi32, #tpu.memory_space<hbm>> -> memref<2x64xi32, #tpu.memory_space<hbm>>
        %dma_start3A_353 = arith.constant 0 : i32
        %dma_start3A_354 = arith.constant 0 : i32
        %dma_start3A_355 = tpu.memref_slice %arg3[%add3A_219, %dma_start3A_353, %dma_start3A_354] : memref<2500x2x64xi32, #tpu.memory_space<hbm>> -> memref<1x2x64xi32, #tpu.memory_space<hbm>>
        %dma_start3A_356 = tpu.memref_squeeze %dma_start3A_355 : memref<1x2x64xi32, #tpu.memory_space<hbm>> -> memref<2x64xi32, #tpu.memory_space<hbm>>
        tpu.enqueue_dma source(%dma_start3A_356 : memref<2x64xi32, #tpu.memory_space<hbm>>) target(%arg8 : memref<2x64xi32, #tpu.memory_space<vmem>>) target_semaphore(%run_scoped3A : memref<!tpu.dma_semaphore, #tpu.memory_space<semaphore_mem>>)
        %dma_wait3A = arith.constant 0 : i32
        %dma_wait3A_357 = arith.constant 0 : i32
        %dma_wait3A_358 = tpu.memref_slice %arg3[%add3A_219, %dma_wait3A, %dma_wait3A_357] : memref<2500x2x64xi32, #tpu.memory_space<hbm>> -> memref<1x2x64xi32, #tpu.memory_space<hbm>>
        %dma_wait3A_359 = tpu.memref_squeeze %dma_wait3A_358 : memref<1x2x64xi32, #tpu.memory_space<hbm>> -> memref<2x64xi32, #tpu.memory_space<hbm>>
        %dma_wait3A_360 = arith.constant 0 : i32
        %dma_wait3A_361 = arith.constant 0 : i32
        %dma_wait3A_362 = tpu.memref_slice %arg3[%add3A_219, %dma_wait3A_360, %dma_wait3A_361] : memref<2500x2x64xi32, #tpu.memory_space<hbm>> -> memref<1x2x64xi32, #tpu.memory_space<hbm>>
        %dma_wait3A_363 = tpu.memref_squeeze %dma_wait3A_362 : memref<1x2x64xi32, #tpu.memory_space<hbm>> -> memref<2x64xi32, #tpu.memory_space<hbm>>
        tpu.wait_dma2 semaphore(%run_scoped3A : memref<!tpu.dma_semaphore, #tpu.memory_space<semaphore_mem>>) src(%dma_wait3A_363 : memref<2x64xi32, #tpu.memory_space<hbm>>) dst(%arg8 : memref<2x64xi32, #tpu.memory_space<vmem>>)
        tpu.yield
      }) : () -> ()
      %get3A_220 = arith.constant 0 : i32
      %get3A_221 = arith.index_cast %get3A_220 : i32 to index
      %get3A_222 = arith.constant 0 : index
      %get3A_223 = tpu.vector_load %arg8[%get3A_221, %get3A_222] {strides = array<i32>} : memref<2x64xi32, #tpu.memory_space<vmem>>, vector<1x16xi32>,
      %get3A_224 = vector.shape_cast %get3A_223 : vector<1x16xi32> to vector<16xi32>
      %add3A_225 = vector.broadcast %mul3A_30 : i32 to vector<16xi32>
      %add3A_226 = arith.addi %get3A_224, %add3A_225 : vector<16xi32>
      %swap3A_227 = arith.constant 0 : index
      %swap3A_228 = tpu.vector_load %arg11[%swap3A_227] {strides = array<i32>} : memref<64xi32, #tpu.memory_space<vmem>>, vector<16xi32>,
      %swap3A_229 = vector.shape_cast %swap3A_228 : vector<16xi32> to vector<16xi32>
      %swap3A_230 = vector.shape_cast %add3A_226 : vector<16xi32> to vector<16xi32>
      tpu.vector_store %arg11[%swap3A_227], %swap3A_230 {strides = array<i32>} : memref<64xi32, #tpu.memory_space<vmem>>, vector<16xi32>,
      %get3A_231 = arith.constant 1 : i32
      %get3A_232 = arith.index_cast %get3A_231 : i32 to index
      %get3A_233 = arith.constant 0 : index
      %get3A_234 = tpu.vector_load %arg8[%get3A_232, %get3A_233] {strides = array<i32>} : memref<2x64xi32, #tpu.memory_space<vmem>>, vector<1x16xi32>,
      %get3A_235 = vector.shape_cast %get3A_234 : vector<1x16xi32> to vector<16xi32>
      %swap3A_236 = arith.constant 0 : index
      %swap3A_237 = tpu.vector_load %arg14[%swap3A_236] {strides = array<i32>} : memref<64xi32, #tpu.memory_space<vmem>>, vector<16xi32>,
      %swap3A_238 = vector.shape_cast %swap3A_237 : vector<16xi32> to vector<16xi32>
      %swap3A_239 = vector.shape_cast %get3A_235 : vector<16xi32> to vector<16xi32>
      tpu.vector_store %arg14[%swap3A_236], %swap3A_239 {strides = array<i32>} : memref<64xi32, #tpu.memory_space<vmem>>, vector<16xi32>,
      %get3A_240 = arith.constant 0 : i32
      %get3A_241 = arith.index_cast %get3A_240 : i32 to index
      %get3A_242 = arith.constant 16 : index
      %get3A_243 = tpu.vector_load %arg8[%get3A_241, %get3A_242] {strides = array<i32>} : memref<2x64xi32, #tpu.memory_space<vmem>>, vector<1x16xi32>,
      %get3A_244 = vector.shape_cast %get3A_243 : vector<1x16xi32> to vector<16xi32>
      %add3A_245 = vector.broadcast %mul3A_30 : i32 to vector<16xi32>
      %add3A_246 = arith.addi %get3A_244, %add3A_245 : vector<16xi32>
      %swap3A_247 = arith.constant 16 : index
      %swap3A_248 = tpu.vector_load %arg11[%swap3A_247] {strides = array<i32>} : memref<64xi32, #tpu.memory_space<vmem>>, vector<16xi32>,
      %swap3A_249 = vector.shape_cast %swap3A_248 : vector<16xi32> to vector<16xi32>
      %swap3A_250 = vector.shape_cast %add3A_246 : vector<16xi32> to vector<16xi32>
      tpu.vector_store %arg11[%swap3A_247], %swap3A_250 {strides = array<i32>} : memref<64xi32, #tpu.memory_space<vmem>>, vector<16xi32>,
      %get3A_251 = arith.constant 1 : i32
      %get3A_252 = arith.index_cast %get3A_251 : i32 to index
      %get3A_253 = arith.constant 16 : index
      %get3A_254 = tpu.vector_load %arg8[%get3A_252, %get3A_253] {strides = array<i32>} : memref<2x64xi32, #tpu.memory_space<vmem>>, vector<1x16xi32>,
      %get3A_255 = vector.shape_cast %get3A_254 : vector<1x16xi32> to vector<16xi32>
      %swap3A_256 = arith.constant 16 : index
      %swap3A_257 = tpu.vector_load %arg14[%swap3A_256] {strides = array<i32>} : memref<64xi32, #tpu.memory_space<vmem>>, vector<16xi32>,
      %swap3A_258 = vector.shape_cast %swap3A_257 : vector<16xi32> to vector<16xi32>
      %swap3A_259 = vector.shape_cast %get3A_255 : vector<16xi32> to vector<16xi32>
      tpu.vector_store %arg14[%swap3A_256], %swap3A_259 {strides = array<i32>} : memref<64xi32, #tpu.memory_space<vmem>>, vector<16xi32>,
      %get3A_260 = arith.constant 0 : i32
      %get3A_261 = arith.index_cast %get3A_260 : i32 to index
      %get3A_262 = arith.constant 32 : index
      %get3A_263 = tpu.vector_load %arg8[%get3A_261, %get3A_262] {strides = array<i32>} : memref<2x64xi32, #tpu.memory_space<vmem>>, vector<1x16xi32>,
      %get3A_264 = vector.shape_cast %get3A_263 : vector<1x16xi32> to vector<16xi32>
      %add3A_265 = vector.broadcast %mul3A_30 : i32 to vector<16xi32>
      %add3A_266 = arith.addi %get3A_264, %add3A_265 : vector<16xi32>
      %swap3A_267 = arith.constant 32 : index
      %swap3A_268 = tpu.vector_load %arg11[%swap3A_267] {strides = array<i32>} : memref<64xi32, #tpu.memory_space<vmem>>, vector<16xi32>,
      %swap3A_269 = vector.shape_cast %swap3A_268 : vector<16xi32> to vector<16xi32>
      %swap3A_270 = vector.shape_cast %add3A_266 : vector<16xi32> to vector<16xi32>
      tpu.vector_store %arg11[%swap3A_267], %swap3A_270 {strides = array<i32>} : memref<64xi32, #tpu.memory_space<vmem>>, vector<16xi32>,
      %get3A_271 = arith.constant 1 : i32
      %get3A_272 = arith.index_cast %get3A_271 : i32 to index
      %get3A_273 = arith.constant 32 : index
      %get3A_274 = tpu.vector_load %arg8[%get3A_272, %get3A_273] {strides = array<i32>} : memref<2x64xi32, #tpu.memory_space<vmem>>, vector<1x16xi32>,
      %get3A_275 = vector.shape_cast %get3A_274 : vector<1x16xi32> to vector<16xi32>
      %swap3A_276 = arith.constant 32 : index
      %swap3A_277 = tpu.vector_load %arg14[%swap3A_276] {strides = array<i32>} : memref<64xi32, #tpu.memory_space<vmem>>, vector<16xi32>,
      %swap3A_278 = vector.shape_cast %swap3A_277 : vector<16xi32> to vector<16xi32>
      %swap3A_279 = vector.shape_cast %get3A_275 : vector<16xi32> to vector<16xi32>
      tpu.vector_store %arg14[%swap3A_276], %swap3A_279 {strides = array<i32>} : memref<64xi32, #tpu.memory_space<vmem>>, vector<16xi32>,
      %get3A_280 = arith.constant 0 : i32
      %get3A_281 = arith.index_cast %get3A_280 : i32 to index
      %get3A_282 = arith.constant 48 : index
      %get3A_283 = tpu.vector_load %arg8[%get3A_281, %get3A_282] {strides = array<i32>} : memref<2x64xi32, #tpu.memory_space<vmem>>, vector<1x16xi32>,
      %get3A_284 = vector.shape_cast %get3A_283 : vector<1x16xi32> to vector<16xi32>
      %add3A_285 = vector.broadcast %mul3A_30 : i32 to vector<16xi32>
      %add3A_286 = arith.addi %get3A_284, %add3A_285 : vector<16xi32>
      %swap3A_287 = arith.constant 48 : index
      %swap3A_288 = tpu.vector_load %arg11[%swap3A_287] {strides = array<i32>} : memref<64xi32, #tpu.memory_space<vmem>>, vector<16xi32>,
      %swap3A_289 = vector.shape_cast %swap3A_288 : vector<16xi32> to vector<16xi32>
      %swap3A_290 = vector.shape_cast %add3A_286 : vector<16xi32> to vector<16xi32>
      tpu.vector_store %arg11[%swap3A_287], %swap3A_290 {strides = array<i32>} : memref<64xi32, #tpu.memory_space<vmem>>, vector<16xi32>,
      %get3A_291 = arith.constant 1 : i32
      %get3A_292 = arith.index_cast %get3A_291 : i32 to index
      %get3A_293 = arith.constant 48 : index
      %get3A_294 = tpu.vector_load %arg8[%get3A_292, %get3A_293] {strides = array<i32>} : memref<2x64xi32, #tpu.memory_space<vmem>>, vector<1x16xi32>,
      %get3A_295 = vector.shape_cast %get3A_294 : vector<1x16xi32> to vector<16xi32>
      %swap3A_296 = arith.constant 48 : index
      %swap3A_297 = tpu.vector_load %arg14[%swap3A_296] {strides = array<i32>} : memref<64xi32, #tpu.memory_space<vmem>>, vector<16xi32>,
      %swap3A_298 = vector.shape_cast %swap3A_297 : vector<16xi32> to vector<16xi32>
      %swap3A_299 = vector.shape_cast %get3A_295 : vector<16xi32> to vector<16xi32>
      tpu.vector_store %arg14[%swap3A_296], %swap3A_299 {strides = array<i32>} : memref<64xi32, #tpu.memory_space<vmem>>, vector<16xi32>,
      %dma_start3A_300 = arith.constant 0 : i32
      %dma_start3A_301 = arith.constant 0 : i32
      %dma_start3A_302 = tpu.memref_slice %arg2[%dma_start3A_300, %dma_start3A_301] : memref<240000x128xf32, #tpu.memory_space<hbm>> -> memref<240000x128xf32, #tpu.memory_space<hbm>>
      tpu.enqueue_indirect_dma source(%dma_start3A_302 : memref<240000x128xf32, #tpu.memory_space<hbm>>) target(%arg17 : memref<64x128xf32, #tpu.memory_space<vmem>>) offsets(%arg11 : memref<64xi32, #tpu.memory_space<vmem>>) semaphore(%arg21 : memref<!tpu.dma_semaphore, #tpu.memory_space<semaphore_mem>>)
      %add3A_303 = arith.constant 80 : i32
      %add3A_304 = arith.addi %arg1, %add3A_303 : i32
      %dma_start3A_305 = arith.constant 0 : i32
      %dma_start3A_306 = arith.constant 0 : i32
      %dma_start3A_307 = tpu.memref_slice %arg3[%add3A_304, %dma_start3A_305, %dma_start3A_306] : memref<2500x2x64xi32, #tpu.memory_space<hbm>> -> memref<1x2x64xi32, #tpu.memory_space<hbm>>
      %dma_start3A_308 = tpu.memref_squeeze %dma_start3A_307 : memref<1x2x64xi32, #tpu.memory_space<hbm>> -> memref<2x64xi32, #tpu.memory_space<hbm>>
      %dma_start3A_309 = arith.constant 0 : i32
      %dma_start3A_310 = arith.constant 0 : i32
      %dma_start3A_311 = tpu.memref_slice %arg3[%add3A_304, %dma_start3A_309, %dma_start3A_310] : memref<2500x2x64xi32, #tpu.memory_space<hbm>> -> memref<1x2x64xi32, #tpu.memory_space<hbm>>
      %dma_start3A_312 = tpu.memref_squeeze %dma_start3A_311 : memref<1x2x64xi32, #tpu.memory_space<hbm>> -> memref<2x64xi32, #tpu.memory_space<hbm>>
      tpu.enqueue_dma source(%dma_start3A_312 : memref<2x64xi32, #tpu.memory_space<hbm>>) target(%arg8 : memref<2x64xi32, #tpu.memory_space<vmem>>) target_semaphore(%arg24 : memref<!tpu.dma_semaphore, #tpu.memory_space<semaphore_mem>>)
      %scan3A_313 = arith.constant 0 : i32
      %scan3A_314 = arith.constant 0 : i32
      %scan3A_315 = arith.constant 52 : i32
      %scan3A_316 = arith.addi %scan3A_314, %scan3A_315 : i32
      %scan3A_317 = arith.constant 1 : i32
      %scan3A_318 = scf.for %scan3A_349 = %scan3A_314 to %scan3A_316 step %scan3A_317 iter_args(%scan3A_350 = %scan3A_313) -> (i32)  : i32 {
        %mul3A_351 = arith.constant 3 : i32
        %mul3A_352 = arith.muli %mul3A_351, %scan3A_349 : i32
        %add3A_353 = arith.constant 0 : i32
        %add3A_354 = arith.addi %mul3A_352, %add3A_353 : i32
        %dma_wait3A = arith.constant 0 : i32
        %dma_wait3A_355 = arith.constant 0 : i32
        %dma_wait3A_356 = tpu.memref_slice %arg2[%dma_wait3A, %dma_wait3A_355] : memref<240000x128xf32, #tpu.memory_space<hbm>> -> memref<240000x128xf32, #tpu.memory_space<hbm>>
        tpu.wait_indirect_dma semaphore(%arg19 : memref<!tpu.dma_semaphore, #tpu.memory_space<semaphore_mem>>) src(%dma_wait3A_356 : memref<240000x128xf32, #tpu.memory_space<hbm>>) dst(%arg15 : memref<64x128xf32, #tpu.memory_space<vmem>>)
        "tpu.region"() ({
          %run_scoped3A = tpu.sem_alloc : memref<!tpu.dma_semaphore, #tpu.memory_space<semaphore_mem>>
          %dma_start3A_447 = arith.constant 0 : i32
          %dma_start3A_448 = arith.constant 0 : i32
          %dma_start3A_449 = tpu.memref_slice %arg18[%dma_start3A_447, %dma_start3A_448] : memref<10240x128xf32, #tpu.memory_space<vmem_shared>> -> memref<10240x128xf32, #tpu.memory_space<vmem_shared>>
          tpu.enqueue_indirect_dma source(%arg15 : memref<64x128xf32, #tpu.memory_space<vmem>>) target(%dma_start3A_449 : memref<10240x128xf32, #tpu.memory_space<vmem_shared>>) offsets(%arg12 : memref<64xi32, #tpu.memory_space<vmem>>) semaphore(%run_scoped3A : memref<!tpu.dma_semaphore, #tpu.memory_space<semaphore_mem>>) {add = true}
          %dma_wait3A_450 = arith.constant 0 : i32
          %dma_wait3A_451 = arith.constant 0 : i32
          %dma_wait3A_452 = tpu.memref_slice %arg18[%dma_wait3A_450, %dma_wait3A_451] : memref<10240x128xf32, #tpu.memory_space<vmem_shared>> -> memref<10240x128xf32, #tpu.memory_space<vmem_shared>>
          tpu.wait_indirect_dma semaphore(%run_scoped3A : memref<!tpu.dma_semaphore, #tpu.memory_space<semaphore_mem>>) src(%arg15 : memref<64x128xf32, #tpu.memory_space<vmem>>) dst(%dma_wait3A_452 : memref<10240x128xf32, #tpu.memory_space<vmem_shared>>)
          tpu.yield
        }) : () -> ()
        %add3A_357 = arith.constant 3 : i32
        %add3A_358 = arith.addi %add3A_354, %add3A_357 : i32
        %lt3A_359 = arith.constant 156 : i32
        %lt3A_360 = arith.cmpi slt, %add3A_358, %lt3A_359 : i32
        %eq3A = arith.constant 156 : i32
        %eq3A_361 = arith.cmpi eq, %add3A_358, %eq3A : i32
        %lt3A_362 = arith.constant 4 : i32
        %lt3A_363 = arith.cmpi slt, %arg1, %lt3A_362 : i32
        %and3A = arith.andi %eq3A_361, %lt3A_363 : i1
        %or3A = arith.ori %lt3A_360, %and3A : i1
        %convert_element_type3A_364 = arith.extui %or3A : i1 to i32
        %cond3A_365 = arith.constant 0 : i32
        %cond3A_366 = arith.cmpi ne, %convert_element_type3A_364, %cond3A_365 : i32
        scf.if %cond3A_366 {
          %dma_wait3A_447 = arith.constant 0 : i32
          %dma_wait3A_448 = arith.constant 0 : i32
          %dma_wait3A_449 = tpu.memref_slice %arg3[%arg1, %dma_wait3A_447, %dma_wait3A_448] : memref<2500x2x64xi32, #tpu.memory_space<hbm>> -> memref<1x2x64xi32, #tpu.memory_space<hbm>>
          %dma_wait3A_450 = tpu.memref_squeeze %dma_wait3A_449 : memref<1x2x64xi32, #tpu.memory_space<hbm>> -> memref<2x64xi32, #tpu.memory_space<hbm>>
          %dma_wait3A_451 = arith.constant 0 : i32
          %dma_wait3A_452 = arith.constant 0 : i32
          %dma_wait3A_453 = tpu.memref_slice %arg3[%arg1, %dma_wait3A_451, %dma_wait3A_452] : memref<2500x2x64xi32, #tpu.memory_space<hbm>> -> memref<1x2x64xi32, #tpu.memory_space<hbm>>
          %dma_wait3A_454 = tpu.memref_squeeze %dma_wait3A_453 : memref<1x2x64xi32, #tpu.memory_space<hbm>> -> memref<2x64xi32, #tpu.memory_space<hbm>>
          tpu.wait_dma2 semaphore(%arg22 : memref<!tpu.dma_semaphore, #tpu.memory_space<semaphore_mem>>) src(%dma_wait3A_454 : memref<2x64xi32, #tpu.memory_space<hbm>>) dst(%arg6 : memref<2x64xi32, #tpu.memory_space<vmem>>)
          %get3A_455 = arith.constant 0 : i32
          %get3A_456 = arith.index_cast %get3A_455 : i32 to index
          %get3A_457 = arith.constant 0 : index
          %get3A_458 = tpu.vector_load %arg6[%get3A_456, %get3A_457] {strides = array<i32>} : memref<2x64xi32, #tpu.memory_space<vmem>>, vector<1x16xi32>,
          %get3A_459 = vector.shape_cast %get3A_458 : vector<1x16xi32> to vector<16xi32>
          %add3A_460 = vector.broadcast %mul3A_30 : i32 to vector<16xi32>
          %add3A_461 = arith.addi %get3A_459, %add3A_460 : vector<16xi32>
          %swap3A_462 = arith.constant 0 : index
          %swap3A_463 = tpu.vector_load %arg9[%swap3A_462] {strides = array<i32>} : memref<64xi32, #tpu.memory_space<vmem>>, vector<16xi32>,
          %swap3A_464 = vector.shape_cast %swap3A_463 : vector<16xi32> to vector<16xi32>
          %swap3A_465 = vector.shape_cast %add3A_461 : vector<16xi32> to vector<16xi32>
          tpu.vector_store %arg9[%swap3A_462], %swap3A_465 {strides = array<i32>} : memref<64xi32, #tpu.memory_space<vmem>>, vector<16xi32>,
          %get3A_466 = arith.constant 1 : i32
          %get3A_467 = arith.index_cast %get3A_466 : i32 to index
          %get3A_468 = arith.constant 0 : index
          %get3A_469 = tpu.vector_load %arg6[%get3A_467, %get3A_468] {strides = array<i32>} : memref<2x64xi32, #tpu.memory_space<vmem>>, vector<1x16xi32>,
          %get3A_470 = vector.shape_cast %get3A_469 : vector<1x16xi32> to vector<16xi32>
          %swap3A_471 = arith.constant 0 : index
          %swap3A_472 = tpu.vector_load %arg12[%swap3A_471] {strides = array<i32>} : memref<64xi32, #tpu.memory_space<vmem>>, vector<16xi32>,
          %swap3A_473 = vector.shape_cast %swap3A_472 : vector<16xi32> to vector<16xi32>
          %swap3A_474 = vector.shape_cast %get3A_470 : vector<16xi32> to vector<16xi32>
          tpu.vector_store %arg12[%swap3A_471], %swap3A_474 {strides = array<i32>} : memref<64xi32, #tpu.memory_space<vmem>>, vector<16xi32>,
          %get3A_475 = arith.constant 0 : i32
          %get3A_476 = arith.index_cast %get3A_475 : i32 to index
          %get3A_477 = arith.constant 16 : index
          %get3A_478 = tpu.vector_load %arg6[%get3A_476, %get3A_477] {strides = array<i32>} : memref<2x64xi32, #tpu.memory_space<vmem>>, vector<1x16xi32>,
          %get3A_479 = vector.shape_cast %get3A_478 : vector<1x16xi32> to vector<16xi32>
          %add3A_480 = vector.broadcast %mul3A_30 : i32 to vector<16xi32>
          %add3A_481 = arith.addi %get3A_479, %add3A_480 : vector<16xi32>
          %swap3A_482 = arith.constant 16 : index
          %swap3A_483 = tpu.vector_load %arg9[%swap3A_482] {strides = array<i32>} : memref<64xi32, #tpu.memory_space<vmem>>, vector<16xi32>,
          %swap3A_484 = vector.shape_cast %swap3A_483 : vector<16xi32> to vector<16xi32>
          %swap3A_485 = vector.shape_cast %add3A_481 : vector<16xi32> to vector<16xi32>
          tpu.vector_store %arg9[%swap3A_482], %swap3A_485 {strides = array<i32>} : memref<64xi32, #tpu.memory_space<vmem>>, vector<16xi32>,
          %get3A_486 = arith.constant 1 : i32
          %get3A_487 = arith.index_cast %get3A_486 : i32 to index
          %get3A_488 = arith.constant 16 : index
          %get3A_489 = tpu.vector_load %arg6[%get3A_487, %get3A_488] {strides = array<i32>} : memref<2x64xi32, #tpu.memory_space<vmem>>, vector<1x16xi32>,
          %get3A_490 = vector.shape_cast %get3A_489 : vector<1x16xi32> to vector<16xi32>
          %swap3A_491 = arith.constant 16 : index
          %swap3A_492 = tpu.vector_load %arg12[%swap3A_491] {strides = array<i32>} : memref<64xi32, #tpu.memory_space<vmem>>, vector<16xi32>,
          %swap3A_493 = vector.shape_cast %swap3A_492 : vector<16xi32> to vector<16xi32>
          %swap3A_494 = vector.shape_cast %get3A_490 : vector<16xi32> to vector<16xi32>
          tpu.vector_store %arg12[%swap3A_491], %swap3A_494 {strides = array<i32>} : memref<64xi32, #tpu.memory_space<vmem>>, vector<16xi32>,
          %get3A_495 = arith.constant 0 : i32
          %get3A_496 = arith.index_cast %get3A_495 : i32 to index
          %get3A_497 = arith.constant 32 : index
          %get3A_498 = tpu.vector_load %arg6[%get3A_496, %get3A_497] {strides = array<i32>} : memref<2x64xi32, #tpu.memory_space<vmem>>, vector<1x16xi32>,
          %get3A_499 = vector.shape_cast %get3A_498 : vector<1x16xi32> to vector<16xi32>
          %add3A_500 = vector.broadcast %mul3A_30 : i32 to vector<16xi32>
          %add3A_501 = arith.addi %get3A_499, %add3A_500 : vector<16xi32>
          %swap3A_502 = arith.constant 32 : index
          %swap3A_503 = tpu.vector_load %arg9[%swap3A_502] {strides = array<i32>} : memref<64xi32, #tpu.memory_space<vmem>>, vector<16xi32>,
          %swap3A_504 = vector.shape_cast %swap3A_503 : vector<16xi32> to vector<16xi32>
          %swap3A_505 = vector.shape_cast %add3A_501 : vector<16xi32> to vector<16xi32>
          tpu.vector_store %arg9[%swap3A_502], %swap3A_505 {strides = array<i32>} : memref<64xi32, #tpu.memory_space<vmem>>, vector<16xi32>,
          %get3A_506 = arith.constant 1 : i32
          %get3A_507 = arith.index_cast %get3A_506 : i32 to index
          %get3A_508 = arith.constant 32 : index
          %get3A_509 = tpu.vector_load %arg6[%get3A_507, %get3A_508] {strides = array<i32>} : memref<2x64xi32, #tpu.memory_space<vmem>>, vector<1x16xi32>,
          %get3A_510 = vector.shape_cast %get3A_509 : vector<1x16xi32> to vector<16xi32>
          %swap3A_511 = arith.constant 32 : index
          %swap3A_512 = tpu.vector_load %arg12[%swap3A_511] {strides = array<i32>} : memref<64xi32, #tpu.memory_space<vmem>>, vector<16xi32>,
          %swap3A_513 = vector.shape_cast %swap3A_512 : vector<16xi32> to vector<16xi32>
          %swap3A_514 = vector.shape_cast %get3A_510 : vector<16xi32> to vector<16xi32>
          tpu.vector_store %arg12[%swap3A_511], %swap3A_514 {strides = array<i32>} : memref<64xi32, #tpu.memory_space<vmem>>, vector<16xi32>,
          %get3A_515 = arith.constant 0 : i32
          %get3A_516 = arith.index_cast %get3A_515 : i32 to index
          %get3A_517 = arith.constant 48 : index
          %get3A_518 = tpu.vector_load %arg6[%get3A_516, %get3A_517] {strides = array<i32>} : memref<2x64xi32, #tpu.memory_space<vmem>>, vector<1x16xi32>,
          %get3A_519 = vector.shape_cast %get3A_518 : vector<1x16xi32> to vector<16xi32>
          %add3A_520 = vector.broadcast %mul3A_30 : i32 to vector<16xi32>
          %add3A_521 = arith.addi %get3A_519, %add3A_520 : vector<16xi32>
          %swap3A_522 = arith.constant 48 : index
          %swap3A_523 = tpu.vector_load %arg9[%swap3A_522] {strides = array<i32>} : memref<64xi32, #tpu.memory_space<vmem>>, vector<16xi32>,
          %swap3A_524 = vector.shape_cast %swap3A_523 : vector<16xi32> to vector<16xi32>
          %swap3A_525 = vector.shape_cast %add3A_521 : vector<16xi32> to vector<16xi32>
          tpu.vector_store %arg9[%swap3A_522], %swap3A_525 {strides = array<i32>} : memref<64xi32, #tpu.memory_space<vmem>>, vector<16xi32>,
          %get3A_526 = arith.constant 1 : i32
          %get3A_527 = arith.index_cast %get3A_526 : i32 to index
          %get3A_528 = arith.constant 48 : index
          %get3A_529 = tpu.vector_load %arg6[%get3A_527, %get3A_528] {strides = array<i32>} : memref<2x64xi32, #tpu.memory_space<vmem>>, vector<1x16xi32>,
          %get3A_530 = vector.shape_cast %get3A_529 : vector<1x16xi32> to vector<16xi32>
          %swap3A_531 = arith.constant 48 : index
          %swap3A_532 = tpu.vector_load %arg12[%swap3A_531] {strides = array<i32>} : memref<64xi32, #tpu.memory_space<vmem>>, vector<16xi32>,
          %swap3A_533 = vector.shape_cast %swap3A_532 : vector<16xi32> to vector<16xi32>
          %swap3A_534 = vector.shape_cast %get3A_530 : vector<16xi32> to vector<16xi32>
          tpu.vector_store %arg12[%swap3A_531], %swap3A_534 {strides = array<i32>} : memref<64xi32, #tpu.memory_space<vmem>>, vector<16xi32>,
          %dma_start3A_535 = arith.constant 0 : i32
          %dma_start3A_536 = arith.constant 0 : i32
          %dma_start3A_537 = tpu.memref_slice %arg2[%dma_start3A_535, %dma_start3A_536] : memref<240000x128xf32, #tpu.memory_space<hbm>> -> memref<240000x128xf32, #tpu.memory_space<hbm>>
          tpu.enqueue_indirect_dma source(%dma_start3A_537 : memref<240000x128xf32, #tpu.memory_space<hbm>>) target(%arg15 : memref<64x128xf32, #tpu.memory_space<vmem>>) offsets(%arg9 : memref<64xi32, #tpu.memory_space<vmem>>) semaphore(%arg19 : memref<!tpu.dma_semaphore, #tpu.memory_space<semaphore_mem>>)
        } else {
        }
        %add3A_367 = arith.constant 6 : i32
        %add3A_368 = arith.addi %add3A_354, %add3A_367 : i32
        %lt3A_369 = arith.constant 156 : i32
        %lt3A_370 = arith.cmpi slt, %add3A_368, %lt3A_369 : i32
        %eq3A_371 = arith.constant 156 : i32
        %eq3A_372 = arith.cmpi eq, %add3A_368, %eq3A_371 : i32
        %lt3A_373 = arith.constant 4 : i32
        %lt3A_374 = arith.cmpi slt, %arg1, %lt3A_373 : i32
        %and3A_375 = arith.andi %eq3A_372, %lt3A_374 : i1
        %or3A_376 = arith.ori %lt3A_370, %and3A_375 : i1
        %convert_element_type3A_377 = arith.extui %or3A_376 : i1 to i32
        %cond3A_378 = arith.constant 0 : i32
        %cond3A_379 = arith.cmpi ne, %convert_element_type3A_377, %cond3A_378 : i32
        scf.if %cond3A_379 {
          %add3A_447 = arith.constant 6 : i32
          %add3A_448 = arith.addi %add3A_354, %add3A_447 : i32
          %mul3A_449 = arith.constant 16 : i32
          %mul3A_450 = arith.muli %mul3A_449, %add3A_448 : i32
          %add3A_451 = arith.addi %arg1, %mul3A_450 : i32
          %dma_start3A_452 = arith.constant 0 : i32
          %dma_start3A_453 = arith.constant 0 : i32
          %dma_start3A_454 = tpu.memref_slice %arg3[%add3A_451, %dma_start3A_452, %dma_start3A_453] : memref<2500x2x64xi32, #tpu.memory_space<hbm>> -> memref<1x2x64xi32, #tpu.memory_space<hbm>>
          %dma_start3A_455 = tpu.memref_squeeze %dma_start3A_454 : memref<1x2x64xi32, #tpu.memory_space<hbm>> -> memref<2x64xi32, #tpu.memory_space<hbm>>
          %dma_start3A_456 = arith.constant 0 : i32
          %dma_start3A_457 = arith.constant 0 : i32
          %dma_start3A_458 = tpu.memref_slice %arg3[%add3A_451, %dma_start3A_456, %dma_start3A_457] : memref<2500x2x64xi32, #tpu.memory_space<hbm>> -> memref<1x2x64xi32, #tpu.memory_space<hbm>>
          %dma_start3A_459 = tpu.memref_squeeze %dma_start3A_458 : memref<1x2x64xi32, #tpu.memory_space<hbm>> -> memref<2x64xi32, #tpu.memory_space<hbm>>
          tpu.enqueue_dma source(%dma_start3A_459 : memref<2x64xi32, #tpu.memory_space<hbm>>) target(%arg6 : memref<2x64xi32, #tpu.memory_space<vmem>>) target_semaphore(%arg22 : memref<!tpu.dma_semaphore, #tpu.memory_space<semaphore_mem>>)
        } else {
        }
        %mul3A_380 = arith.constant 3 : i32
        %mul3A_381 = arith.muli %mul3A_380, %scan3A_349 : i32
        %add3A_382 = arith.constant 1 : i32
        %add3A_383 = arith.addi %mul3A_381, %add3A_382 : i32
        %dma_wait3A_384 = arith.constant 0 : i32
        %dma_wait3A_385 = arith.constant 0 : i32
        %dma_wait3A_386 = tpu.memref_slice %arg2[%dma_wait3A_384, %dma_wait3A_385] : memref<240000x128xf32, #tpu.memory_space<hbm>> -> memref<240000x128xf32, #tpu.memory_space<hbm>>
        tpu.wait_indirect_dma semaphore(%arg20 : memref<!tpu.dma_semaphore, #tpu.memory_space<semaphore_mem>>) src(%dma_wait3A_386 : memref<240000x128xf32, #tpu.memory_space<hbm>>) dst(%arg16 : memref<64x128xf32, #tpu.memory_space<vmem>>)
        "tpu.region"() ({
          %run_scoped3A = tpu.sem_alloc : memref<!tpu.dma_semaphore, #tpu.memory_space<semaphore_mem>>
          %dma_start3A_447 = arith.constant 0 : i32
          %dma_start3A_448 = arith.constant 0 : i32
          %dma_start3A_449 = tpu.memref_slice %arg18[%dma_start3A_447, %dma_start3A_448] : memref<10240x128xf32, #tpu.memory_space<vmem_shared>> -> memref<10240x128xf32, #tpu.memory_space<vmem_shared>>
          tpu.enqueue_indirect_dma source(%arg16 : memref<64x128xf32, #tpu.memory_space<vmem>>) target(%dma_start3A_449 : memref<10240x128xf32, #tpu.memory_space<vmem_shared>>) offsets(%arg13 : memref<64xi32, #tpu.memory_space<vmem>>) semaphore(%run_scoped3A : memref<!tpu.dma_semaphore, #tpu.memory_space<semaphore_mem>>) {add = true}
          %dma_wait3A_450 = arith.constant 0 : i32
          %dma_wait3A_451 = arith.constant 0 : i32
          %dma_wait3A_452 = tpu.memref_slice %arg18[%dma_wait3A_450, %dma_wait3A_451] : memref<10240x128xf32, #tpu.memory_space<vmem_shared>> -> memref<10240x128xf32, #tpu.memory_space<vmem_shared>>
          tpu.wait_indirect_dma semaphore(%run_scoped3A : memref<!tpu.dma_semaphore, #tpu.memory_space<semaphore_mem>>) src(%arg16 : memref<64x128xf32, #tpu.memory_space<vmem>>) dst(%dma_wait3A_452 : memref<10240x128xf32, #tpu.memory_space<vmem_shared>>)
          tpu.yield
        }) : () -> ()
        %add3A_387 = arith.constant 3 : i32
        %add3A_388 = arith.addi %add3A_383, %add3A_387 : i32
        %lt3A_389 = arith.constant 156 : i32
        %lt3A_390 = arith.cmpi slt, %add3A_388, %lt3A_389 : i32
        %eq3A_391 = arith.constant 156 : i32
        %eq3A_392 = arith.cmpi eq, %add3A_388, %eq3A_391 : i32
        %lt3A_393 = arith.constant 4 : i32
        %lt3A_394 = arith.cmpi slt, %arg1, %lt3A_393 : i32
        %and3A_395 = arith.andi %eq3A_392, %lt3A_394 : i1
        %or3A_396 = arith.ori %lt3A_390, %and3A_395 : i1
        %convert_element_type3A_397 = arith.extui %or3A_396 : i1 to i32
        %cond3A_398 = arith.constant 0 : i32
        %cond3A_399 = arith.cmpi ne, %convert_element_type3A_397, %cond3A_398 : i32
        scf.if %cond3A_399 {
          %dma_wait3A_447 = arith.constant 0 : i32
          %dma_wait3A_448 = arith.constant 0 : i32
          %dma_wait3A_449 = tpu.memref_slice %arg3[%arg1, %dma_wait3A_447, %dma_wait3A_448] : memref<2500x2x64xi32, #tpu.memory_space<hbm>> -> memref<1x2x64xi32, #tpu.memory_space<hbm>>
          %dma_wait3A_450 = tpu.memref_squeeze %dma_wait3A_449 : memref<1x2x64xi32, #tpu.memory_space<hbm>> -> memref<2x64xi32, #tpu.memory_space<hbm>>
          %dma_wait3A_451 = arith.constant 0 : i32
          %dma_wait3A_452 = arith.constant 0 : i32
          %dma_wait3A_453 = tpu.memref_slice %arg3[%arg1, %dma_wait3A_451, %dma_wait3A_452] : memref<2500x2x64xi32, #tpu.memory_space<hbm>> -> memref<1x2x64xi32, #tpu.memory_space<hbm>>
          %dma_wait3A_454 = tpu.memref_squeeze %dma_wait3A_453 : memref<1x2x64xi32, #tpu.memory_space<hbm>> -> memref<2x64xi32, #tpu.memory_space<hbm>>
          tpu.wait_dma2 semaphore(%arg23 : memref<!tpu.dma_semaphore, #tpu.memory_space<semaphore_mem>>) src(%dma_wait3A_454 : memref<2x64xi32, #tpu.memory_space<hbm>>) dst(%arg7 : memref<2x64xi32, #tpu.memory_space<vmem>>)
          %get3A_455 = arith.constant 0 : i32
          %get3A_456 = arith.index_cast %get3A_455 : i32 to index
          %get3A_457 = arith.constant 0 : index
          %get3A_458 = tpu.vector_load %arg7[%get3A_456, %get3A_457] {strides = array<i32>} : memref<2x64xi32, #tpu.memory_space<vmem>>, vector<1x16xi32>,
          %get3A_459 = vector.shape_cast %get3A_458 : vector<1x16xi32> to vector<16xi32>
          %add3A_460 = vector.broadcast %mul3A_30 : i32 to vector<16xi32>
          %add3A_461 = arith.addi %get3A_459, %add3A_460 : vector<16xi32>
          %swap3A_462 = arith.constant 0 : index
          %swap3A_463 = tpu.vector_load %arg10[%swap3A_462] {strides = array<i32>} : memref<64xi32, #tpu.memory_space<vmem>>, vector<16xi32>,
          %swap3A_464 = vector.shape_cast %swap3A_463 : vector<16xi32> to vector<16xi32>
          %swap3A_465 = vector.shape_cast %add3A_461 : vector<16xi32> to vector<16xi32>
          tpu.vector_store %arg10[%swap3A_462], %swap3A_465 {strides = array<i32>} : memref<64xi32, #tpu.memory_space<vmem>>, vector<16xi32>,
          %get3A_466 = arith.constant 1 : i32
          %get3A_467 = arith.index_cast %get3A_466 : i32 to index
          %get3A_468 = arith.constant 0 : index
          %get3A_469 = tpu.vector_load %arg7[%get3A_467, %get3A_468] {strides = array<i32>} : memref<2x64xi32, #tpu.memory_space<vmem>>, vector<1x16xi32>,
          %get3A_470 = vector.shape_cast %get3A_469 : vector<1x16xi32> to vector<16xi32>
          %swap3A_471 = arith.constant 0 : index
          %swap3A_472 = tpu.vector_load %arg13[%swap3A_471] {strides = array<i32>} : memref<64xi32, #tpu.memory_space<vmem>>, vector<16xi32>,
          %swap3A_473 = vector.shape_cast %swap3A_472 : vector<16xi32> to vector<16xi32>
          %swap3A_474 = vector.shape_cast %get3A_470 : vector<16xi32> to vector<16xi32>
          tpu.vector_store %arg13[%swap3A_471], %swap3A_474 {strides = array<i32>} : memref<64xi32, #tpu.memory_space<vmem>>, vector<16xi32>,
          %get3A_475 = arith.constant 0 : i32
          %get3A_476 = arith.index_cast %get3A_475 : i32 to index
          %get3A_477 = arith.constant 16 : index
          %get3A_478 = tpu.vector_load %arg7[%get3A_476, %get3A_477] {strides = array<i32>} : memref<2x64xi32, #tpu.memory_space<vmem>>, vector<1x16xi32>,
          %get3A_479 = vector.shape_cast %get3A_478 : vector<1x16xi32> to vector<16xi32>
          %add3A_480 = vector.broadcast %mul3A_30 : i32 to vector<16xi32>
          %add3A_481 = arith.addi %get3A_479, %add3A_480 : vector<16xi32>
          %swap3A_482 = arith.constant 16 : index
          %swap3A_483 = tpu.vector_load %arg10[%swap3A_482] {strides = array<i32>} : memref<64xi32, #tpu.memory_space<vmem>>, vector<16xi32>,
          %swap3A_484 = vector.shape_cast %swap3A_483 : vector<16xi32> to vector<16xi32>
          %swap3A_485 = vector.shape_cast %add3A_481 : vector<16xi32> to vector<16xi32>
          tpu.vector_store %arg10[%swap3A_482], %swap3A_485 {strides = array<i32>} : memref<64xi32, #tpu.memory_space<vmem>>, vector<16xi32>,
          %get3A_486 = arith.constant 1 : i32
          %get3A_487 = arith.index_cast %get3A_486 : i32 to index
          %get3A_488 = arith.constant 16 : index
          %get3A_489 = tpu.vector_load %arg7[%get3A_487, %get3A_488] {strides = array<i32>} : memref<2x64xi32, #tpu.memory_space<vmem>>, vector<1x16xi32>,
          %get3A_490 = vector.shape_cast %get3A_489 : vector<1x16xi32> to vector<16xi32>
          %swap3A_491 = arith.constant 16 : index
          %swap3A_492 = tpu.vector_load %arg13[%swap3A_491] {strides = array<i32>} : memref<64xi32, #tpu.memory_space<vmem>>, vector<16xi32>,
          %swap3A_493 = vector.shape_cast %swap3A_492 : vector<16xi32> to vector<16xi32>
          %swap3A_494 = vector.shape_cast %get3A_490 : vector<16xi32> to vector<16xi32>
          tpu.vector_store %arg13[%swap3A_491], %swap3A_494 {strides = array<i32>} : memref<64xi32, #tpu.memory_space<vmem>>, vector<16xi32>,
          %get3A_495 = arith.constant 0 : i32
          %get3A_496 = arith.index_cast %get3A_495 : i32 to index
          %get3A_497 = arith.constant 32 : index
          %get3A_498 = tpu.vector_load %arg7[%get3A_496, %get3A_497] {strides = array<i32>} : memref<2x64xi32, #tpu.memory_space<vmem>>, vector<1x16xi32>,
          %get3A_499 = vector.shape_cast %get3A_498 : vector<1x16xi32> to vector<16xi32>
          %add3A_500 = vector.broadcast %mul3A_30 : i32 to vector<16xi32>
          %add3A_501 = arith.addi %get3A_499, %add3A_500 : vector<16xi32>
          %swap3A_502 = arith.constant 32 : index
          %swap3A_503 = tpu.vector_load %arg10[%swap3A_502] {strides = array<i32>} : memref<64xi32, #tpu.memory_space<vmem>>, vector<16xi32>,
          %swap3A_504 = vector.shape_cast %swap3A_503 : vector<16xi32> to vector<16xi32>
          %swap3A_505 = vector.shape_cast %add3A_501 : vector<16xi32> to vector<16xi32>
          tpu.vector_store %arg10[%swap3A_502], %swap3A_505 {strides = array<i32>} : memref<64xi32, #tpu.memory_space<vmem>>, vector<16xi32>,
          %get3A_506 = arith.constant 1 : i32
          %get3A_507 = arith.index_cast %get3A_506 : i32 to index
          %get3A_508 = arith.constant 32 : index
          %get3A_509 = tpu.vector_load %arg7[%get3A_507, %get3A_508] {strides = array<i32>} : memref<2x64xi32, #tpu.memory_space<vmem>>, vector<1x16xi32>,
          %get3A_510 = vector.shape_cast %get3A_509 : vector<1x16xi32> to vector<16xi32>
          %swap3A_511 = arith.constant 32 : index
          %swap3A_512 = tpu.vector_load %arg13[%swap3A_511] {strides = array<i32>} : memref<64xi32, #tpu.memory_space<vmem>>, vector<16xi32>,
          %swap3A_513 = vector.shape_cast %swap3A_512 : vector<16xi32> to vector<16xi32>
          %swap3A_514 = vector.shape_cast %get3A_510 : vector<16xi32> to vector<16xi32>
          tpu.vector_store %arg13[%swap3A_511], %swap3A_514 {strides = array<i32>} : memref<64xi32, #tpu.memory_space<vmem>>, vector<16xi32>,
          %get3A_515 = arith.constant 0 : i32
          %get3A_516 = arith.index_cast %get3A_515 : i32 to index
          %get3A_517 = arith.constant 48 : index
          %get3A_518 = tpu.vector_load %arg7[%get3A_516, %get3A_517] {strides = array<i32>} : memref<2x64xi32, #tpu.memory_space<vmem>>, vector<1x16xi32>,
          %get3A_519 = vector.shape_cast %get3A_518 : vector<1x16xi32> to vector<16xi32>
          %add3A_520 = vector.broadcast %mul3A_30 : i32 to vector<16xi32>
          %add3A_521 = arith.addi %get3A_519, %add3A_520 : vector<16xi32>
          %swap3A_522 = arith.constant 48 : index
          %swap3A_523 = tpu.vector_load %arg10[%swap3A_522] {strides = array<i32>} : memref<64xi32, #tpu.memory_space<vmem>>, vector<16xi32>,
          %swap3A_524 = vector.shape_cast %swap3A_523 : vector<16xi32> to vector<16xi32>
          %swap3A_525 = vector.shape_cast %add3A_521 : vector<16xi32> to vector<16xi32>
          tpu.vector_store %arg10[%swap3A_522], %swap3A_525 {strides = array<i32>} : memref<64xi32, #tpu.memory_space<vmem>>, vector<16xi32>,
          %get3A_526 = arith.constant 1 : i32
          %get3A_527 = arith.index_cast %get3A_526 : i32 to index
          %get3A_528 = arith.constant 48 : index
          %get3A_529 = tpu.vector_load %arg7[%get3A_527, %get3A_528] {strides = array<i32>} : memref<2x64xi32, #tpu.memory_space<vmem>>, vector<1x16xi32>,
          %get3A_530 = vector.shape_cast %get3A_529 : vector<1x16xi32> to vector<16xi32>
          %swap3A_531 = arith.constant 48 : index
          %swap3A_532 = tpu.vector_load %arg13[%swap3A_531] {strides = array<i32>} : memref<64xi32, #tpu.memory_space<vmem>>, vector<16xi32>,
          %swap3A_533 = vector.shape_cast %swap3A_532 : vector<16xi32> to vector<16xi32>
          %swap3A_534 = vector.shape_cast %get3A_530 : vector<16xi32> to vector<16xi32>
          tpu.vector_store %arg13[%swap3A_531], %swap3A_534 {strides = array<i32>} : memref<64xi32, #tpu.memory_space<vmem>>, vector<16xi32>,
          %dma_start3A_535 = arith.constant 0 : i32
          %dma_start3A_536 = arith.constant 0 : i32
          %dma_start3A_537 = tpu.memref_slice %arg2[%dma_start3A_535, %dma_start3A_536] : memref<240000x128xf32, #tpu.memory_space<hbm>> -> memref<240000x128xf32, #tpu.memory_space<hbm>>
          tpu.enqueue_indirect_dma source(%dma_start3A_537 : memref<240000x128xf32, #tpu.memory_space<hbm>>) target(%arg16 : memref<64x128xf32, #tpu.memory_space<vmem>>) offsets(%arg10 : memref<64xi32, #tpu.memory_space<vmem>>) semaphore(%arg20 : memref<!tpu.dma_semaphore, #tpu.memory_space<semaphore_mem>>)
        } else {
        }
        %add3A_400 = arith.constant 6 : i32
        %add3A_401 = arith.addi %add3A_383, %add3A_400 : i32
        %lt3A_402 = arith.constant 156 : i32
        %lt3A_403 = arith.cmpi slt, %add3A_401, %lt3A_402 : i32
        %eq3A_404 = arith.constant 156 : i32
        %eq3A_405 = arith.cmpi eq, %add3A_401, %eq3A_404 : i32
        %lt3A_406 = arith.constant 4 : i32
        %lt3A_407 = arith.cmpi slt, %arg1, %lt3A_406 : i32
        %and3A_408 = arith.andi %eq3A_405, %lt3A_407 : i1
        %or3A_409 = arith.ori %lt3A_403, %and3A_408 : i1
        %convert_element_type3A_410 = arith.extui %or3A_409 : i1 to i32
        %cond3A_411 = arith.constant 0 : i32
        %cond3A_412 = arith.cmpi ne, %convert_element_type3A_410, %cond3A_411 : i32
        scf.if %cond3A_412 {
          %add3A_447 = arith.constant 6 : i32
          %add3A_448 = arith.addi %add3A_383, %add3A_447 : i32
          %mul3A_449 = arith.constant 16 : i32
          %mul3A_450 = arith.muli %mul3A_449, %add3A_448 : i32
          %add3A_451 = arith.addi %arg1, %mul3A_450 : i32
          %dma_start3A_452 = arith.constant 0 : i32
          %dma_start3A_453 = arith.constant 0 : i32
          %dma_start3A_454 = tpu.memref_slice %arg3[%add3A_451, %dma_start3A_452, %dma_start3A_453] : memref<2500x2x64xi32, #tpu.memory_space<hbm>> -> memref<1x2x64xi32, #tpu.memory_space<hbm>>
          %dma_start3A_455 = tpu.memref_squeeze %dma_start3A_454 : memref<1x2x64xi32, #tpu.memory_space<hbm>> -> memref<2x64xi32, #tpu.memory_space<hbm>>
          %dma_start3A_456 = arith.constant 0 : i32
          %dma_start3A_457 = arith.constant 0 : i32
          %dma_start3A_458 = tpu.memref_slice %arg3[%add3A_451, %dma_start3A_456, %dma_start3A_457] : memref<2500x2x64xi32, #tpu.memory_space<hbm>> -> memref<1x2x64xi32, #tpu.memory_space<hbm>>
          %dma_start3A_459 = tpu.memref_squeeze %dma_start3A_458 : memref<1x2x64xi32, #tpu.memory_space<hbm>> -> memref<2x64xi32, #tpu.memory_space<hbm>>
          tpu.enqueue_dma source(%dma_start3A_459 : memref<2x64xi32, #tpu.memory_space<hbm>>) target(%arg7 : memref<2x64xi32, #tpu.memory_space<vmem>>) target_semaphore(%arg23 : memref<!tpu.dma_semaphore, #tpu.memory_space<semaphore_mem>>)
        } else {
        }
        %mul3A_413 = arith.constant 3 : i32
        %mul3A_414 = arith.muli %mul3A_413, %scan3A_349 : i32
        %add3A_415 = arith.constant 2 : i32
        %add3A_416 = arith.addi %mul3A_414, %add3A_415 : i32
        %dma_wait3A_417 = arith.constant 0 : i32
        %dma_wait3A_418 = arith.constant 0 : i32
        %dma_wait3A_419 = tpu.memref_slice %arg2[%dma_wait3A_417, %dma_wait3A_418] : memref<240000x128xf32, #tpu.memory_space<hbm>> -> memref<240000x128xf32, #tpu.memory_space<hbm>>
        tpu.wait_indirect_dma semaphore(%arg21 : memref<!tpu.dma_semaphore, #tpu.memory_space<semaphore_mem>>) src(%dma_wait3A_419 : memref<240000x128xf32, #tpu.memory_space<hbm>>) dst(%arg17 : memref<64x128xf32, #tpu.memory_space<vmem>>)
        "tpu.region"() ({
          %run_scoped3A = tpu.sem_alloc : memref<!tpu.dma_semaphore, #tpu.memory_space<semaphore_mem>>
          %dma_start3A_447 = arith.constant 0 : i32
          %dma_start3A_448 = arith.constant 0 : i32
          %dma_start3A_449 = tpu.memref_slice %arg18[%dma_start3A_447, %dma_start3A_448] : memref<10240x128xf32, #tpu.memory_space<vmem_shared>> -> memref<10240x128xf32, #tpu.memory_space<vmem_shared>>
          tpu.enqueue_indirect_dma source(%arg17 : memref<64x128xf32, #tpu.memory_space<vmem>>) target(%dma_start3A_449 : memref<10240x128xf32, #tpu.memory_space<vmem_shared>>) offsets(%arg14 : memref<64xi32, #tpu.memory_space<vmem>>) semaphore(%run_scoped3A : memref<!tpu.dma_semaphore, #tpu.memory_space<semaphore_mem>>) {add = true}
          %dma_wait3A_450 = arith.constant 0 : i32
          %dma_wait3A_451 = arith.constant 0 : i32
          %dma_wait3A_452 = tpu.memref_slice %arg18[%dma_wait3A_450, %dma_wait3A_451] : memref<10240x128xf32, #tpu.memory_space<vmem_shared>> -> memref<10240x128xf32, #tpu.memory_space<vmem_shared>>
          tpu.wait_indirect_dma semaphore(%run_scoped3A : memref<!tpu.dma_semaphore, #tpu.memory_space<semaphore_mem>>) src(%arg17 : memref<64x128xf32, #tpu.memory_space<vmem>>) dst(%dma_wait3A_452 : memref<10240x128xf32, #tpu.memory_space<vmem_shared>>)
          tpu.yield
        }) : () -> ()
        %add3A_420 = arith.constant 3 : i32
        %add3A_421 = arith.addi %add3A_416, %add3A_420 : i32
        %lt3A_422 = arith.constant 156 : i32
        %lt3A_423 = arith.cmpi slt, %add3A_421, %lt3A_422 : i32
        %eq3A_424 = arith.constant 156 : i32
        %eq3A_425 = arith.cmpi eq, %add3A_421, %eq3A_424 : i32
        %lt3A_426 = arith.constant 4 : i32
        %lt3A_427 = arith.cmpi slt, %arg1, %lt3A_426 : i32
        %and3A_428 = arith.andi %eq3A_425, %lt3A_427 : i1
        %or3A_429 = arith.ori %lt3A_423, %and3A_428 : i1
        %convert_element_type3A_430 = arith.extui %or3A_429 : i1 to i32
        %cond3A_431 = arith.constant 0 : i32
        %cond3A_432 = arith.cmpi ne, %convert_element_type3A_430, %cond3A_431 : i32
        scf.if %cond3A_432 {
          %dma_wait3A_447 = arith.constant 0 : i32
          %dma_wait3A_448 = arith.constant 0 : i32
          %dma_wait3A_449 = tpu.memref_slice %arg3[%arg1, %dma_wait3A_447, %dma_wait3A_448] : memref<2500x2x64xi32, #tpu.memory_space<hbm>> -> memref<1x2x64xi32, #tpu.memory_space<hbm>>
          %dma_wait3A_450 = tpu.memref_squeeze %dma_wait3A_449 : memref<1x2x64xi32, #tpu.memory_space<hbm>> -> memref<2x64xi32, #tpu.memory_space<hbm>>
          %dma_wait3A_451 = arith.constant 0 : i32
          %dma_wait3A_452 = arith.constant 0 : i32
          %dma_wait3A_453 = tpu.memref_slice %arg3[%arg1, %dma_wait3A_451, %dma_wait3A_452] : memref<2500x2x64xi32, #tpu.memory_space<hbm>> -> memref<1x2x64xi32, #tpu.memory_space<hbm>>
          %dma_wait3A_454 = tpu.memref_squeeze %dma_wait3A_453 : memref<1x2x64xi32, #tpu.memory_space<hbm>> -> memref<2x64xi32, #tpu.memory_space<hbm>>
          tpu.wait_dma2 semaphore(%arg24 : memref<!tpu.dma_semaphore, #tpu.memory_space<semaphore_mem>>) src(%dma_wait3A_454 : memref<2x64xi32, #tpu.memory_space<hbm>>) dst(%arg8 : memref<2x64xi32, #tpu.memory_space<vmem>>)
          %get3A_455 = arith.constant 0 : i32
          %get3A_456 = arith.index_cast %get3A_455 : i32 to index
          %get3A_457 = arith.constant 0 : index
          %get3A_458 = tpu.vector_load %arg8[%get3A_456, %get3A_457] {strides = array<i32>} : memref<2x64xi32, #tpu.memory_space<vmem>>, vector<1x16xi32>,
          %get3A_459 = vector.shape_cast %get3A_458 : vector<1x16xi32> to vector<16xi32>
          %add3A_460 = vector.broadcast %mul3A_30 : i32 to vector<16xi32>
          %add3A_461 = arith.addi %get3A_459, %add3A_460 : vector<16xi32>
          %swap3A_462 = arith.constant 0 : index
          %swap3A_463 = tpu.vector_load %arg11[%swap3A_462] {strides = array<i32>} : memref<64xi32, #tpu.memory_space<vmem>>, vector<16xi32>,
          %swap3A_464 = vector.shape_cast %swap3A_463 : vector<16xi32> to vector<16xi32>
          %swap3A_465 = vector.shape_cast %add3A_461 : vector<16xi32> to vector<16xi32>
          tpu.vector_store %arg11[%swap3A_462], %swap3A_465 {strides = array<i32>} : memref<64xi32, #tpu.memory_space<vmem>>, vector<16xi32>,
          %get3A_466 = arith.constant 1 : i32
          %get3A_467 = arith.index_cast %get3A_466 : i32 to index
          %get3A_468 = arith.constant 0 : index
          %get3A_469 = tpu.vector_load %arg8[%get3A_467, %get3A_468] {strides = array<i32>} : memref<2x64xi32, #tpu.memory_space<vmem>>, vector<1x16xi32>,
          %get3A_470 = vector.shape_cast %get3A_469 : vector<1x16xi32> to vector<16xi32>
          %swap3A_471 = arith.constant 0 : index
          %swap3A_472 = tpu.vector_load %arg14[%swap3A_471] {strides = array<i32>} : memref<64xi32, #tpu.memory_space<vmem>>, vector<16xi32>,
          %swap3A_473 = vector.shape_cast %swap3A_472 : vector<16xi32> to vector<16xi32>
          %swap3A_474 = vector.shape_cast %get3A_470 : vector<16xi32> to vector<16xi32>
          tpu.vector_store %arg14[%swap3A_471], %swap3A_474 {strides = array<i32>} : memref<64xi32, #tpu.memory_space<vmem>>, vector<16xi32>,
          %get3A_475 = arith.constant 0 : i32
          %get3A_476 = arith.index_cast %get3A_475 : i32 to index
          %get3A_477 = arith.constant 16 : index
          %get3A_478 = tpu.vector_load %arg8[%get3A_476, %get3A_477] {strides = array<i32>} : memref<2x64xi32, #tpu.memory_space<vmem>>, vector<1x16xi32>,
          %get3A_479 = vector.shape_cast %get3A_478 : vector<1x16xi32> to vector<16xi32>
          %add3A_480 = vector.broadcast %mul3A_30 : i32 to vector<16xi32>
          %add3A_481 = arith.addi %get3A_479, %add3A_480 : vector<16xi32>
          %swap3A_482 = arith.constant 16 : index
          %swap3A_483 = tpu.vector_load %arg11[%swap3A_482] {strides = array<i32>} : memref<64xi32, #tpu.memory_space<vmem>>, vector<16xi32>,
          %swap3A_484 = vector.shape_cast %swap3A_483 : vector<16xi32> to vector<16xi32>
          %swap3A_485 = vector.shape_cast %add3A_481 : vector<16xi32> to vector<16xi32>
          tpu.vector_store %arg11[%swap3A_482], %swap3A_485 {strides = array<i32>} : memref<64xi32, #tpu.memory_space<vmem>>, vector<16xi32>,
          %get3A_486 = arith.constant 1 : i32
          %get3A_487 = arith.index_cast %get3A_486 : i32 to index
          %get3A_488 = arith.constant 16 : index
          %get3A_489 = tpu.vector_load %arg8[%get3A_487, %get3A_488] {strides = array<i32>} : memref<2x64xi32, #tpu.memory_space<vmem>>, vector<1x16xi32>,
          %get3A_490 = vector.shape_cast %get3A_489 : vector<1x16xi32> to vector<16xi32>
          %swap3A_491 = arith.constant 16 : index
          %swap3A_492 = tpu.vector_load %arg14[%swap3A_491] {strides = array<i32>} : memref<64xi32, #tpu.memory_space<vmem>>, vector<16xi32>,
          %swap3A_493 = vector.shape_cast %swap3A_492 : vector<16xi32> to vector<16xi32>
          %swap3A_494 = vector.shape_cast %get3A_490 : vector<16xi32> to vector<16xi32>
          tpu.vector_store %arg14[%swap3A_491], %swap3A_494 {strides = array<i32>} : memref<64xi32, #tpu.memory_space<vmem>>, vector<16xi32>,
          %get3A_495 = arith.constant 0 : i32
          %get3A_496 = arith.index_cast %get3A_495 : i32 to index
          %get3A_497 = arith.constant 32 : index
          %get3A_498 = tpu.vector_load %arg8[%get3A_496, %get3A_497] {strides = array<i32>} : memref<2x64xi32, #tpu.memory_space<vmem>>, vector<1x16xi32>,
          %get3A_499 = vector.shape_cast %get3A_498 : vector<1x16xi32> to vector<16xi32>
          %add3A_500 = vector.broadcast %mul3A_30 : i32 to vector<16xi32>
          %add3A_501 = arith.addi %get3A_499, %add3A_500 : vector<16xi32>
          %swap3A_502 = arith.constant 32 : index
          %swap3A_503 = tpu.vector_load %arg11[%swap3A_502] {strides = array<i32>} : memref<64xi32, #tpu.memory_space<vmem>>, vector<16xi32>,
          %swap3A_504 = vector.shape_cast %swap3A_503 : vector<16xi32> to vector<16xi32>
          %swap3A_505 = vector.shape_cast %add3A_501 : vector<16xi32> to vector<16xi32>
          tpu.vector_store %arg11[%swap3A_502], %swap3A_505 {strides = array<i32>} : memref<64xi32, #tpu.memory_space<vmem>>, vector<16xi32>,
          %get3A_506 = arith.constant 1 : i32
          %get3A_507 = arith.index_cast %get3A_506 : i32 to index
          %get3A_508 = arith.constant 32 : index
          %get3A_509 = tpu.vector_load %arg8[%get3A_507, %get3A_508] {strides = array<i32>} : memref<2x64xi32, #tpu.memory_space<vmem>>, vector<1x16xi32>,
          %get3A_510 = vector.shape_cast %get3A_509 : vector<1x16xi32> to vector<16xi32>
          %swap3A_511 = arith.constant 32 : index
          %swap3A_512 = tpu.vector_load %arg14[%swap3A_511] {strides = array<i32>} : memref<64xi32, #tpu.memory_space<vmem>>, vector<16xi32>,
          %swap3A_513 = vector.shape_cast %swap3A_512 : vector<16xi32> to vector<16xi32>
          %swap3A_514 = vector.shape_cast %get3A_510 : vector<16xi32> to vector<16xi32>
          tpu.vector_store %arg14[%swap3A_511], %swap3A_514 {strides = array<i32>} : memref<64xi32, #tpu.memory_space<vmem>>, vector<16xi32>,
          %get3A_515 = arith.constant 0 : i32
          %get3A_516 = arith.index_cast %get3A_515 : i32 to index
          %get3A_517 = arith.constant 48 : index
          %get3A_518 = tpu.vector_load %arg8[%get3A_516, %get3A_517] {strides = array<i32>} : memref<2x64xi32, #tpu.memory_space<vmem>>, vector<1x16xi32>,
          %get3A_519 = vector.shape_cast %get3A_518 : vector<1x16xi32> to vector<16xi32>
          %add3A_520 = vector.broadcast %mul3A_30 : i32 to vector<16xi32>
          %add3A_521 = arith.addi %get3A_519, %add3A_520 : vector<16xi32>
          %swap3A_522 = arith.constant 48 : index
          %swap3A_523 = tpu.vector_load %arg11[%swap3A_522] {strides = array<i32>} : memref<64xi32, #tpu.memory_space<vmem>>, vector<16xi32>,
          %swap3A_524 = vector.shape_cast %swap3A_523 : vector<16xi32> to vector<16xi32>
          %swap3A_525 = vector.shape_cast %add3A_521 : vector<16xi32> to vector<16xi32>
          tpu.vector_store %arg11[%swap3A_522], %swap3A_525 {strides = array<i32>} : memref<64xi32, #tpu.memory_space<vmem>>, vector<16xi32>,
          %get3A_526 = arith.constant 1 : i32
          %get3A_527 = arith.index_cast %get3A_526 : i32 to index
          %get3A_528 = arith.constant 48 : index
          %get3A_529 = tpu.vector_load %arg8[%get3A_527, %get3A_528] {strides = array<i32>} : memref<2x64xi32, #tpu.memory_space<vmem>>, vector<1x16xi32>,
          %get3A_530 = vector.shape_cast %get3A_529 : vector<1x16xi32> to vector<16xi32>
          %swap3A_531 = arith.constant 48 : index
          %swap3A_532 = tpu.vector_load %arg14[%swap3A_531] {strides = array<i32>} : memref<64xi32, #tpu.memory_space<vmem>>, vector<16xi32>,
          %swap3A_533 = vector.shape_cast %swap3A_532 : vector<16xi32> to vector<16xi32>
          %swap3A_534 = vector.shape_cast %get3A_530 : vector<16xi32> to vector<16xi32>
          tpu.vector_store %arg14[%swap3A_531], %swap3A_534 {strides = array<i32>} : memref<64xi32, #tpu.memory_space<vmem>>, vector<16xi32>,
          %dma_start3A_535 = arith.constant 0 : i32
          %dma_start3A_536 = arith.constant 0 : i32
          %dma_start3A_537 = tpu.memref_slice %arg2[%dma_start3A_535, %dma_start3A_536] : memref<240000x128xf32, #tpu.memory_space<hbm>> -> memref<240000x128xf32, #tpu.memory_space<hbm>>
          tpu.enqueue_indirect_dma source(%dma_start3A_537 : memref<240000x128xf32, #tpu.memory_space<hbm>>) target(%arg17 : memref<64x128xf32, #tpu.memory_space<vmem>>) offsets(%arg11 : memref<64xi32, #tpu.memory_space<vmem>>) semaphore(%arg21 : memref<!tpu.dma_semaphore, #tpu.memory_space<semaphore_mem>>)
        } else {
        }
        %add3A_433 = arith.constant 6 : i32
        %add3A_434 = arith.addi %add3A_416, %add3A_433 : i32
        %lt3A_435 = arith.constant 156 : i32
        %lt3A_436 = arith.cmpi slt, %add3A_434, %lt3A_435 : i32
        %eq3A_437 = arith.constant 156 : i32
        %eq3A_438 = arith.cmpi eq, %add3A_434, %eq3A_437 : i32
        %lt3A_439 = arith.constant 4 : i32
        %lt3A_440 = arith.cmpi slt, %arg1, %lt3A_439 : i32
        %and3A_441 = arith.andi %eq3A_438, %lt3A_440 : i1
        %or3A_442 = arith.ori %lt3A_436, %and3A_441 : i1
        %convert_element_type3A_443 = arith.extui %or3A_442 : i1 to i32
        %cond3A_444 = arith.constant 0 : i32
        %cond3A_445 = arith.cmpi ne, %convert_element_type3A_443, %cond3A_444 : i32
        scf.if %cond3A_445 {
          %add3A_447 = arith.constant 6 : i32
          %add3A_448 = arith.addi %add3A_416, %add3A_447 : i32
          %mul3A_449 = arith.constant 16 : i32
          %mul3A_450 = arith.muli %mul3A_449, %add3A_448 : i32
          %add3A_451 = arith.addi %arg1, %mul3A_450 : i32
          %dma_start3A_452 = arith.constant 0 : i32
          %dma_start3A_453 = arith.constant 0 : i32
          %dma_start3A_454 = tpu.memref_slice %arg3[%add3A_451, %dma_start3A_452, %dma_start3A_453] : memref<2500x2x64xi32, #tpu.memory_space<hbm>> -> memref<1x2x64xi32, #tpu.memory_space<hbm>>
          %dma_start3A_455 = tpu.memref_squeeze %dma_start3A_454 : memref<1x2x64xi32, #tpu.memory_space<hbm>> -> memref<2x64xi32, #tpu.memory_space<hbm>>
          %dma_start3A_456 = arith.constant 0 : i32
          %dma_start3A_457 = arith.constant 0 : i32
          %dma_start3A_458 = tpu.memref_slice %arg3[%add3A_451, %dma_start3A_456, %dma_start3A_457] : memref<2500x2x64xi32, #tpu.memory_space<hbm>> -> memref<1x2x64xi32, #tpu.memory_space<hbm>>
          %dma_start3A_459 = tpu.memref_squeeze %dma_start3A_458 : memref<1x2x64xi32, #tpu.memory_space<hbm>> -> memref<2x64xi32, #tpu.memory_space<hbm>>
          tpu.enqueue_dma source(%dma_start3A_459 : memref<2x64xi32, #tpu.memory_space<hbm>>) target(%arg8 : memref<2x64xi32, #tpu.memory_space<vmem>>) target_semaphore(%arg24 : memref<!tpu.dma_semaphore, #tpu.memory_space<semaphore_mem>>)
        } else {
        }
        %scan3A_446 = arith.constant 0 : i32
        scf.yield %scan3A_446 : i32
      }
      %scan3A_319 = arith.constant 52 : i32
      %lt3A = arith.constant 4 : i32
      %lt3A_320 = arith.cmpi slt, %arg1, %lt3A : i32
      %convert_element_type3A = arith.extui %lt3A_320 : i1 to i32
      %cond3A = arith.constant 0 : i32
      %cond3A_321 = arith.cmpi ne, %convert_element_type3A, %cond3A : i32
      scf.if %cond3A_321 {
        %dma_wait3A = arith.constant 0 : i32
        %dma_wait3A_349 = arith.constant 0 : i32
        %dma_wait3A_350 = tpu.memref_slice %arg2[%dma_wait3A, %dma_wait3A_349] : memref<240000x128xf32, #tpu.memory_space<hbm>> -> memref<240000x128xf32, #tpu.memory_space<hbm>>
        tpu.wait_indirect_dma semaphore(%arg19 : memref<!tpu.dma_semaphore, #tpu.memory_space<semaphore_mem>>) src(%dma_wait3A_350 : memref<240000x128xf32, #tpu.memory_space<hbm>>) dst(%arg15 : memref<64x128xf32, #tpu.memory_space<vmem>>)
        "tpu.region"() ({
          %run_scoped3A = tpu.sem_alloc : memref<!tpu.dma_semaphore, #tpu.memory_space<semaphore_mem>>
          %dma_start3A_351 = arith.constant 0 : i32
          %dma_start3A_352 = arith.constant 0 : i32
          %dma_start3A_353 = tpu.memref_slice %arg18[%dma_start3A_351, %dma_start3A_352] : memref<10240x128xf32, #tpu.memory_space<vmem_shared>> -> memref<10240x128xf32, #tpu.memory_space<vmem_shared>>
          tpu.enqueue_indirect_dma source(%arg15 : memref<64x128xf32, #tpu.memory_space<vmem>>) target(%dma_start3A_353 : memref<10240x128xf32, #tpu.memory_space<vmem_shared>>) offsets(%arg12 : memref<64xi32, #tpu.memory_space<vmem>>) semaphore(%run_scoped3A : memref<!tpu.dma_semaphore, #tpu.memory_space<semaphore_mem>>) {add = true}
          %dma_wait3A_354 = arith.constant 0 : i32
          %dma_wait3A_355 = arith.constant 0 : i32
          %dma_wait3A_356 = tpu.memref_slice %arg18[%dma_wait3A_354, %dma_wait3A_355] : memref<10240x128xf32, #tpu.memory_space<vmem_shared>> -> memref<10240x128xf32, #tpu.memory_space<vmem_shared>>
          tpu.wait_indirect_dma semaphore(%run_scoped3A : memref<!tpu.dma_semaphore, #tpu.memory_space<semaphore_mem>>) src(%arg15 : memref<64x128xf32, #tpu.memory_space<vmem>>) dst(%dma_wait3A_356 : memref<10240x128xf32, #tpu.memory_space<vmem_shared>>)
          tpu.yield
        }) : () -> ()
      } else {
      }
      %barrier3A_322 = arith.constant 0 : index
      tpu.barrier barrier_id(%barrier3A_322)
      %mul3A_323 = arith.constant 640 : i32
      %mul3A_324 = arith.muli %arg1, %mul3A_323 : i32
      %mul3A_325 = arith.constant 640 : i32
      %mul3A_326 = arith.muli %arg1, %mul3A_325 : i32
      "tpu.region"() ({
        %run_scoped3A = tpu.sem_alloc : memref<!tpu.dma_semaphore, #tpu.memory_space<semaphore_mem>>
        %dma_start3A_349 = arith.constant 0 : i32
        %dma_start3A_350 = tpu.memref_slice %arg5[%arg0, %scan3A_24, %mul3A_326, %dma_start3A_349] : memref<2x12x10240x128xf32, #tpu.memory_space<hbm>> -> memref<1x1x640x128xf32, #tpu.memory_space<hbm>>
        %dma_start3A_351 = tpu.memref_squeeze %dma_start3A_350 : memref<1x1x640x128xf32, #tpu.memory_space<hbm>> -> memref<640x128xf32, #tpu.memory_space<hbm>>
        %dma_start3A_352 = arith.constant 0 : i32
        %dma_start3A_353 = tpu.memref_slice %arg18[%mul3A_324, %dma_start3A_352] : memref<10240x128xf32, #tpu.memory_space<vmem_shared>> -> memref<640x128xf32, #tpu.memory_space<vmem_shared>>
        tpu.enqueue_dma source(%dma_start3A_353 : memref<640x128xf32, #tpu.memory_space<vmem_shared>>) target(%dma_start3A_351 : memref<640x128xf32, #tpu.memory_space<hbm>>) target_semaphore(%run_scoped3A : memref<!tpu.dma_semaphore, #tpu.memory_space<semaphore_mem>>)
        %dma_wait3A = arith.constant 0 : i32
        %dma_wait3A_354 = tpu.memref_slice %arg5[%arg0, %scan3A_24, %mul3A_326, %dma_wait3A] : memref<2x12x10240x128xf32, #tpu.memory_space<hbm>> -> memref<1x1x640x128xf32, #tpu.memory_space<hbm>>
        %dma_wait3A_355 = tpu.memref_squeeze %dma_wait3A_354 : memref<1x1x640x128xf32, #tpu.memory_space<hbm>> -> memref<640x128xf32, #tpu.memory_space<hbm>>
        %dma_wait3A_356 = arith.constant 0 : i32
        %dma_wait3A_357 = tpu.memref_slice %arg18[%mul3A_324, %dma_wait3A_356] : memref<10240x128xf32, #tpu.memory_space<vmem_shared>> -> memref<640x128xf32, #tpu.memory_space<vmem_shared>>
        tpu.wait_dma2 semaphore(%run_scoped3A : memref<!tpu.dma_semaphore, #tpu.memory_space<semaphore_mem>>) src(%dma_wait3A_357 : memref<640x128xf32, #tpu.memory_space<vmem_shared>>) dst(%dma_wait3A_355 : memref<640x128xf32, #tpu.memory_space<hbm>>)
        tpu.yield
      }) : () -> ()
      %mul3A_327 = arith.constant 640 : i32
      %mul3A_328 = arith.muli %arg1, %mul3A_327 : i32
      %add3A_329 = arith.constant 0 : i32
      %add3A_330 = arith.addi %mul3A_328, %add3A_329 : i32
      "tpu.region"() ({
        %run_scoped3A = tpu.sem_alloc : memref<!tpu.dma_semaphore, #tpu.memory_space<semaphore_mem>>
        %dma_start3A_349 = arith.constant 0 : i32
        %dma_start3A_350 = tpu.memref_slice %arg18[%add3A_330, %dma_start3A_349] : memref<10240x128xf32, #tpu.memory_space<vmem_shared>> -> memref<128x128xf32, #tpu.memory_space<vmem_shared>>
        tpu.enqueue_dma source(%arg4 : memref<128x128xf32, #tpu.memory_space<hbm>>) target(%dma_start3A_350 : memref<128x128xf32, #tpu.memory_space<vmem_shared>>) target_semaphore(%run_scoped3A : memref<!tpu.dma_semaphore, #tpu.memory_space<semaphore_mem>>)
        %dma_wait3A = arith.constant 0 : i32
        %dma_wait3A_351 = tpu.memref_slice %arg18[%add3A_330, %dma_wait3A] : memref<10240x128xf32, #tpu.memory_space<vmem_shared>> -> memref<128x128xf32, #tpu.memory_space<vmem_shared>>
        tpu.wait_dma2 semaphore(%run_scoped3A : memref<!tpu.dma_semaphore, #tpu.memory_space<semaphore_mem>>) src(%arg4 : memref<128x128xf32, #tpu.memory_space<hbm>>) dst(%dma_wait3A_351 : memref<128x128xf32, #tpu.memory_space<vmem_shared>>)
        tpu.yield
      }) : () -> ()
      %mul3A_331 = arith.constant 640 : i32
      %mul3A_332 = arith.muli %arg1, %mul3A_331 : i32
      %add3A_333 = arith.constant 128 : i32
      %add3A_334 = arith.addi %mul3A_332, %add3A_333 : i32
      "tpu.region"() ({
        %run_scoped3A = tpu.sem_alloc : memref<!tpu.dma_semaphore, #tpu.memory_space<semaphore_mem>>
        %dma_start3A_349 = arith.constant 0 : i32
        %dma_start3A_350 = tpu.memref_slice %arg18[%add3A_334, %dma_start3A_349] : memref<10240x128xf32, #tpu.memory_space<vmem_shared>> -> memref<128x128xf32, #tpu.memory_space<vmem_shared>>
        tpu.enqueue_dma source(%arg4 : memref<128x128xf32, #tpu.memory_space<hbm>>) target(%dma_start3A_350 : memref<128x128xf32, #tpu.memory_space<vmem_shared>>) target_semaphore(%run_scoped3A : memref<!tpu.dma_semaphore, #tpu.memory_space<semaphore_mem>>)
        %dma_wait3A = arith.constant 0 : i32
        %dma_wait3A_351 = tpu.memref_slice %arg18[%add3A_334, %dma_wait3A] : memref<10240x128xf32, #tpu.memory_space<vmem_shared>> -> memref<128x128xf32, #tpu.memory_space<vmem_shared>>
        tpu.wait_dma2 semaphore(%run_scoped3A : memref<!tpu.dma_semaphore, #tpu.memory_space<semaphore_mem>>) src(%arg4 : memref<128x128xf32, #tpu.memory_space<hbm>>) dst(%dma_wait3A_351 : memref<128x128xf32, #tpu.memory_space<vmem_shared>>)
        tpu.yield
      }) : () -> ()
      %mul3A_335 = arith.constant 640 : i32
      %mul3A_336 = arith.muli %arg1, %mul3A_335 : i32
      %add3A_337 = arith.constant 256 : i32
      %add3A_338 = arith.addi %mul3A_336, %add3A_337 : i32
      "tpu.region"() ({
        %run_scoped3A = tpu.sem_alloc : memref<!tpu.dma_semaphore, #tpu.memory_space<semaphore_mem>>
        %dma_start3A_349 = arith.constant 0 : i32
        %dma_start3A_350 = tpu.memref_slice %arg18[%add3A_338, %dma_start3A_349] : memref<10240x128xf32, #tpu.memory_space<vmem_shared>> -> memref<128x128xf32, #tpu.memory_space<vmem_shared>>
        tpu.enqueue_dma source(%arg4 : memref<128x128xf32, #tpu.memory_space<hbm>>) target(%dma_start3A_350 : memref<128x128xf32, #tpu.memory_space<vmem_shared>>) target_semaphore(%run_scoped3A : memref<!tpu.dma_semaphore, #tpu.memory_space<semaphore_mem>>)
        %dma_wait3A = arith.constant 0 : i32
        %dma_wait3A_351 = tpu.memref_slice %arg18[%add3A_338, %dma_wait3A] : memref<10240x128xf32, #tpu.memory_space<vmem_shared>> -> memref<128x128xf32, #tpu.memory_space<vmem_shared>>
        tpu.wait_dma2 semaphore(%run_scoped3A : memref<!tpu.dma_semaphore, #tpu.memory_space<semaphore_mem>>) src(%arg4 : memref<128x128xf32, #tpu.memory_space<hbm>>) dst(%dma_wait3A_351 : memref<128x128xf32, #tpu.memory_space<vmem_shared>>)
        tpu.yield
      }) : () -> ()
      %mul3A_339 = arith.constant 640 : i32
      %mul3A_340 = arith.muli %arg1, %mul3A_339 : i32
      %add3A_341 = arith.constant 384 : i32
      %add3A_342 = arith.addi %mul3A_340, %add3A_341 : i32
      "tpu.region"() ({
        %run_scoped3A = tpu.sem_alloc : memref<!tpu.dma_semaphore, #tpu.memory_space<semaphore_mem>>
        %dma_start3A_349 = arith.constant 0 : i32
        %dma_start3A_350 = tpu.memref_slice %arg18[%add3A_342, %dma_start3A_349] : memref<10240x128xf32, #tpu.memory_space<vmem_shared>> -> memref<128x128xf32, #tpu.memory_space<vmem_shared>>
        tpu.enqueue_dma source(%arg4 : memref<128x128xf32, #tpu.memory_space<hbm>>) target(%dma_start3A_350 : memref<128x128xf32, #tpu.memory_space<vmem_shared>>) target_semaphore(%run_scoped3A : memref<!tpu.dma_semaphore, #tpu.memory_space<semaphore_mem>>)
        %dma_wait3A = arith.constant 0 : i32
        %dma_wait3A_351 = tpu.memref_slice %arg18[%add3A_342, %dma_wait3A] : memref<10240x128xf32, #tpu.memory_space<vmem_shared>> -> memref<128x128xf32, #tpu.memory_space<vmem_shared>>
        tpu.wait_dma2 semaphore(%run_scoped3A : memref<!tpu.dma_semaphore, #tpu.memory_space<semaphore_mem>>) src(%arg4 : memref<128x128xf32, #tpu.memory_space<hbm>>) dst(%dma_wait3A_351 : memref<128x128xf32, #tpu.memory_space<vmem_shared>>)
        tpu.yield
      }) : () -> ()
      %mul3A_343 = arith.constant 640 : i32
      %mul3A_344 = arith.muli %arg1, %mul3A_343 : i32
      %add3A_345 = arith.constant 512 : i32
      %add3A_346 = arith.addi %mul3A_344, %add3A_345 : i32
      "tpu.region"() ({
        %run_scoped3A = tpu.sem_alloc : memref<!tpu.dma_semaphore, #tpu.memory_space<semaphore_mem>>
        %dma_start3A_349 = arith.constant 0 : i32
        %dma_start3A_350 = tpu.memref_slice %arg18[%add3A_346, %dma_start3A_349] : memref<10240x128xf32, #tpu.memory_space<vmem_shared>> -> memref<128x128xf32, #tpu.memory_space<vmem_shared>>
        tpu.enqueue_dma source(%arg4 : memref<128x128xf32, #tpu.memory_space<hbm>>) target(%dma_start3A_350 : memref<128x128xf32, #tpu.memory_space<vmem_shared>>) target_semaphore(%run_scoped3A : memref<!tpu.dma_semaphore, #tpu.memory_space<semaphore_mem>>)
        %dma_wait3A = arith.constant 0 : i32
        %dma_wait3A_351 = tpu.memref_slice %arg18[%add3A_346, %dma_wait3A] : memref<10240x128xf32, #tpu.memory_space<vmem_shared>> -> memref<128x128xf32, #tpu.memory_space<vmem_shared>>
        tpu.wait_dma2 semaphore(%run_scoped3A : memref<!tpu.dma_semaphore, #tpu.memory_space<semaphore_mem>>) src(%arg4 : memref<128x128xf32, #tpu.memory_space<hbm>>) dst(%dma_wait3A_351 : memref<128x128xf32, #tpu.memory_space<vmem_shared>>)
        tpu.yield
      }) : () -> ()
      %barrier3A_347 = arith.constant 0 : index
      tpu.barrier barrier_id(%barrier3A_347)
      %scan3A_348 = arith.constant 0 : i32
      scf.yield %scan3A_348 : i32
    }
    %scan3A_23 = arith.constant 12 : i32
    return
  }
}

module attributes {stable_mosaic.version = 14 : i64} {
  func.func @_proj_body(%arg0: i32, %arg1: i32, %arg2: memref<1x4x200x128xf32, #tpu.memory_space<vmem>>, %arg3: memref<200x2xf32, #tpu.memory_space<vmem>>, %arg4: memref<128x32xf32, #tpu.memory_space<vmem>>, %arg5: memref<64x32xf32, #tpu.memory_space<vmem>>, %arg6: memref<128x32xf32, #tpu.memory_space<vmem>>, %arg7: memref<64x32xf32, #tpu.memory_space<vmem>>, %arg8: memref<2x1x200x128xf32, #tpu.memory_space<vmem>>) attributes {dimension_semantics = [#tpu.dimension_semantics<arbitrary>, #tpu.dimension_semantics<arbitrary>], iteration_bounds = array<i64: 12, 50>, scalar_prefetch = 0 : i64, scratch_operands = 0 : i64, tpu.core_type = #tpu.core_type<tc>, window_params = [{transform_indices = @transform_0, window_bounds = array<i64: 1, 4, 200, 128>}, {transform_indices = @transform_1, window_bounds = array<i64: 200, 2>}, {pipeline_mode = #tpu.pipeline_mode<synchronous>, transform_indices = @transform_2, window_bounds = array<i64: 128, 32>}, {pipeline_mode = #tpu.pipeline_mode<synchronous>, transform_indices = @transform_3, window_bounds = array<i64: 64, 32>}, {pipeline_mode = #tpu.pipeline_mode<synchronous>, transform_indices = @transform_4, window_bounds = array<i64: 128, 32>}, {pipeline_mode = #tpu.pipeline_mode<synchronous>, transform_indices = @transform_5, window_bounds = array<i64: 64, 32>}, {transform_indices = @transform_6, window_bounds = array<i64: 2, 1, 200, 128>}]} {
    %get3A = arith.constant 0 : index
    %get3A_0 = arith.constant 0 : index
    %get3A_1 = vector.load %arg4[%get3A, %get3A_0] : memref<128x32xf32, #tpu.memory_space<vmem>>, vector<128x32xf32>
    %get3A_2 = arith.constant 0 : index
    %get3A_3 = arith.constant 0 : index
    %get3A_4 = vector.load %arg5[%get3A_2, %get3A_3] : memref<64x32xf32, #tpu.memory_space<vmem>>, vector<32x32xf32>
    %dot_general3A = arith.constant dense<0.000000e+00> : vector<128x32xf32>
    %dot_general3A_5 = tpu.matmul %get3A_1, %get3A_4, %dot_general3A {dimension_numbers = #tpu.dot_dimension_numbers<[1], [0], [0], [1], [0, 0, 1, 1], [], []>, transpose_lhs_hint = false} : vector<128x32xf32>, vector<32x32xf32>, vector<128x32xf32> -> vector<128x32xf32>
    %get3A_6 = arith.constant 0 : index
    %get3A_7 = arith.constant 0 : index
    %get3A_8 = vector.load %arg6[%get3A_6, %get3A_7] : memref<128x32xf32, #tpu.memory_space<vmem>>, vector<128x32xf32>
    %get3A_9 = arith.constant 0 : index
    %get3A_10 = arith.constant 0 : index
    %get3A_11 = vector.load %arg7[%get3A_9, %get3A_10] : memref<64x32xf32, #tpu.memory_space<vmem>>, vector<32x32xf32>
    %dot_general3A_12 = arith.constant dense<0.000000e+00> : vector<128x32xf32>
    %dot_general3A_13 = tpu.matmul %get3A_8, %get3A_11, %dot_general3A_12 {dimension_numbers = #tpu.dot_dimension_numbers<[1], [0], [0], [1], [0, 0, 1, 1], [], []>, transpose_lhs_hint = false} : vector<128x32xf32>, vector<32x32xf32>, vector<128x32xf32> -> vector<128x32xf32>
    %get3A_14 = arith.constant 0 : index
    %get3A_15 = arith.constant 0 : index
    %get3A_16 = vector.load %arg3[%get3A_14, %get3A_15] : memref<200x2xf32, #tpu.memory_space<vmem>>, vector<200x1xf32>
    %get3A_17 = arith.constant 0 : index
    %get3A_18 = arith.constant 1 : index
    %get3A_19 = vector.load %arg3[%get3A_17, %get3A_18] : memref<200x2xf32, #tpu.memory_space<vmem>>, vector<200x1xf32>
    %add3A = arith.addf %get3A_16, %get3A_19 : vector<200x1xf32>
    %add3A_20 = arith.constant 1.000000e+00 : f32
    %add3A_21 = vector.broadcast %add3A_20 : f32 to vector<200x1xf32>
    %add3A_22 = arith.addf %add3A, %add3A_21 : vector<200x1xf32>
    %rsqrt3A = math.rsqrt %add3A_22 : vector<200x1xf32>
    %get3A_23 = arith.constant 0 : index
    %get3A_24 = arith.constant 0 : index
    %get3A_25 = arith.constant 0 : index
    %get3A_26 = arith.constant 0 : index
    %get3A_27 = vector.load %arg2[%get3A_23, %get3A_24, %get3A_25, %get3A_26] : memref<1x4x200x128xf32, #tpu.memory_space<vmem>>, vector<1x1x200x128xf32>
    %get3A_28 = vector.shape_cast %get3A_27 : vector<1x1x200x128xf32> to vector<200x128xf32>
    %dot_general3A_29 = arith.constant dense<0.000000e+00> : vector<200x32xf32>
    %dot_general3A_30 = tpu.matmul %get3A_28, %dot_general3A_5, %dot_general3A_29 {dimension_numbers = #tpu.dot_dimension_numbers<[1], [0], [0], [1], [0, 0, 1, 1], [], []>, transpose_lhs_hint = false} : vector<200x128xf32>, vector<128x32xf32>, vector<200x32xf32> -> vector<200x32xf32>
    %dot_general3A_31 = arith.constant dense<0.000000e+00> : vector<200x32xf32>
    %dot_general3A_32 = tpu.matmul %get3A_28, %dot_general3A_13, %dot_general3A_31 {dimension_numbers = #tpu.dot_dimension_numbers<[1], [0], [0], [1], [0, 0, 1, 1], [], []>, transpose_lhs_hint = false} : vector<200x128xf32>, vector<128x32xf32>, vector<200x32xf32> -> vector<200x32xf32>
    %mul3A = vector.broadcast %rsqrt3A : vector<200x1xf32> to vector<200x32xf32>
    %mul3A_33 = arith.mulf %mul3A, %dot_general3A_30 : vector<200x32xf32>
    %swap3A = arith.constant 0 : index
    %swap3A_34 = arith.constant 0 : index
    %swap3A_35 = arith.constant 0 : index
    %swap3A_36 = arith.constant 0 : index
    %swap3A_37 = vector.load %arg8[%swap3A, %swap3A_34, %swap3A_35, %swap3A_36] : memref<2x1x200x128xf32, #tpu.memory_space<vmem>>, vector<1x1x200x32xf32>
    %swap3A_38 = vector.shape_cast %swap3A_37 : vector<1x1x200x32xf32> to vector<200x32xf32>
    %swap3A_39 = vector.shape_cast %mul3A_33 : vector<200x32xf32> to vector<1x1x200x32xf32>
    tpu.vector_store %arg8[%swap3A, %swap3A_34, %swap3A_35, %swap3A_36], %swap3A_39 {strides = array<i32>} : memref<2x1x200x128xf32, #tpu.memory_space<vmem>>, vector<1x1x200x32xf32>,
    %mul3A_40 = vector.broadcast %rsqrt3A : vector<200x1xf32> to vector<200x32xf32>
    %mul3A_41 = arith.mulf %mul3A_40, %dot_general3A_32 : vector<200x32xf32>
    %swap3A_42 = arith.constant 0 : index
    %swap3A_43 = arith.constant 0 : index
    %swap3A_44 = arith.constant 0 : index
    %swap3A_45 = arith.constant 32 : index
    %swap3A_46 = vector.load %arg8[%swap3A_42, %swap3A_43, %swap3A_44, %swap3A_45] : memref<2x1x200x128xf32, #tpu.memory_space<vmem>>, vector<1x1x200x32xf32>
    %swap3A_47 = vector.shape_cast %swap3A_46 : vector<1x1x200x32xf32> to vector<200x32xf32>
    %swap3A_48 = vector.shape_cast %mul3A_41 : vector<200x32xf32> to vector<1x1x200x32xf32>
    tpu.vector_store %arg8[%swap3A_42, %swap3A_43, %swap3A_44, %swap3A_45], %swap3A_48 {strides = array<i32>} : memref<2x1x200x128xf32, #tpu.memory_space<vmem>>, vector<1x1x200x32xf32>,
    %get3A_49 = arith.constant 0 : index
    %get3A_50 = arith.constant 1 : index
    %get3A_51 = arith.constant 0 : index
    %get3A_52 = arith.constant 0 : index
    %get3A_53 = vector.load %arg2[%get3A_49, %get3A_50, %get3A_51, %get3A_52] : memref<1x4x200x128xf32, #tpu.memory_space<vmem>>, vector<1x1x200x128xf32>
    %get3A_54 = vector.shape_cast %get3A_53 : vector<1x1x200x128xf32> to vector<200x128xf32>
    %dot_general3A_55 = arith.constant dense<0.000000e+00> : vector<200x32xf32>
    %dot_general3A_56 = tpu.matmul %get3A_54, %dot_general3A_5, %dot_general3A_55 {dimension_numbers = #tpu.dot_dimension_numbers<[1], [0], [0], [1], [0, 0, 1, 1], [], []>, transpose_lhs_hint = false} : vector<200x128xf32>, vector<128x32xf32>, vector<200x32xf32> -> vector<200x32xf32>
    %dot_general3A_57 = arith.constant dense<0.000000e+00> : vector<200x32xf32>
    %dot_general3A_58 = tpu.matmul %get3A_54, %dot_general3A_13, %dot_general3A_57 {dimension_numbers = #tpu.dot_dimension_numbers<[1], [0], [0], [1], [0, 0, 1, 1], [], []>, transpose_lhs_hint = false} : vector<200x128xf32>, vector<128x32xf32>, vector<200x32xf32> -> vector<200x32xf32>
    %mul3A_59 = vector.broadcast %rsqrt3A : vector<200x1xf32> to vector<200x32xf32>
    %mul3A_60 = arith.mulf %mul3A_59, %dot_general3A_56 : vector<200x32xf32>
    %swap3A_61 = arith.constant 0 : index
    %swap3A_62 = arith.constant 0 : index
    %swap3A_63 = arith.constant 0 : index
    %swap3A_64 = arith.constant 64 : index
    %swap3A_65 = vector.load %arg8[%swap3A_61, %swap3A_62, %swap3A_63, %swap3A_64] : memref<2x1x200x128xf32, #tpu.memory_space<vmem>>, vector<1x1x200x32xf32>
    %swap3A_66 = vector.shape_cast %swap3A_65 : vector<1x1x200x32xf32> to vector<200x32xf32>
    %swap3A_67 = vector.shape_cast %mul3A_60 : vector<200x32xf32> to vector<1x1x200x32xf32>
    tpu.vector_store %arg8[%swap3A_61, %swap3A_62, %swap3A_63, %swap3A_64], %swap3A_67 {strides = array<i32>} : memref<2x1x200x128xf32, #tpu.memory_space<vmem>>, vector<1x1x200x32xf32>,
    %mul3A_68 = vector.broadcast %rsqrt3A : vector<200x1xf32> to vector<200x32xf32>
    %mul3A_69 = arith.mulf %mul3A_68, %dot_general3A_58 : vector<200x32xf32>
    %swap3A_70 = arith.constant 0 : index
    %swap3A_71 = arith.constant 0 : index
    %swap3A_72 = arith.constant 0 : index
    %swap3A_73 = arith.constant 96 : index
    %swap3A_74 = vector.load %arg8[%swap3A_70, %swap3A_71, %swap3A_72, %swap3A_73] : memref<2x1x200x128xf32, #tpu.memory_space<vmem>>, vector<1x1x200x32xf32>
    %swap3A_75 = vector.shape_cast %swap3A_74 : vector<1x1x200x32xf32> to vector<200x32xf32>
    %swap3A_76 = vector.shape_cast %mul3A_69 : vector<200x32xf32> to vector<1x1x200x32xf32>
    tpu.vector_store %arg8[%swap3A_70, %swap3A_71, %swap3A_72, %swap3A_73], %swap3A_76 {strides = array<i32>} : memref<2x1x200x128xf32, #tpu.memory_space<vmem>>, vector<1x1x200x32xf32>,
    %get3A_77 = arith.constant 0 : index
    %get3A_78 = arith.constant 2 : index
    %get3A_79 = arith.constant 0 : index
    %get3A_80 = arith.constant 0 : index
    %get3A_81 = vector.load %arg2[%get3A_77, %get3A_78, %get3A_79, %get3A_80] : memref<1x4x200x128xf32, #tpu.memory_space<vmem>>, vector<1x1x200x128xf32>
    %get3A_82 = vector.shape_cast %get3A_81 : vector<1x1x200x128xf32> to vector<200x128xf32>
    %dot_general3A_83 = arith.constant dense<0.000000e+00> : vector<200x32xf32>
    %dot_general3A_84 = tpu.matmul %get3A_82, %dot_general3A_5, %dot_general3A_83 {dimension_numbers = #tpu.dot_dimension_numbers<[1], [0], [0], [1], [0, 0, 1, 1], [], []>, transpose_lhs_hint = false} : vector<200x128xf32>, vector<128x32xf32>, vector<200x32xf32> -> vector<200x32xf32>
    %dot_general3A_85 = arith.constant dense<0.000000e+00> : vector<200x32xf32>
    %dot_general3A_86 = tpu.matmul %get3A_82, %dot_general3A_13, %dot_general3A_85 {dimension_numbers = #tpu.dot_dimension_numbers<[1], [0], [0], [1], [0, 0, 1, 1], [], []>, transpose_lhs_hint = false} : vector<200x128xf32>, vector<128x32xf32>, vector<200x32xf32> -> vector<200x32xf32>
    %mul3A_87 = vector.broadcast %rsqrt3A : vector<200x1xf32> to vector<200x32xf32>
    %mul3A_88 = arith.mulf %mul3A_87, %dot_general3A_84 : vector<200x32xf32>
    %swap3A_89 = arith.constant 1 : index
    %swap3A_90 = arith.constant 0 : index
    %swap3A_91 = arith.constant 0 : index
    %swap3A_92 = arith.constant 0 : index
    %swap3A_93 = vector.load %arg8[%swap3A_89, %swap3A_90, %swap3A_91, %swap3A_92] : memref<2x1x200x128xf32, #tpu.memory_space<vmem>>, vector<1x1x200x32xf32>
    %swap3A_94 = vector.shape_cast %swap3A_93 : vector<1x1x200x32xf32> to vector<200x32xf32>
    %swap3A_95 = vector.shape_cast %mul3A_88 : vector<200x32xf32> to vector<1x1x200x32xf32>
    tpu.vector_store %arg8[%swap3A_89, %swap3A_90, %swap3A_91, %swap3A_92], %swap3A_95 {strides = array<i32>} : memref<2x1x200x128xf32, #tpu.memory_space<vmem>>, vector<1x1x200x32xf32>,
    %mul3A_96 = vector.broadcast %rsqrt3A : vector<200x1xf32> to vector<200x32xf32>
    %mul3A_97 = arith.mulf %mul3A_96, %dot_general3A_86 : vector<200x32xf32>
    %swap3A_98 = arith.constant 1 : index
    %swap3A_99 = arith.constant 0 : index
    %swap3A_100 = arith.constant 0 : index
    %swap3A_101 = arith.constant 32 : index
    %swap3A_102 = vector.load %arg8[%swap3A_98, %swap3A_99, %swap3A_100, %swap3A_101] : memref<2x1x200x128xf32, #tpu.memory_space<vmem>>, vector<1x1x200x32xf32>
    %swap3A_103 = vector.shape_cast %swap3A_102 : vector<1x1x200x32xf32> to vector<200x32xf32>
    %swap3A_104 = vector.shape_cast %mul3A_97 : vector<200x32xf32> to vector<1x1x200x32xf32>
    tpu.vector_store %arg8[%swap3A_98, %swap3A_99, %swap3A_100, %swap3A_101], %swap3A_104 {strides = array<i32>} : memref<2x1x200x128xf32, #tpu.memory_space<vmem>>, vector<1x1x200x32xf32>,
    %get3A_105 = arith.constant 0 : index
    %get3A_106 = arith.constant 3 : index
    %get3A_107 = arith.constant 0 : index
    %get3A_108 = arith.constant 0 : index
    %get3A_109 = vector.load %arg2[%get3A_105, %get3A_106, %get3A_107, %get3A_108] : memref<1x4x200x128xf32, #tpu.memory_space<vmem>>, vector<1x1x200x128xf32>
    %get3A_110 = vector.shape_cast %get3A_109 : vector<1x1x200x128xf32> to vector<200x128xf32>
    %dot_general3A_111 = arith.constant dense<0.000000e+00> : vector<200x32xf32>
    %dot_general3A_112 = tpu.matmul %get3A_110, %dot_general3A_5, %dot_general3A_111 {dimension_numbers = #tpu.dot_dimension_numbers<[1], [0], [0], [1], [0, 0, 1, 1], [], []>, transpose_lhs_hint = false} : vector<200x128xf32>, vector<128x32xf32>, vector<200x32xf32> -> vector<200x32xf32>
    %dot_general3A_113 = arith.constant dense<0.000000e+00> : vector<200x32xf32>
    %dot_general3A_114 = tpu.matmul %get3A_110, %dot_general3A_13, %dot_general3A_113 {dimension_numbers = #tpu.dot_dimension_numbers<[1], [0], [0], [1], [0, 0, 1, 1], [], []>, transpose_lhs_hint = false} : vector<200x128xf32>, vector<128x32xf32>, vector<200x32xf32> -> vector<200x32xf32>
    %mul3A_115 = vector.broadcast %rsqrt3A : vector<200x1xf32> to vector<200x32xf32>
    %mul3A_116 = arith.mulf %mul3A_115, %dot_general3A_112 : vector<200x32xf32>
    %swap3A_117 = arith.constant 1 : index
    %swap3A_118 = arith.constant 0 : index
    %swap3A_119 = arith.constant 0 : index
    %swap3A_120 = arith.constant 64 : index
    %swap3A_121 = vector.load %arg8[%swap3A_117, %swap3A_118, %swap3A_119, %swap3A_120] : memref<2x1x200x128xf32, #tpu.memory_space<vmem>>, vector<1x1x200x32xf32>
    %swap3A_122 = vector.shape_cast %swap3A_121 : vector<1x1x200x32xf32> to vector<200x32xf32>
    %swap3A_123 = vector.shape_cast %mul3A_116 : vector<200x32xf32> to vector<1x1x200x32xf32>
    tpu.vector_store %arg8[%swap3A_117, %swap3A_118, %swap3A_119, %swap3A_120], %swap3A_123 {strides = array<i32>} : memref<2x1x200x128xf32, #tpu.memory_space<vmem>>, vector<1x1x200x32xf32>,
    %mul3A_124 = vector.broadcast %rsqrt3A : vector<200x1xf32> to vector<200x32xf32>
    %mul3A_125 = arith.mulf %mul3A_124, %dot_general3A_114 : vector<200x32xf32>
    %swap3A_126 = arith.constant 1 : index
    %swap3A_127 = arith.constant 0 : index
    %swap3A_128 = arith.constant 0 : index
    %swap3A_129 = arith.constant 96 : index
    %swap3A_130 = vector.load %arg8[%swap3A_126, %swap3A_127, %swap3A_128, %swap3A_129] : memref<2x1x200x128xf32, #tpu.memory_space<vmem>>, vector<1x1x200x32xf32>
    %swap3A_131 = vector.shape_cast %swap3A_130 : vector<1x1x200x32xf32> to vector<200x32xf32>
    %swap3A_132 = vector.shape_cast %mul3A_125 : vector<200x32xf32> to vector<1x1x200x32xf32>
    tpu.vector_store %arg8[%swap3A_126, %swap3A_127, %swap3A_128, %swap3A_129], %swap3A_132 {strides = array<i32>} : memref<2x1x200x128xf32, #tpu.memory_space<vmem>>, vector<1x1x200x32xf32>,
    return
  }
  func.func @transform_0(%arg0: i32, %arg1: i32) -> (i32, i32, i32, i32) {
    %c0_i32 = arith.constant 0 : i32
    %c0_i32_0 = arith.constant 0 : i32
    %c0_i32_1 = arith.constant 0 : i32
    return %arg0, %c0_i32, %arg1, %c0_i32_0 : i32, i32, i32, i32
  }
  func.func @transform_1(%arg0: i32, %arg1: i32) -> (i32, i32) {
    %c0_i32 = arith.constant 0 : i32
    %c0_i32_0 = arith.constant 0 : i32
    return %arg1, %c0_i32 : i32, i32
  }
  func.func @transform_2(%arg0: i32, %arg1: i32) -> (i32, i32) {
    %c0_i32 = arith.constant 0 : i32
    %c0_i32_0 = arith.constant 0 : i32
    %c0_i32_1 = arith.constant 0 : i32
    return %c0_i32, %c0_i32_0 : i32, i32
  }
  func.func @transform_3(%arg0: i32, %arg1: i32) -> (i32, i32) {
    %c0_i32 = arith.constant 0 : i32
    %c0_i32_0 = arith.constant 0 : i32
    %c0_i32_1 = arith.constant 0 : i32
    return %c0_i32, %c0_i32_0 : i32, i32
  }
  func.func @transform_4(%arg0: i32, %arg1: i32) -> (i32, i32) {
    %c0_i32 = arith.constant 0 : i32
    %c0_i32_0 = arith.constant 0 : i32
    %c0_i32_1 = arith.constant 0 : i32
    return %c0_i32, %c0_i32_0 : i32, i32
  }
  func.func @transform_5(%arg0: i32, %arg1: i32) -> (i32, i32) {
    %c0_i32 = arith.constant 0 : i32
    %c0_i32_0 = arith.constant 0 : i32
    %c0_i32_1 = arith.constant 0 : i32
    return %c0_i32, %c0_i32_0 : i32, i32
  }
  func.func @transform_6(%arg0: i32, %arg1: i32) -> (i32, i32, i32, i32) {
    %c0_i32 = arith.constant 0 : i32
    %c0_i32_0 = arith.constant 0 : i32
    %c0_i32_1 = arith.constant 0 : i32
    return %c0_i32, %arg0, %arg1, %c0_i32_0 : i32, i32, i32, i32
  }
}

module attributes {stable_mosaic.version = 14 : i64} {
  func.func @_head_body(%arg0: i32, %arg1: memref<2x12x200x128xf32, #tpu.memory_space<vmem>>, %arg2: memref<2x12x200x128xf32, #tpu.memory_space<vmem>>, %arg3: memref<200x2xf32, #tpu.memory_space<vmem>>, %arg4: memref<1x12xf32, #tpu.memory_space<vmem>>, %arg5: memref<1x32xf32, #tpu.memory_space<vmem>>, %arg6: memref<64x32xf32, #tpu.memory_space<vmem>>, %arg7: memref<1x32xf32, #tpu.memory_space<vmem>>, %arg8: memref<1x32xf32, #tpu.memory_space<vmem>>, %arg9: memref<64x32xf32, #tpu.memory_space<vmem>>, %arg10: memref<1x32xf32, #tpu.memory_space<vmem>>, %arg11: memref<32x16xf32, #tpu.memory_space<vmem>>, %arg12: memref<1x16xf32, #tpu.memory_space<vmem>>, %arg13: memref<16x12xf32, #tpu.memory_space<vmem>>, %arg14: memref<1x12xf32, #tpu.memory_space<vmem>>, %arg15: memref<4x200x12xf32, #tpu.memory_space<vmem>>) attributes {dimension_semantics = [#tpu.dimension_semantics<arbitrary>], iteration_bounds = array<i64: 50>, scalar_prefetch = 0 : i64, scratch_operands = 0 : i64, tpu.core_type = #tpu.core_type<tc>, window_params = [{transform_indices = @transform_0, window_bounds = array<i64: 2, 12, 200, 128>}, {transform_indices = @transform_1, window_bounds = array<i64: 2, 12, 200, 128>}, {transform_indices = @transform_2, window_bounds = array<i64: 200, 2>}, {pipeline_mode = #tpu.pipeline_mode<synchronous>, transform_indices = @transform_3, window_bounds = array<i64: 1, 12>}, {pipeline_mode = #tpu.pipeline_mode<synchronous>, transform_indices = @transform_4, window_bounds = array<i64: 1, 32>}, {pipeline_mode = #tpu.pipeline_mode<synchronous>, transform_indices = @transform_5, window_bounds = array<i64: 64, 32>}, {pipeline_mode = #tpu.pipeline_mode<synchronous>, transform_indices = @transform_6, window_bounds = array<i64: 1, 32>}, {pipeline_mode = #tpu.pipeline_mode<synchronous>, transform_indices = @transform_7, window_bounds = array<i64: 1, 32>}, {pipeline_mode = #tpu.pipeline_mode<synchronous>, transform_indices = @transform_8, window_bounds = array<i64: 64, 32>}, {pipeline_mode = #tpu.pipeline_mode<synchronous>, transform_indices = @transform_9, window_bounds = array<i64: 1, 32>}, {pipeline_mode = #tpu.pipeline_mode<synchronous>, transform_indices = @transform_10, window_bounds = array<i64: 32, 16>}, {pipeline_mode = #tpu.pipeline_mode<synchronous>, transform_indices = @transform_11, window_bounds = array<i64: 1, 16>}, {pipeline_mode = #tpu.pipeline_mode<synchronous>, transform_indices = @transform_12, window_bounds = array<i64: 16, 12>}, {pipeline_mode = #tpu.pipeline_mode<synchronous>, transform_indices = @transform_13, window_bounds = array<i64: 1, 12>}, {transform_indices = @transform_14, window_bounds = array<i64: 4, 200, 12>}]} {
    %get3A = arith.constant 0 : index
    %get3A_0 = arith.constant 0 : index
    %get3A_1 = vector.load %arg4[%get3A, %get3A_0] : memref<1x12xf32, #tpu.memory_space<vmem>>, vector<1x12xf32>
    %get3A_2 = vector.shape_cast %get3A_1 : vector<1x12xf32> to vector<12xf32>
    %reduce_max3A = vector.shape_cast %get3A_2 : vector<12xf32> to vector<1x12xf32>
    %reduce_max3A_3 = arith.constant dense<0xFF800000> : vector<1xf32>
    %reduce_max3A_4 = vector.multi_reduction <maximumf>, %reduce_max3A, %reduce_max3A_3 [1] : vector<1x12xf32> to vector<1xf32>
    %reduce_max3A_5 = vector.shape_cast %reduce_max3A_4 : vector<1xf32> to vector<1x1xf32>
    %reduce_max3A_6 = vector.extract %reduce_max3A_5[0, 0] : f32 from vector<1x1xf32>
    %sub3A = vector.broadcast %reduce_max3A_6 : f32 to vector<12xf32>
    %sub3A_7 = arith.subf %get3A_2, %sub3A : vector<12xf32>
    %exp3A = math.exp %sub3A_7 : vector<12xf32>
    %reduce_sum3A = vector.shape_cast %exp3A : vector<12xf32> to vector<1x12xf32>
    %reduce_sum3A_8 = arith.constant dense<0.000000e+00> : vector<1xf32>
    %reduce_sum3A_9 = vector.multi_reduction <add>, %reduce_sum3A, %reduce_sum3A_8 [1] : vector<1x12xf32> to vector<1xf32>
    %reduce_sum3A_10 = vector.shape_cast %reduce_sum3A_9 : vector<1xf32> to vector<1x1xf32>
    %reduce_sum3A_11 = vector.extract %reduce_sum3A_10[0, 0] : f32 from vector<1x1xf32>
    %div3A = vector.broadcast %reduce_sum3A_11 : f32 to vector<12xf32>
    %div3A_12 = arith.divf %exp3A, %div3A : vector<12xf32>
    %get3A_13 = arith.constant 0 : index
    %get3A_14 = arith.constant 0 : index
    %get3A_15 = vector.load %arg5[%get3A_13, %get3A_14] : memref<1x32xf32, #tpu.memory_space<vmem>>, vector<1x32xf32>
    %get3A_16 = arith.constant 0 : index
    %get3A_17 = arith.constant 0 : index
    %get3A_18 = vector.load %arg6[%get3A_16, %get3A_17] : memref<64x32xf32, #tpu.memory_space<vmem>>, vector<32x32xf32>
    %dot_general3A = arith.constant dense<0.000000e+00> : vector<1x32xf32>
    %dot_general3A_19 = tpu.matmul %get3A_15, %get3A_18, %dot_general3A {dimension_numbers = #tpu.dot_dimension_numbers<[1], [0], [0], [1], [0, 0, 1, 1], [], []>, transpose_lhs_hint = false} : vector<1x32xf32>, vector<32x32xf32>, vector<1x32xf32> -> vector<1x32xf32>
    %get3A_20 = arith.constant 0 : index
    %get3A_21 = arith.constant 0 : index
    %get3A_22 = vector.load %arg7[%get3A_20, %get3A_21] : memref<1x32xf32, #tpu.memory_space<vmem>>, vector<1x32xf32>
    %add3A = arith.addf %dot_general3A_19, %get3A_22 : vector<1x32xf32>
    %get3A_23 = arith.constant 0 : index
    %get3A_24 = arith.constant 0 : index
    %get3A_25 = vector.load %arg8[%get3A_23, %get3A_24] : memref<1x32xf32, #tpu.memory_space<vmem>>, vector<1x32xf32>
    %get3A_26 = arith.constant 0 : index
    %get3A_27 = arith.constant 0 : index
    %get3A_28 = vector.load %arg9[%get3A_26, %get3A_27] : memref<64x32xf32, #tpu.memory_space<vmem>>, vector<32x32xf32>
    %dot_general3A_29 = arith.constant dense<0.000000e+00> : vector<1x32xf32>
    %dot_general3A_30 = tpu.matmul %get3A_25, %get3A_28, %dot_general3A_29 {dimension_numbers = #tpu.dot_dimension_numbers<[1], [0], [0], [1], [0, 0, 1, 1], [], []>, transpose_lhs_hint = false} : vector<1x32xf32>, vector<32x32xf32>, vector<1x32xf32> -> vector<1x32xf32>
    %get3A_31 = arith.constant 0 : index
    %get3A_32 = arith.constant 0 : index
    %get3A_33 = vector.load %arg10[%get3A_31, %get3A_32] : memref<1x32xf32, #tpu.memory_space<vmem>>, vector<1x32xf32>
    %add3A_34 = arith.addf %dot_general3A_30, %get3A_33 : vector<1x32xf32>
    %get3A_35 = arith.constant 0 : index
    %get3A_36 = arith.constant 0 : index
    %get3A_37 = vector.load %arg3[%get3A_35, %get3A_36] : memref<200x2xf32, #tpu.memory_space<vmem>>, vector<200x1xf32>
    %get3A_38 = arith.constant 0 : index
    %get3A_39 = arith.constant 1 : index
    %get3A_40 = vector.load %arg3[%get3A_38, %get3A_39] : memref<200x2xf32, #tpu.memory_space<vmem>>, vector<200x1xf32>
    %add3A_41 = arith.addf %get3A_37, %get3A_40 : vector<200x1xf32>
    %add3A_42 = arith.constant 1.000000e+00 : f32
    %add3A_43 = vector.broadcast %add3A_42 : f32 to vector<200x1xf32>
    %add3A_44 = arith.addf %add3A_41, %add3A_43 : vector<200x1xf32>
    %rsqrt3A = math.rsqrt %add3A_44 : vector<200x1xf32>
    %broadcast_in_dim3A = arith.constant 0.000000e+00 : f32
    %broadcast_in_dim3A_45 = vector.broadcast %broadcast_in_dim3A : f32 to vector<200x32xf32>
    %broadcast_in_dim3A_46 = arith.constant 0.000000e+00 : f32
    %broadcast_in_dim3A_47 = vector.broadcast %broadcast_in_dim3A_46 : f32 to vector<200x32xf32>
    %broadcast_in_dim3A_48 = arith.constant 0.000000e+00 : f32
    %broadcast_in_dim3A_49 = vector.broadcast %broadcast_in_dim3A_48 : f32 to vector<200x32xf32>
    %broadcast_in_dim3A_50 = arith.constant 0.000000e+00 : f32
    %broadcast_in_dim3A_51 = vector.broadcast %broadcast_in_dim3A_50 : f32 to vector<200x32xf32>
    %slice3A = vector.extract_strided_slice %div3A_12 {offsets = [0], sizes = [1], strides = [1]} : vector<12xf32> to vector<1xf32>
    %squeeze3A = vector.extract %slice3A[0] : f32 from vector<1xf32>
    %get3A_52 = arith.constant 0 : index
    %get3A_53 = arith.constant 0 : index
    %get3A_54 = arith.constant 0 : index
    %get3A_55 = arith.constant 0 : index
    %get3A_56 = vector.load %arg1[%get3A_52, %get3A_53, %get3A_54, %get3A_55] : memref<2x12x200x128xf32, #tpu.memory_space<vmem>>, vector<1x1x200x128xf32>
    %get3A_57 = vector.shape_cast %get3A_56 : vector<1x1x200x128xf32> to vector<200x128xf32>
    %get3A_58 = arith.constant 0 : index
    %get3A_59 = arith.constant 0 : index
    %get3A_60 = arith.constant 0 : index
    %get3A_61 = arith.constant 0 : index
    %get3A_62 = vector.load %arg2[%get3A_58, %get3A_59, %get3A_60, %get3A_61] : memref<2x12x200x128xf32, #tpu.memory_space<vmem>>, vector<1x1x200x128xf32>
    %get3A_63 = vector.shape_cast %get3A_62 : vector<1x1x200x128xf32> to vector<200x128xf32>
    %add3A_64 = arith.addf %get3A_57, %get3A_63 : vector<200x128xf32>
    %mul3A = vector.broadcast %rsqrt3A : vector<200x1xf32> to vector<200x128xf32>
    %mul3A_65 = arith.mulf %mul3A, %add3A_64 : vector<200x128xf32>
    %slice3A_66 = vector.extract_strided_slice %mul3A_65 {offsets = [0, 0], sizes = [200, 32], strides = [1, 1]} : vector<200x128xf32> to vector<200x32xf32>
    %add3A_67 = vector.broadcast %add3A : vector<1x32xf32> to vector<200x32xf32>
    %add3A_68 = arith.addf %slice3A_66, %add3A_67 : vector<200x32xf32>
    %slice3A_69 = vector.extract_strided_slice %mul3A_65 {offsets = [0, 32], sizes = [200, 32], strides = [1, 1]} : vector<200x128xf32> to vector<200x32xf32>
    %add3A_70 = vector.broadcast %add3A_34 : vector<1x32xf32> to vector<200x32xf32>
    %add3A_71 = arith.addf %slice3A_69, %add3A_70 : vector<200x32xf32>
    %logistic3A = arith.negf %add3A_68 : vector<200x32xf32>
    %logistic3A_72 = math.exp %logistic3A : vector<200x32xf32>
    %logistic3A_73 = arith.constant 1.000000e+00 : f32
    %logistic3A_74 = vector.broadcast %logistic3A_73 : f32 to vector<200x32xf32>
    %logistic3A_75 = arith.addf %logistic3A_74, %logistic3A_72 : vector<200x32xf32>
    %logistic3A_76 = arith.divf %logistic3A_74, %logistic3A_75 : vector<200x32xf32>
    %sub3A_77 = arith.constant 1.000000e+00 : f32
    %sub3A_78 = vector.broadcast %sub3A_77 : f32 to vector<200x32xf32>
    %sub3A_79 = arith.subf %sub3A_78, %logistic3A_76 : vector<200x32xf32>
    %tanh3A = math.tanh %add3A_71 : vector<200x32xf32>
    %mul3A_80 = arith.mulf %sub3A_79, %tanh3A : vector<200x32xf32>
    %mul3A_81 = vector.broadcast %squeeze3A : f32 to vector<200x32xf32>
    %mul3A_82 = arith.mulf %mul3A_81, %mul3A_80 : vector<200x32xf32>
    %add3A_83 = arith.addf %broadcast_in_dim3A_45, %mul3A_82 : vector<200x32xf32>
    %slice3A_84 = vector.extract_strided_slice %mul3A_65 {offsets = [0, 64], sizes = [200, 32], strides = [1, 1]} : vector<200x128xf32> to vector<200x32xf32>
    %add3A_85 = vector.broadcast %add3A : vector<1x32xf32> to vector<200x32xf32>
    %add3A_86 = arith.addf %slice3A_84, %add3A_85 : vector<200x32xf32>
    %slice3A_87 = vector.extract_strided_slice %mul3A_65 {offsets = [0, 96], sizes = [200, 32], strides = [1, 1]} : vector<200x128xf32> to vector<200x32xf32>
    %add3A_88 = vector.broadcast %add3A_34 : vector<1x32xf32> to vector<200x32xf32>
    %add3A_89 = arith.addf %slice3A_87, %add3A_88 : vector<200x32xf32>
    %logistic3A_90 = arith.negf %add3A_86 : vector<200x32xf32>
    %logistic3A_91 = math.exp %logistic3A_90 : vector<200x32xf32>
    %logistic3A_92 = arith.constant 1.000000e+00 : f32
    %logistic3A_93 = vector.broadcast %logistic3A_92 : f32 to vector<200x32xf32>
    %logistic3A_94 = arith.addf %logistic3A_93, %logistic3A_91 : vector<200x32xf32>
    %logistic3A_95 = arith.divf %logistic3A_93, %logistic3A_94 : vector<200x32xf32>
    %sub3A_96 = arith.constant 1.000000e+00 : f32
    %sub3A_97 = vector.broadcast %sub3A_96 : f32 to vector<200x32xf32>
    %sub3A_98 = arith.subf %sub3A_97, %logistic3A_95 : vector<200x32xf32>
    %tanh3A_99 = math.tanh %add3A_89 : vector<200x32xf32>
    %mul3A_100 = arith.mulf %sub3A_98, %tanh3A_99 : vector<200x32xf32>
    %mul3A_101 = vector.broadcast %squeeze3A : f32 to vector<200x32xf32>
    %mul3A_102 = arith.mulf %mul3A_101, %mul3A_100 : vector<200x32xf32>
    %add3A_103 = arith.addf %broadcast_in_dim3A_47, %mul3A_102 : vector<200x32xf32>
    %get3A_104 = arith.constant 1 : index
    %get3A_105 = arith.constant 0 : index
    %get3A_106 = arith.constant 0 : index
    %get3A_107 = arith.constant 0 : index
    %get3A_108 = vector.load %arg1[%get3A_104, %get3A_105, %get3A_106, %get3A_107] : memref<2x12x200x128xf32, #tpu.memory_space<vmem>>, vector<1x1x200x128xf32>
    %get3A_109 = vector.shape_cast %get3A_108 : vector<1x1x200x128xf32> to vector<200x128xf32>
    %get3A_110 = arith.constant 1 : index
    %get3A_111 = arith.constant 0 : index
    %get3A_112 = arith.constant 0 : index
    %get3A_113 = arith.constant 0 : index
    %get3A_114 = vector.load %arg2[%get3A_110, %get3A_111, %get3A_112, %get3A_113] : memref<2x12x200x128xf32, #tpu.memory_space<vmem>>, vector<1x1x200x128xf32>
    %get3A_115 = vector.shape_cast %get3A_114 : vector<1x1x200x128xf32> to vector<200x128xf32>
    %add3A_116 = arith.addf %get3A_109, %get3A_115 : vector<200x128xf32>
    %mul3A_117 = vector.broadcast %rsqrt3A : vector<200x1xf32> to vector<200x128xf32>
    %mul3A_118 = arith.mulf %mul3A_117, %add3A_116 : vector<200x128xf32>
    %slice3A_119 = vector.extract_strided_slice %mul3A_118 {offsets = [0, 0], sizes = [200, 32], strides = [1, 1]} : vector<200x128xf32> to vector<200x32xf32>
    %add3A_120 = vector.broadcast %add3A : vector<1x32xf32> to vector<200x32xf32>
    %add3A_121 = arith.addf %slice3A_119, %add3A_120 : vector<200x32xf32>
    %slice3A_122 = vector.extract_strided_slice %mul3A_118 {offsets = [0, 32], sizes = [200, 32], strides = [1, 1]} : vector<200x128xf32> to vector<200x32xf32>
    %add3A_123 = vector.broadcast %add3A_34 : vector<1x32xf32> to vector<200x32xf32>
    %add3A_124 = arith.addf %slice3A_122, %add3A_123 : vector<200x32xf32>
    %logistic3A_125 = arith.negf %add3A_121 : vector<200x32xf32>
    %logistic3A_126 = math.exp %logistic3A_125 : vector<200x32xf32>
    %logistic3A_127 = arith.constant 1.000000e+00 : f32
    %logistic3A_128 = vector.broadcast %logistic3A_127 : f32 to vector<200x32xf32>
    %logistic3A_129 = arith.addf %logistic3A_128, %logistic3A_126 : vector<200x32xf32>
    %logistic3A_130 = arith.divf %logistic3A_128, %logistic3A_129 : vector<200x32xf32>
    %sub3A_131 = arith.constant 1.000000e+00 : f32
    %sub3A_132 = vector.broadcast %sub3A_131 : f32 to vector<200x32xf32>
    %sub3A_133 = arith.subf %sub3A_132, %logistic3A_130 : vector<200x32xf32>
    %tanh3A_134 = math.tanh %add3A_124 : vector<200x32xf32>
    %mul3A_135 = arith.mulf %sub3A_133, %tanh3A_134 : vector<200x32xf32>
    %mul3A_136 = vector.broadcast %squeeze3A : f32 to vector<200x32xf32>
    %mul3A_137 = arith.mulf %mul3A_136, %mul3A_135 : vector<200x32xf32>
    %add3A_138 = arith.addf %broadcast_in_dim3A_49, %mul3A_137 : vector<200x32xf32>
    %slice3A_139 = vector.extract_strided_slice %mul3A_118 {offsets = [0, 64], sizes = [200, 32], strides = [1, 1]} : vector<200x128xf32> to vector<200x32xf32>
    %add3A_140 = vector.broadcast %add3A : vector<1x32xf32> to vector<200x32xf32>
    %add3A_141 = arith.addf %slice3A_139, %add3A_140 : vector<200x32xf32>
    %slice3A_142 = vector.extract_strided_slice %mul3A_118 {offsets = [0, 96], sizes = [200, 32], strides = [1, 1]} : vector<200x128xf32> to vector<200x32xf32>
    %add3A_143 = vector.broadcast %add3A_34 : vector<1x32xf32> to vector<200x32xf32>
    %add3A_144 = arith.addf %slice3A_142, %add3A_143 : vector<200x32xf32>
    %logistic3A_145 = arith.negf %add3A_141 : vector<200x32xf32>
    %logistic3A_146 = math.exp %logistic3A_145 : vector<200x32xf32>
    %logistic3A_147 = arith.constant 1.000000e+00 : f32
    %logistic3A_148 = vector.broadcast %logistic3A_147 : f32 to vector<200x32xf32>
    %logistic3A_149 = arith.addf %logistic3A_148, %logistic3A_146 : vector<200x32xf32>
    %logistic3A_150 = arith.divf %logistic3A_148, %logistic3A_149 : vector<200x32xf32>
    %sub3A_151 = arith.constant 1.000000e+00 : f32
    %sub3A_152 = vector.broadcast %sub3A_151 : f32 to vector<200x32xf32>
    %sub3A_153 = arith.subf %sub3A_152, %logistic3A_150 : vector<200x32xf32>
    %tanh3A_154 = math.tanh %add3A_144 : vector<200x32xf32>
    %mul3A_155 = arith.mulf %sub3A_153, %tanh3A_154 : vector<200x32xf32>
    %mul3A_156 = vector.broadcast %squeeze3A : f32 to vector<200x32xf32>
    %mul3A_157 = arith.mulf %mul3A_156, %mul3A_155 : vector<200x32xf32>
    %add3A_158 = arith.addf %broadcast_in_dim3A_51, %mul3A_157 : vector<200x32xf32>
    %slice3A_159 = vector.extract_strided_slice %div3A_12 {offsets = [1], sizes = [1], strides = [1]} : vector<12xf32> to vector<1xf32>
    %squeeze3A_160 = vector.extract %slice3A_159[0] : f32 from vector<1xf32>
    %get3A_161 = arith.constant 0 : index
    %get3A_162 = arith.constant 1 : index
    %get3A_163 = arith.constant 0 : index
    %get3A_164 = arith.constant 0 : index
    %get3A_165 = vector.load %arg1[%get3A_161, %get3A_162, %get3A_163, %get3A_164] : memref<2x12x200x128xf32, #tpu.memory_space<vmem>>, vector<1x1x200x128xf32>
    %get3A_166 = vector.shape_cast %get3A_165 : vector<1x1x200x128xf32> to vector<200x128xf32>
    %get3A_167 = arith.constant 0 : index
    %get3A_168 = arith.constant 1 : index
    %get3A_169 = arith.constant 0 : index
    %get3A_170 = arith.constant 0 : index
    %get3A_171 = vector.load %arg2[%get3A_167, %get3A_168, %get3A_169, %get3A_170] : memref<2x12x200x128xf32, #tpu.memory_space<vmem>>, vector<1x1x200x128xf32>
    %get3A_172 = vector.shape_cast %get3A_171 : vector<1x1x200x128xf32> to vector<200x128xf32>
    %add3A_173 = arith.addf %get3A_166, %get3A_172 : vector<200x128xf32>
    %mul3A_174 = vector.broadcast %rsqrt3A : vector<200x1xf32> to vector<200x128xf32>
    %mul3A_175 = arith.mulf %mul3A_174, %add3A_173 : vector<200x128xf32>
    %slice3A_176 = vector.extract_strided_slice %mul3A_175 {offsets = [0, 0], sizes = [200, 32], strides = [1, 1]} : vector<200x128xf32> to vector<200x32xf32>
    %add3A_177 = vector.broadcast %add3A : vector<1x32xf32> to vector<200x32xf32>
    %add3A_178 = arith.addf %slice3A_176, %add3A_177 : vector<200x32xf32>
    %slice3A_179 = vector.extract_strided_slice %mul3A_175 {offsets = [0, 32], sizes = [200, 32], strides = [1, 1]} : vector<200x128xf32> to vector<200x32xf32>
    %add3A_180 = vector.broadcast %add3A_34 : vector<1x32xf32> to vector<200x32xf32>
    %add3A_181 = arith.addf %slice3A_179, %add3A_180 : vector<200x32xf32>
    %logistic3A_182 = arith.negf %add3A_178 : vector<200x32xf32>
    %logistic3A_183 = math.exp %logistic3A_182 : vector<200x32xf32>
    %logistic3A_184 = arith.constant 1.000000e+00 : f32
    %logistic3A_185 = vector.broadcast %logistic3A_184 : f32 to vector<200x32xf32>
    %logistic3A_186 = arith.addf %logistic3A_185, %logistic3A_183 : vector<200x32xf32>
    %logistic3A_187 = arith.divf %logistic3A_185, %logistic3A_186 : vector<200x32xf32>
    %sub3A_188 = arith.constant 1.000000e+00 : f32
    %sub3A_189 = vector.broadcast %sub3A_188 : f32 to vector<200x32xf32>
    %sub3A_190 = arith.subf %sub3A_189, %logistic3A_187 : vector<200x32xf32>
    %tanh3A_191 = math.tanh %add3A_181 : vector<200x32xf32>
    %mul3A_192 = arith.mulf %sub3A_190, %tanh3A_191 : vector<200x32xf32>
    %mul3A_193 = vector.broadcast %squeeze3A_160 : f32 to vector<200x32xf32>
    %mul3A_194 = arith.mulf %mul3A_193, %mul3A_192 : vector<200x32xf32>
    %add3A_195 = arith.addf %add3A_83, %mul3A_194 : vector<200x32xf32>
    %slice3A_196 = vector.extract_strided_slice %mul3A_175 {offsets = [0, 64], sizes = [200, 32], strides = [1, 1]} : vector<200x128xf32> to vector<200x32xf32>
    %add3A_197 = vector.broadcast %add3A : vector<1x32xf32> to vector<200x32xf32>
    %add3A_198 = arith.addf %slice3A_196, %add3A_197 : vector<200x32xf32>
    %slice3A_199 = vector.extract_strided_slice %mul3A_175 {offsets = [0, 96], sizes = [200, 32], strides = [1, 1]} : vector<200x128xf32> to vector<200x32xf32>
    %add3A_200 = vector.broadcast %add3A_34 : vector<1x32xf32> to vector<200x32xf32>
    %add3A_201 = arith.addf %slice3A_199, %add3A_200 : vector<200x32xf32>
    %logistic3A_202 = arith.negf %add3A_198 : vector<200x32xf32>
    %logistic3A_203 = math.exp %logistic3A_202 : vector<200x32xf32>
    %logistic3A_204 = arith.constant 1.000000e+00 : f32
    %logistic3A_205 = vector.broadcast %logistic3A_204 : f32 to vector<200x32xf32>
    %logistic3A_206 = arith.addf %logistic3A_205, %logistic3A_203 : vector<200x32xf32>
    %logistic3A_207 = arith.divf %logistic3A_205, %logistic3A_206 : vector<200x32xf32>
    %sub3A_208 = arith.constant 1.000000e+00 : f32
    %sub3A_209 = vector.broadcast %sub3A_208 : f32 to vector<200x32xf32>
    %sub3A_210 = arith.subf %sub3A_209, %logistic3A_207 : vector<200x32xf32>
    %tanh3A_211 = math.tanh %add3A_201 : vector<200x32xf32>
    %mul3A_212 = arith.mulf %sub3A_210, %tanh3A_211 : vector<200x32xf32>
    %mul3A_213 = vector.broadcast %squeeze3A_160 : f32 to vector<200x32xf32>
    %mul3A_214 = arith.mulf %mul3A_213, %mul3A_212 : vector<200x32xf32>
    %add3A_215 = arith.addf %add3A_103, %mul3A_214 : vector<200x32xf32>
    %get3A_216 = arith.constant 1 : index
    %get3A_217 = arith.constant 1 : index
    %get3A_218 = arith.constant 0 : index
    %get3A_219 = arith.constant 0 : index
    %get3A_220 = vector.load %arg1[%get3A_216, %get3A_217, %get3A_218, %get3A_219] : memref<2x12x200x128xf32, #tpu.memory_space<vmem>>, vector<1x1x200x128xf32>
    %get3A_221 = vector.shape_cast %get3A_220 : vector<1x1x200x128xf32> to vector<200x128xf32>
    %get3A_222 = arith.constant 1 : index
    %get3A_223 = arith.constant 1 : index
    %get3A_224 = arith.constant 0 : index
    %get3A_225 = arith.constant 0 : index
    %get3A_226 = vector.load %arg2[%get3A_222, %get3A_223, %get3A_224, %get3A_225] : memref<2x12x200x128xf32, #tpu.memory_space<vmem>>, vector<1x1x200x128xf32>
    %get3A_227 = vector.shape_cast %get3A_226 : vector<1x1x200x128xf32> to vector<200x128xf32>
    %add3A_228 = arith.addf %get3A_221, %get3A_227 : vector<200x128xf32>
    %mul3A_229 = vector.broadcast %rsqrt3A : vector<200x1xf32> to vector<200x128xf32>
    %mul3A_230 = arith.mulf %mul3A_229, %add3A_228 : vector<200x128xf32>
    %slice3A_231 = vector.extract_strided_slice %mul3A_230 {offsets = [0, 0], sizes = [200, 32], strides = [1, 1]} : vector<200x128xf32> to vector<200x32xf32>
    %add3A_232 = vector.broadcast %add3A : vector<1x32xf32> to vector<200x32xf32>
    %add3A_233 = arith.addf %slice3A_231, %add3A_232 : vector<200x32xf32>
    %slice3A_234 = vector.extract_strided_slice %mul3A_230 {offsets = [0, 32], sizes = [200, 32], strides = [1, 1]} : vector<200x128xf32> to vector<200x32xf32>
    %add3A_235 = vector.broadcast %add3A_34 : vector<1x32xf32> to vector<200x32xf32>
    %add3A_236 = arith.addf %slice3A_234, %add3A_235 : vector<200x32xf32>
    %logistic3A_237 = arith.negf %add3A_233 : vector<200x32xf32>
    %logistic3A_238 = math.exp %logistic3A_237 : vector<200x32xf32>
    %logistic3A_239 = arith.constant 1.000000e+00 : f32
    %logistic3A_240 = vector.broadcast %logistic3A_239 : f32 to vector<200x32xf32>
    %logistic3A_241 = arith.addf %logistic3A_240, %logistic3A_238 : vector<200x32xf32>
    %logistic3A_242 = arith.divf %logistic3A_240, %logistic3A_241 : vector<200x32xf32>
    %sub3A_243 = arith.constant 1.000000e+00 : f32
    %sub3A_244 = vector.broadcast %sub3A_243 : f32 to vector<200x32xf32>
    %sub3A_245 = arith.subf %sub3A_244, %logistic3A_242 : vector<200x32xf32>
    %tanh3A_246 = math.tanh %add3A_236 : vector<200x32xf32>
    %mul3A_247 = arith.mulf %sub3A_245, %tanh3A_246 : vector<200x32xf32>
    %mul3A_248 = vector.broadcast %squeeze3A_160 : f32 to vector<200x32xf32>
    %mul3A_249 = arith.mulf %mul3A_248, %mul3A_247 : vector<200x32xf32>
    %add3A_250 = arith.addf %add3A_138, %mul3A_249 : vector<200x32xf32>
    %slice3A_251 = vector.extract_strided_slice %mul3A_230 {offsets = [0, 64], sizes = [200, 32], strides = [1, 1]} : vector<200x128xf32> to vector<200x32xf32>
    %add3A_252 = vector.broadcast %add3A : vector<1x32xf32> to vector<200x32xf32>
    %add3A_253 = arith.addf %slice3A_251, %add3A_252 : vector<200x32xf32>
    %slice3A_254 = vector.extract_strided_slice %mul3A_230 {offsets = [0, 96], sizes = [200, 32], strides = [1, 1]} : vector<200x128xf32> to vector<200x32xf32>
    %add3A_255 = vector.broadcast %add3A_34 : vector<1x32xf32> to vector<200x32xf32>
    %add3A_256 = arith.addf %slice3A_254, %add3A_255 : vector<200x32xf32>
    %logistic3A_257 = arith.negf %add3A_253 : vector<200x32xf32>
    %logistic3A_258 = math.exp %logistic3A_257 : vector<200x32xf32>
    %logistic3A_259 = arith.constant 1.000000e+00 : f32
    %logistic3A_260 = vector.broadcast %logistic3A_259 : f32 to vector<200x32xf32>
    %logistic3A_261 = arith.addf %logistic3A_260, %logistic3A_258 : vector<200x32xf32>
    %logistic3A_262 = arith.divf %logistic3A_260, %logistic3A_261 : vector<200x32xf32>
    %sub3A_263 = arith.constant 1.000000e+00 : f32
    %sub3A_264 = vector.broadcast %sub3A_263 : f32 to vector<200x32xf32>
    %sub3A_265 = arith.subf %sub3A_264, %logistic3A_262 : vector<200x32xf32>
    %tanh3A_266 = math.tanh %add3A_256 : vector<200x32xf32>
    %mul3A_267 = arith.mulf %sub3A_265, %tanh3A_266 : vector<200x32xf32>
    %mul3A_268 = vector.broadcast %squeeze3A_160 : f32 to vector<200x32xf32>
    %mul3A_269 = arith.mulf %mul3A_268, %mul3A_267 : vector<200x32xf32>
    %add3A_270 = arith.addf %add3A_158, %mul3A_269 : vector<200x32xf32>
    %slice3A_271 = vector.extract_strided_slice %div3A_12 {offsets = [2], sizes = [1], strides = [1]} : vector<12xf32> to vector<1xf32>
    %squeeze3A_272 = vector.extract %slice3A_271[0] : f32 from vector<1xf32>
    %get3A_273 = arith.constant 0 : index
    %get3A_274 = arith.constant 2 : index
    %get3A_275 = arith.constant 0 : index
    %get3A_276 = arith.constant 0 : index
    %get3A_277 = vector.load %arg1[%get3A_273, %get3A_274, %get3A_275, %get3A_276] : memref<2x12x200x128xf32, #tpu.memory_space<vmem>>, vector<1x1x200x128xf32>
    %get3A_278 = vector.shape_cast %get3A_277 : vector<1x1x200x128xf32> to vector<200x128xf32>
    %get3A_279 = arith.constant 0 : index
    %get3A_280 = arith.constant 2 : index
    %get3A_281 = arith.constant 0 : index
    %get3A_282 = arith.constant 0 : index
    %get3A_283 = vector.load %arg2[%get3A_279, %get3A_280, %get3A_281, %get3A_282] : memref<2x12x200x128xf32, #tpu.memory_space<vmem>>, vector<1x1x200x128xf32>
    %get3A_284 = vector.shape_cast %get3A_283 : vector<1x1x200x128xf32> to vector<200x128xf32>
    %add3A_285 = arith.addf %get3A_278, %get3A_284 : vector<200x128xf32>
    %mul3A_286 = vector.broadcast %rsqrt3A : vector<200x1xf32> to vector<200x128xf32>
    %mul3A_287 = arith.mulf %mul3A_286, %add3A_285 : vector<200x128xf32>
    %slice3A_288 = vector.extract_strided_slice %mul3A_287 {offsets = [0, 0], sizes = [200, 32], strides = [1, 1]} : vector<200x128xf32> to vector<200x32xf32>
    %add3A_289 = vector.broadcast %add3A : vector<1x32xf32> to vector<200x32xf32>
    %add3A_290 = arith.addf %slice3A_288, %add3A_289 : vector<200x32xf32>
    %slice3A_291 = vector.extract_strided_slice %mul3A_287 {offsets = [0, 32], sizes = [200, 32], strides = [1, 1]} : vector<200x128xf32> to vector<200x32xf32>
    %add3A_292 = vector.broadcast %add3A_34 : vector<1x32xf32> to vector<200x32xf32>
    %add3A_293 = arith.addf %slice3A_291, %add3A_292 : vector<200x32xf32>
    %logistic3A_294 = arith.negf %add3A_290 : vector<200x32xf32>
    %logistic3A_295 = math.exp %logistic3A_294 : vector<200x32xf32>
    %logistic3A_296 = arith.constant 1.000000e+00 : f32
    %logistic3A_297 = vector.broadcast %logistic3A_296 : f32 to vector<200x32xf32>
    %logistic3A_298 = arith.addf %logistic3A_297, %logistic3A_295 : vector<200x32xf32>
    %logistic3A_299 = arith.divf %logistic3A_297, %logistic3A_298 : vector<200x32xf32>
    %sub3A_300 = arith.constant 1.000000e+00 : f32
    %sub3A_301 = vector.broadcast %sub3A_300 : f32 to vector<200x32xf32>
    %sub3A_302 = arith.subf %sub3A_301, %logistic3A_299 : vector<200x32xf32>
    %tanh3A_303 = math.tanh %add3A_293 : vector<200x32xf32>
    %mul3A_304 = arith.mulf %sub3A_302, %tanh3A_303 : vector<200x32xf32>
    %mul3A_305 = vector.broadcast %squeeze3A_272 : f32 to vector<200x32xf32>
    %mul3A_306 = arith.mulf %mul3A_305, %mul3A_304 : vector<200x32xf32>
    %add3A_307 = arith.addf %add3A_195, %mul3A_306 : vector<200x32xf32>
    %slice3A_308 = vector.extract_strided_slice %mul3A_287 {offsets = [0, 64], sizes = [200, 32], strides = [1, 1]} : vector<200x128xf32> to vector<200x32xf32>
    %add3A_309 = vector.broadcast %add3A : vector<1x32xf32> to vector<200x32xf32>
    %add3A_310 = arith.addf %slice3A_308, %add3A_309 : vector<200x32xf32>
    %slice3A_311 = vector.extract_strided_slice %mul3A_287 {offsets = [0, 96], sizes = [200, 32], strides = [1, 1]} : vector<200x128xf32> to vector<200x32xf32>
    %add3A_312 = vector.broadcast %add3A_34 : vector<1x32xf32> to vector<200x32xf32>
    %add3A_313 = arith.addf %slice3A_311, %add3A_312 : vector<200x32xf32>
    %logistic3A_314 = arith.negf %add3A_310 : vector<200x32xf32>
    %logistic3A_315 = math.exp %logistic3A_314 : vector<200x32xf32>
    %logistic3A_316 = arith.constant 1.000000e+00 : f32
    %logistic3A_317 = vector.broadcast %logistic3A_316 : f32 to vector<200x32xf32>
    %logistic3A_318 = arith.addf %logistic3A_317, %logistic3A_315 : vector<200x32xf32>
    %logistic3A_319 = arith.divf %logistic3A_317, %logistic3A_318 : vector<200x32xf32>
    %sub3A_320 = arith.constant 1.000000e+00 : f32
    %sub3A_321 = vector.broadcast %sub3A_320 : f32 to vector<200x32xf32>
    %sub3A_322 = arith.subf %sub3A_321, %logistic3A_319 : vector<200x32xf32>
    %tanh3A_323 = math.tanh %add3A_313 : vector<200x32xf32>
    %mul3A_324 = arith.mulf %sub3A_322, %tanh3A_323 : vector<200x32xf32>
    %mul3A_325 = vector.broadcast %squeeze3A_272 : f32 to vector<200x32xf32>
    %mul3A_326 = arith.mulf %mul3A_325, %mul3A_324 : vector<200x32xf32>
    %add3A_327 = arith.addf %add3A_215, %mul3A_326 : vector<200x32xf32>
    %get3A_328 = arith.constant 1 : index
    %get3A_329 = arith.constant 2 : index
    %get3A_330 = arith.constant 0 : index
    %get3A_331 = arith.constant 0 : index
    %get3A_332 = vector.load %arg1[%get3A_328, %get3A_329, %get3A_330, %get3A_331] : memref<2x12x200x128xf32, #tpu.memory_space<vmem>>, vector<1x1x200x128xf32>
    %get3A_333 = vector.shape_cast %get3A_332 : vector<1x1x200x128xf32> to vector<200x128xf32>
    %get3A_334 = arith.constant 1 : index
    %get3A_335 = arith.constant 2 : index
    %get3A_336 = arith.constant 0 : index
    %get3A_337 = arith.constant 0 : index
    %get3A_338 = vector.load %arg2[%get3A_334, %get3A_335, %get3A_336, %get3A_337] : memref<2x12x200x128xf32, #tpu.memory_space<vmem>>, vector<1x1x200x128xf32>
    %get3A_339 = vector.shape_cast %get3A_338 : vector<1x1x200x128xf32> to vector<200x128xf32>
    %add3A_340 = arith.addf %get3A_333, %get3A_339 : vector<200x128xf32>
    %mul3A_341 = vector.broadcast %rsqrt3A : vector<200x1xf32> to vector<200x128xf32>
    %mul3A_342 = arith.mulf %mul3A_341, %add3A_340 : vector<200x128xf32>
    %slice3A_343 = vector.extract_strided_slice %mul3A_342 {offsets = [0, 0], sizes = [200, 32], strides = [1, 1]} : vector<200x128xf32> to vector<200x32xf32>
    %add3A_344 = vector.broadcast %add3A : vector<1x32xf32> to vector<200x32xf32>
    %add3A_345 = arith.addf %slice3A_343, %add3A_344 : vector<200x32xf32>
    %slice3A_346 = vector.extract_strided_slice %mul3A_342 {offsets = [0, 32], sizes = [200, 32], strides = [1, 1]} : vector<200x128xf32> to vector<200x32xf32>
    %add3A_347 = vector.broadcast %add3A_34 : vector<1x32xf32> to vector<200x32xf32>
    %add3A_348 = arith.addf %slice3A_346, %add3A_347 : vector<200x32xf32>
    %logistic3A_349 = arith.negf %add3A_345 : vector<200x32xf32>
    %logistic3A_350 = math.exp %logistic3A_349 : vector<200x32xf32>
    %logistic3A_351 = arith.constant 1.000000e+00 : f32
    %logistic3A_352 = vector.broadcast %logistic3A_351 : f32 to vector<200x32xf32>
    %logistic3A_353 = arith.addf %logistic3A_352, %logistic3A_350 : vector<200x32xf32>
    %logistic3A_354 = arith.divf %logistic3A_352, %logistic3A_353 : vector<200x32xf32>
    %sub3A_355 = arith.constant 1.000000e+00 : f32
    %sub3A_356 = vector.broadcast %sub3A_355 : f32 to vector<200x32xf32>
    %sub3A_357 = arith.subf %sub3A_356, %logistic3A_354 : vector<200x32xf32>
    %tanh3A_358 = math.tanh %add3A_348 : vector<200x32xf32>
    %mul3A_359 = arith.mulf %sub3A_357, %tanh3A_358 : vector<200x32xf32>
    %mul3A_360 = vector.broadcast %squeeze3A_272 : f32 to vector<200x32xf32>
    %mul3A_361 = arith.mulf %mul3A_360, %mul3A_359 : vector<200x32xf32>
    %add3A_362 = arith.addf %add3A_250, %mul3A_361 : vector<200x32xf32>
    %slice3A_363 = vector.extract_strided_slice %mul3A_342 {offsets = [0, 64], sizes = [200, 32], strides = [1, 1]} : vector<200x128xf32> to vector<200x32xf32>
    %add3A_364 = vector.broadcast %add3A : vector<1x32xf32> to vector<200x32xf32>
    %add3A_365 = arith.addf %slice3A_363, %add3A_364 : vector<200x32xf32>
    %slice3A_366 = vector.extract_strided_slice %mul3A_342 {offsets = [0, 96], sizes = [200, 32], strides = [1, 1]} : vector<200x128xf32> to vector<200x32xf32>
    %add3A_367 = vector.broadcast %add3A_34 : vector<1x32xf32> to vector<200x32xf32>
    %add3A_368 = arith.addf %slice3A_366, %add3A_367 : vector<200x32xf32>
    %logistic3A_369 = arith.negf %add3A_365 : vector<200x32xf32>
    %logistic3A_370 = math.exp %logistic3A_369 : vector<200x32xf32>
    %logistic3A_371 = arith.constant 1.000000e+00 : f32
    %logistic3A_372 = vector.broadcast %logistic3A_371 : f32 to vector<200x32xf32>
    %logistic3A_373 = arith.addf %logistic3A_372, %logistic3A_370 : vector<200x32xf32>
    %logistic3A_374 = arith.divf %logistic3A_372, %logistic3A_373 : vector<200x32xf32>
    %sub3A_375 = arith.constant 1.000000e+00 : f32
    %sub3A_376 = vector.broadcast %sub3A_375 : f32 to vector<200x32xf32>
    %sub3A_377 = arith.subf %sub3A_376, %logistic3A_374 : vector<200x32xf32>
    %tanh3A_378 = math.tanh %add3A_368 : vector<200x32xf32>
    %mul3A_379 = arith.mulf %sub3A_377, %tanh3A_378 : vector<200x32xf32>
    %mul3A_380 = vector.broadcast %squeeze3A_272 : f32 to vector<200x32xf32>
    %mul3A_381 = arith.mulf %mul3A_380, %mul3A_379 : vector<200x32xf32>
    %add3A_382 = arith.addf %add3A_270, %mul3A_381 : vector<200x32xf32>
    %slice3A_383 = vector.extract_strided_slice %div3A_12 {offsets = [3], sizes = [1], strides = [1]} : vector<12xf32> to vector<1xf32>
    %squeeze3A_384 = vector.extract %slice3A_383[0] : f32 from vector<1xf32>
    %get3A_385 = arith.constant 0 : index
    %get3A_386 = arith.constant 3 : index
    %get3A_387 = arith.constant 0 : index
    %get3A_388 = arith.constant 0 : index
    %get3A_389 = vector.load %arg1[%get3A_385, %get3A_386, %get3A_387, %get3A_388] : memref<2x12x200x128xf32, #tpu.memory_space<vmem>>, vector<1x1x200x128xf32>
    %get3A_390 = vector.shape_cast %get3A_389 : vector<1x1x200x128xf32> to vector<200x128xf32>
    %get3A_391 = arith.constant 0 : index
    %get3A_392 = arith.constant 3 : index
    %get3A_393 = arith.constant 0 : index
    %get3A_394 = arith.constant 0 : index
    %get3A_395 = vector.load %arg2[%get3A_391, %get3A_392, %get3A_393, %get3A_394] : memref<2x12x200x128xf32, #tpu.memory_space<vmem>>, vector<1x1x200x128xf32>
    %get3A_396 = vector.shape_cast %get3A_395 : vector<1x1x200x128xf32> to vector<200x128xf32>
    %add3A_397 = arith.addf %get3A_390, %get3A_396 : vector<200x128xf32>
    %mul3A_398 = vector.broadcast %rsqrt3A : vector<200x1xf32> to vector<200x128xf32>
    %mul3A_399 = arith.mulf %mul3A_398, %add3A_397 : vector<200x128xf32>
    %slice3A_400 = vector.extract_strided_slice %mul3A_399 {offsets = [0, 0], sizes = [200, 32], strides = [1, 1]} : vector<200x128xf32> to vector<200x32xf32>
    %add3A_401 = vector.broadcast %add3A : vector<1x32xf32> to vector<200x32xf32>
    %add3A_402 = arith.addf %slice3A_400, %add3A_401 : vector<200x32xf32>
    %slice3A_403 = vector.extract_strided_slice %mul3A_399 {offsets = [0, 32], sizes = [200, 32], strides = [1, 1]} : vector<200x128xf32> to vector<200x32xf32>
    %add3A_404 = vector.broadcast %add3A_34 : vector<1x32xf32> to vector<200x32xf32>
    %add3A_405 = arith.addf %slice3A_403, %add3A_404 : vector<200x32xf32>
    %logistic3A_406 = arith.negf %add3A_402 : vector<200x32xf32>
    %logistic3A_407 = math.exp %logistic3A_406 : vector<200x32xf32>
    %logistic3A_408 = arith.constant 1.000000e+00 : f32
    %logistic3A_409 = vector.broadcast %logistic3A_408 : f32 to vector<200x32xf32>
    %logistic3A_410 = arith.addf %logistic3A_409, %logistic3A_407 : vector<200x32xf32>
    %logistic3A_411 = arith.divf %logistic3A_409, %logistic3A_410 : vector<200x32xf32>
    %sub3A_412 = arith.constant 1.000000e+00 : f32
    %sub3A_413 = vector.broadcast %sub3A_412 : f32 to vector<200x32xf32>
    %sub3A_414 = arith.subf %sub3A_413, %logistic3A_411 : vector<200x32xf32>
    %tanh3A_415 = math.tanh %add3A_405 : vector<200x32xf32>
    %mul3A_416 = arith.mulf %sub3A_414, %tanh3A_415 : vector<200x32xf32>
    %mul3A_417 = vector.broadcast %squeeze3A_384 : f32 to vector<200x32xf32>
    %mul3A_418 = arith.mulf %mul3A_417, %mul3A_416 : vector<200x32xf32>
    %add3A_419 = arith.addf %add3A_307, %mul3A_418 : vector<200x32xf32>
    %slice3A_420 = vector.extract_strided_slice %mul3A_399 {offsets = [0, 64], sizes = [200, 32], strides = [1, 1]} : vector<200x128xf32> to vector<200x32xf32>
    %add3A_421 = vector.broadcast %add3A : vector<1x32xf32> to vector<200x32xf32>
    %add3A_422 = arith.addf %slice3A_420, %add3A_421 : vector<200x32xf32>
    %slice3A_423 = vector.extract_strided_slice %mul3A_399 {offsets = [0, 96], sizes = [200, 32], strides = [1, 1]} : vector<200x128xf32> to vector<200x32xf32>
    %add3A_424 = vector.broadcast %add3A_34 : vector<1x32xf32> to vector<200x32xf32>
    %add3A_425 = arith.addf %slice3A_423, %add3A_424 : vector<200x32xf32>
    %logistic3A_426 = arith.negf %add3A_422 : vector<200x32xf32>
    %logistic3A_427 = math.exp %logistic3A_426 : vector<200x32xf32>
    %logistic3A_428 = arith.constant 1.000000e+00 : f32
    %logistic3A_429 = vector.broadcast %logistic3A_428 : f32 to vector<200x32xf32>
    %logistic3A_430 = arith.addf %logistic3A_429, %logistic3A_427 : vector<200x32xf32>
    %logistic3A_431 = arith.divf %logistic3A_429, %logistic3A_430 : vector<200x32xf32>
    %sub3A_432 = arith.constant 1.000000e+00 : f32
    %sub3A_433 = vector.broadcast %sub3A_432 : f32 to vector<200x32xf32>
    %sub3A_434 = arith.subf %sub3A_433, %logistic3A_431 : vector<200x32xf32>
    %tanh3A_435 = math.tanh %add3A_425 : vector<200x32xf32>
    %mul3A_436 = arith.mulf %sub3A_434, %tanh3A_435 : vector<200x32xf32>
    %mul3A_437 = vector.broadcast %squeeze3A_384 : f32 to vector<200x32xf32>
    %mul3A_438 = arith.mulf %mul3A_437, %mul3A_436 : vector<200x32xf32>
    %add3A_439 = arith.addf %add3A_327, %mul3A_438 : vector<200x32xf32>
    %get3A_440 = arith.constant 1 : index
    %get3A_441 = arith.constant 3 : index
    %get3A_442 = arith.constant 0 : index
    %get3A_443 = arith.constant 0 : index
    %get3A_444 = vector.load %arg1[%get3A_440, %get3A_441, %get3A_442, %get3A_443] : memref<2x12x200x128xf32, #tpu.memory_space<vmem>>, vector<1x1x200x128xf32>
    %get3A_445 = vector.shape_cast %get3A_444 : vector<1x1x200x128xf32> to vector<200x128xf32>
    %get3A_446 = arith.constant 1 : index
    %get3A_447 = arith.constant 3 : index
    %get3A_448 = arith.constant 0 : index
    %get3A_449 = arith.constant 0 : index
    %get3A_450 = vector.load %arg2[%get3A_446, %get3A_447, %get3A_448, %get3A_449] : memref<2x12x200x128xf32, #tpu.memory_space<vmem>>, vector<1x1x200x128xf32>
    %get3A_451 = vector.shape_cast %get3A_450 : vector<1x1x200x128xf32> to vector<200x128xf32>
    %add3A_452 = arith.addf %get3A_445, %get3A_451 : vector<200x128xf32>
    %mul3A_453 = vector.broadcast %rsqrt3A : vector<200x1xf32> to vector<200x128xf32>
    %mul3A_454 = arith.mulf %mul3A_453, %add3A_452 : vector<200x128xf32>
    %slice3A_455 = vector.extract_strided_slice %mul3A_454 {offsets = [0, 0], sizes = [200, 32], strides = [1, 1]} : vector<200x128xf32> to vector<200x32xf32>
    %add3A_456 = vector.broadcast %add3A : vector<1x32xf32> to vector<200x32xf32>
    %add3A_457 = arith.addf %slice3A_455, %add3A_456 : vector<200x32xf32>
    %slice3A_458 = vector.extract_strided_slice %mul3A_454 {offsets = [0, 32], sizes = [200, 32], strides = [1, 1]} : vector<200x128xf32> to vector<200x32xf32>
    %add3A_459 = vector.broadcast %add3A_34 : vector<1x32xf32> to vector<200x32xf32>
    %add3A_460 = arith.addf %slice3A_458, %add3A_459 : vector<200x32xf32>
    %logistic3A_461 = arith.negf %add3A_457 : vector<200x32xf32>
    %logistic3A_462 = math.exp %logistic3A_461 : vector<200x32xf32>
    %logistic3A_463 = arith.constant 1.000000e+00 : f32
    %logistic3A_464 = vector.broadcast %logistic3A_463 : f32 to vector<200x32xf32>
    %logistic3A_465 = arith.addf %logistic3A_464, %logistic3A_462 : vector<200x32xf32>
    %logistic3A_466 = arith.divf %logistic3A_464, %logistic3A_465 : vector<200x32xf32>
    %sub3A_467 = arith.constant 1.000000e+00 : f32
    %sub3A_468 = vector.broadcast %sub3A_467 : f32 to vector<200x32xf32>
    %sub3A_469 = arith.subf %sub3A_468, %logistic3A_466 : vector<200x32xf32>
    %tanh3A_470 = math.tanh %add3A_460 : vector<200x32xf32>
    %mul3A_471 = arith.mulf %sub3A_469, %tanh3A_470 : vector<200x32xf32>
    %mul3A_472 = vector.broadcast %squeeze3A_384 : f32 to vector<200x32xf32>
    %mul3A_473 = arith.mulf %mul3A_472, %mul3A_471 : vector<200x32xf32>
    %add3A_474 = arith.addf %add3A_362, %mul3A_473 : vector<200x32xf32>
    %slice3A_475 = vector.extract_strided_slice %mul3A_454 {offsets = [0, 64], sizes = [200, 32], strides = [1, 1]} : vector<200x128xf32> to vector<200x32xf32>
    %add3A_476 = vector.broadcast %add3A : vector<1x32xf32> to vector<200x32xf32>
    %add3A_477 = arith.addf %slice3A_475, %add3A_476 : vector<200x32xf32>
    %slice3A_478 = vector.extract_strided_slice %mul3A_454 {offsets = [0, 96], sizes = [200, 32], strides = [1, 1]} : vector<200x128xf32> to vector<200x32xf32>
    %add3A_479 = vector.broadcast %add3A_34 : vector<1x32xf32> to vector<200x32xf32>
    %add3A_480 = arith.addf %slice3A_478, %add3A_479 : vector<200x32xf32>
    %logistic3A_481 = arith.negf %add3A_477 : vector<200x32xf32>
    %logistic3A_482 = math.exp %logistic3A_481 : vector<200x32xf32>
    %logistic3A_483 = arith.constant 1.000000e+00 : f32
    %logistic3A_484 = vector.broadcast %logistic3A_483 : f32 to vector<200x32xf32>
    %logistic3A_485 = arith.addf %logistic3A_484, %logistic3A_482 : vector<200x32xf32>
    %logistic3A_486 = arith.divf %logistic3A_484, %logistic3A_485 : vector<200x32xf32>
    %sub3A_487 = arith.constant 1.000000e+00 : f32
    %sub3A_488 = vector.broadcast %sub3A_487 : f32 to vector<200x32xf32>
    %sub3A_489 = arith.subf %sub3A_488, %logistic3A_486 : vector<200x32xf32>
    %tanh3A_490 = math.tanh %add3A_480 : vector<200x32xf32>
    %mul3A_491 = arith.mulf %sub3A_489, %tanh3A_490 : vector<200x32xf32>
    %mul3A_492 = vector.broadcast %squeeze3A_384 : f32 to vector<200x32xf32>
    %mul3A_493 = arith.mulf %mul3A_492, %mul3A_491 : vector<200x32xf32>
    %add3A_494 = arith.addf %add3A_382, %mul3A_493 : vector<200x32xf32>
    %slice3A_495 = vector.extract_strided_slice %div3A_12 {offsets = [4], sizes = [1], strides = [1]} : vector<12xf32> to vector<1xf32>
    %squeeze3A_496 = vector.extract %slice3A_495[0] : f32 from vector<1xf32>
    %get3A_497 = arith.constant 0 : index
    %get3A_498 = arith.constant 4 : index
    %get3A_499 = arith.constant 0 : index
    %get3A_500 = arith.constant 0 : index
    %get3A_501 = vector.load %arg1[%get3A_497, %get3A_498, %get3A_499, %get3A_500] : memref<2x12x200x128xf32, #tpu.memory_space<vmem>>, vector<1x1x200x128xf32>
    %get3A_502 = vector.shape_cast %get3A_501 : vector<1x1x200x128xf32> to vector<200x128xf32>
    %get3A_503 = arith.constant 0 : index
    %get3A_504 = arith.constant 4 : index
    %get3A_505 = arith.constant 0 : index
    %get3A_506 = arith.constant 0 : index
    %get3A_507 = vector.load %arg2[%get3A_503, %get3A_504, %get3A_505, %get3A_506] : memref<2x12x200x128xf32, #tpu.memory_space<vmem>>, vector<1x1x200x128xf32>
    %get3A_508 = vector.shape_cast %get3A_507 : vector<1x1x200x128xf32> to vector<200x128xf32>
    %add3A_509 = arith.addf %get3A_502, %get3A_508 : vector<200x128xf32>
    %mul3A_510 = vector.broadcast %rsqrt3A : vector<200x1xf32> to vector<200x128xf32>
    %mul3A_511 = arith.mulf %mul3A_510, %add3A_509 : vector<200x128xf32>
    %slice3A_512 = vector.extract_strided_slice %mul3A_511 {offsets = [0, 0], sizes = [200, 32], strides = [1, 1]} : vector<200x128xf32> to vector<200x32xf32>
    %add3A_513 = vector.broadcast %add3A : vector<1x32xf32> to vector<200x32xf32>
    %add3A_514 = arith.addf %slice3A_512, %add3A_513 : vector<200x32xf32>
    %slice3A_515 = vector.extract_strided_slice %mul3A_511 {offsets = [0, 32], sizes = [200, 32], strides = [1, 1]} : vector<200x128xf32> to vector<200x32xf32>
    %add3A_516 = vector.broadcast %add3A_34 : vector<1x32xf32> to vector<200x32xf32>
    %add3A_517 = arith.addf %slice3A_515, %add3A_516 : vector<200x32xf32>
    %logistic3A_518 = arith.negf %add3A_514 : vector<200x32xf32>
    %logistic3A_519 = math.exp %logistic3A_518 : vector<200x32xf32>
    %logistic3A_520 = arith.constant 1.000000e+00 : f32
    %logistic3A_521 = vector.broadcast %logistic3A_520 : f32 to vector<200x32xf32>
    %logistic3A_522 = arith.addf %logistic3A_521, %logistic3A_519 : vector<200x32xf32>
    %logistic3A_523 = arith.divf %logistic3A_521, %logistic3A_522 : vector<200x32xf32>
    %sub3A_524 = arith.constant 1.000000e+00 : f32
    %sub3A_525 = vector.broadcast %sub3A_524 : f32 to vector<200x32xf32>
    %sub3A_526 = arith.subf %sub3A_525, %logistic3A_523 : vector<200x32xf32>
    %tanh3A_527 = math.tanh %add3A_517 : vector<200x32xf32>
    %mul3A_528 = arith.mulf %sub3A_526, %tanh3A_527 : vector<200x32xf32>
    %mul3A_529 = vector.broadcast %squeeze3A_496 : f32 to vector<200x32xf32>
    %mul3A_530 = arith.mulf %mul3A_529, %mul3A_528 : vector<200x32xf32>
    %add3A_531 = arith.addf %add3A_419, %mul3A_530 : vector<200x32xf32>
    %slice3A_532 = vector.extract_strided_slice %mul3A_511 {offsets = [0, 64], sizes = [200, 32], strides = [1, 1]} : vector<200x128xf32> to vector<200x32xf32>
    %add3A_533 = vector.broadcast %add3A : vector<1x32xf32> to vector<200x32xf32>
    %add3A_534 = arith.addf %slice3A_532, %add3A_533 : vector<200x32xf32>
    %slice3A_535 = vector.extract_strided_slice %mul3A_511 {offsets = [0, 96], sizes = [200, 32], strides = [1, 1]} : vector<200x128xf32> to vector<200x32xf32>
    %add3A_536 = vector.broadcast %add3A_34 : vector<1x32xf32> to vector<200x32xf32>
    %add3A_537 = arith.addf %slice3A_535, %add3A_536 : vector<200x32xf32>
    %logistic3A_538 = arith.negf %add3A_534 : vector<200x32xf32>
    %logistic3A_539 = math.exp %logistic3A_538 : vector<200x32xf32>
    %logistic3A_540 = arith.constant 1.000000e+00 : f32
    %logistic3A_541 = vector.broadcast %logistic3A_540 : f32 to vector<200x32xf32>
    %logistic3A_542 = arith.addf %logistic3A_541, %logistic3A_539 : vector<200x32xf32>
    %logistic3A_543 = arith.divf %logistic3A_541, %logistic3A_542 : vector<200x32xf32>
    %sub3A_544 = arith.constant 1.000000e+00 : f32
    %sub3A_545 = vector.broadcast %sub3A_544 : f32 to vector<200x32xf32>
    %sub3A_546 = arith.subf %sub3A_545, %logistic3A_543 : vector<200x32xf32>
    %tanh3A_547 = math.tanh %add3A_537 : vector<200x32xf32>
    %mul3A_548 = arith.mulf %sub3A_546, %tanh3A_547 : vector<200x32xf32>
    %mul3A_549 = vector.broadcast %squeeze3A_496 : f32 to vector<200x32xf32>
    %mul3A_550 = arith.mulf %mul3A_549, %mul3A_548 : vector<200x32xf32>
    %add3A_551 = arith.addf %add3A_439, %mul3A_550 : vector<200x32xf32>
    %get3A_552 = arith.constant 1 : index
    %get3A_553 = arith.constant 4 : index
    %get3A_554 = arith.constant 0 : index
    %get3A_555 = arith.constant 0 : index
    %get3A_556 = vector.load %arg1[%get3A_552, %get3A_553, %get3A_554, %get3A_555] : memref<2x12x200x128xf32, #tpu.memory_space<vmem>>, vector<1x1x200x128xf32>
    %get3A_557 = vector.shape_cast %get3A_556 : vector<1x1x200x128xf32> to vector<200x128xf32>
    %get3A_558 = arith.constant 1 : index
    %get3A_559 = arith.constant 4 : index
    %get3A_560 = arith.constant 0 : index
    %get3A_561 = arith.constant 0 : index
    %get3A_562 = vector.load %arg2[%get3A_558, %get3A_559, %get3A_560, %get3A_561] : memref<2x12x200x128xf32, #tpu.memory_space<vmem>>, vector<1x1x200x128xf32>
    %get3A_563 = vector.shape_cast %get3A_562 : vector<1x1x200x128xf32> to vector<200x128xf32>
    %add3A_564 = arith.addf %get3A_557, %get3A_563 : vector<200x128xf32>
    %mul3A_565 = vector.broadcast %rsqrt3A : vector<200x1xf32> to vector<200x128xf32>
    %mul3A_566 = arith.mulf %mul3A_565, %add3A_564 : vector<200x128xf32>
    %slice3A_567 = vector.extract_strided_slice %mul3A_566 {offsets = [0, 0], sizes = [200, 32], strides = [1, 1]} : vector<200x128xf32> to vector<200x32xf32>
    %add3A_568 = vector.broadcast %add3A : vector<1x32xf32> to vector<200x32xf32>
    %add3A_569 = arith.addf %slice3A_567, %add3A_568 : vector<200x32xf32>
    %slice3A_570 = vector.extract_strided_slice %mul3A_566 {offsets = [0, 32], sizes = [200, 32], strides = [1, 1]} : vector<200x128xf32> to vector<200x32xf32>
    %add3A_571 = vector.broadcast %add3A_34 : vector<1x32xf32> to vector<200x32xf32>
    %add3A_572 = arith.addf %slice3A_570, %add3A_571 : vector<200x32xf32>
    %logistic3A_573 = arith.negf %add3A_569 : vector<200x32xf32>
    %logistic3A_574 = math.exp %logistic3A_573 : vector<200x32xf32>
    %logistic3A_575 = arith.constant 1.000000e+00 : f32
    %logistic3A_576 = vector.broadcast %logistic3A_575 : f32 to vector<200x32xf32>
    %logistic3A_577 = arith.addf %logistic3A_576, %logistic3A_574 : vector<200x32xf32>
    %logistic3A_578 = arith.divf %logistic3A_576, %logistic3A_577 : vector<200x32xf32>
    %sub3A_579 = arith.constant 1.000000e+00 : f32
    %sub3A_580 = vector.broadcast %sub3A_579 : f32 to vector<200x32xf32>
    %sub3A_581 = arith.subf %sub3A_580, %logistic3A_578 : vector<200x32xf32>
    %tanh3A_582 = math.tanh %add3A_572 : vector<200x32xf32>
    %mul3A_583 = arith.mulf %sub3A_581, %tanh3A_582 : vector<200x32xf32>
    %mul3A_584 = vector.broadcast %squeeze3A_496 : f32 to vector<200x32xf32>
    %mul3A_585 = arith.mulf %mul3A_584, %mul3A_583 : vector<200x32xf32>
    %add3A_586 = arith.addf %add3A_474, %mul3A_585 : vector<200x32xf32>
    %slice3A_587 = vector.extract_strided_slice %mul3A_566 {offsets = [0, 64], sizes = [200, 32], strides = [1, 1]} : vector<200x128xf32> to vector<200x32xf32>
    %add3A_588 = vector.broadcast %add3A : vector<1x32xf32> to vector<200x32xf32>
    %add3A_589 = arith.addf %slice3A_587, %add3A_588 : vector<200x32xf32>
    %slice3A_590 = vector.extract_strided_slice %mul3A_566 {offsets = [0, 96], sizes = [200, 32], strides = [1, 1]} : vector<200x128xf32> to vector<200x32xf32>
    %add3A_591 = vector.broadcast %add3A_34 : vector<1x32xf32> to vector<200x32xf32>
    %add3A_592 = arith.addf %slice3A_590, %add3A_591 : vector<200x32xf32>
    %logistic3A_593 = arith.negf %add3A_589 : vector<200x32xf32>
    %logistic3A_594 = math.exp %logistic3A_593 : vector<200x32xf32>
    %logistic3A_595 = arith.constant 1.000000e+00 : f32
    %logistic3A_596 = vector.broadcast %logistic3A_595 : f32 to vector<200x32xf32>
    %logistic3A_597 = arith.addf %logistic3A_596, %logistic3A_594 : vector<200x32xf32>
    %logistic3A_598 = arith.divf %logistic3A_596, %logistic3A_597 : vector<200x32xf32>
    %sub3A_599 = arith.constant 1.000000e+00 : f32
    %sub3A_600 = vector.broadcast %sub3A_599 : f32 to vector<200x32xf32>
    %sub3A_601 = arith.subf %sub3A_600, %logistic3A_598 : vector<200x32xf32>
    %tanh3A_602 = math.tanh %add3A_592 : vector<200x32xf32>
    %mul3A_603 = arith.mulf %sub3A_601, %tanh3A_602 : vector<200x32xf32>
    %mul3A_604 = vector.broadcast %squeeze3A_496 : f32 to vector<200x32xf32>
    %mul3A_605 = arith.mulf %mul3A_604, %mul3A_603 : vector<200x32xf32>
    %add3A_606 = arith.addf %add3A_494, %mul3A_605 : vector<200x32xf32>
    %slice3A_607 = vector.extract_strided_slice %div3A_12 {offsets = [5], sizes = [1], strides = [1]} : vector<12xf32> to vector<1xf32>
    %squeeze3A_608 = vector.extract %slice3A_607[0] : f32 from vector<1xf32>
    %get3A_609 = arith.constant 0 : index
    %get3A_610 = arith.constant 5 : index
    %get3A_611 = arith.constant 0 : index
    %get3A_612 = arith.constant 0 : index
    %get3A_613 = vector.load %arg1[%get3A_609, %get3A_610, %get3A_611, %get3A_612] : memref<2x12x200x128xf32, #tpu.memory_space<vmem>>, vector<1x1x200x128xf32>
    %get3A_614 = vector.shape_cast %get3A_613 : vector<1x1x200x128xf32> to vector<200x128xf32>
    %get3A_615 = arith.constant 0 : index
    %get3A_616 = arith.constant 5 : index
    %get3A_617 = arith.constant 0 : index
    %get3A_618 = arith.constant 0 : index
    %get3A_619 = vector.load %arg2[%get3A_615, %get3A_616, %get3A_617, %get3A_618] : memref<2x12x200x128xf32, #tpu.memory_space<vmem>>, vector<1x1x200x128xf32>
    %get3A_620 = vector.shape_cast %get3A_619 : vector<1x1x200x128xf32> to vector<200x128xf32>
    %add3A_621 = arith.addf %get3A_614, %get3A_620 : vector<200x128xf32>
    %mul3A_622 = vector.broadcast %rsqrt3A : vector<200x1xf32> to vector<200x128xf32>
    %mul3A_623 = arith.mulf %mul3A_622, %add3A_621 : vector<200x128xf32>
    %slice3A_624 = vector.extract_strided_slice %mul3A_623 {offsets = [0, 0], sizes = [200, 32], strides = [1, 1]} : vector<200x128xf32> to vector<200x32xf32>
    %add3A_625 = vector.broadcast %add3A : vector<1x32xf32> to vector<200x32xf32>
    %add3A_626 = arith.addf %slice3A_624, %add3A_625 : vector<200x32xf32>
    %slice3A_627 = vector.extract_strided_slice %mul3A_623 {offsets = [0, 32], sizes = [200, 32], strides = [1, 1]} : vector<200x128xf32> to vector<200x32xf32>
    %add3A_628 = vector.broadcast %add3A_34 : vector<1x32xf32> to vector<200x32xf32>
    %add3A_629 = arith.addf %slice3A_627, %add3A_628 : vector<200x32xf32>
    %logistic3A_630 = arith.negf %add3A_626 : vector<200x32xf32>
    %logistic3A_631 = math.exp %logistic3A_630 : vector<200x32xf32>
    %logistic3A_632 = arith.constant 1.000000e+00 : f32
    %logistic3A_633 = vector.broadcast %logistic3A_632 : f32 to vector<200x32xf32>
    %logistic3A_634 = arith.addf %logistic3A_633, %logistic3A_631 : vector<200x32xf32>
    %logistic3A_635 = arith.divf %logistic3A_633, %logistic3A_634 : vector<200x32xf32>
    %sub3A_636 = arith.constant 1.000000e+00 : f32
    %sub3A_637 = vector.broadcast %sub3A_636 : f32 to vector<200x32xf32>
    %sub3A_638 = arith.subf %sub3A_637, %logistic3A_635 : vector<200x32xf32>
    %tanh3A_639 = math.tanh %add3A_629 : vector<200x32xf32>
    %mul3A_640 = arith.mulf %sub3A_638, %tanh3A_639 : vector<200x32xf32>
    %mul3A_641 = vector.broadcast %squeeze3A_608 : f32 to vector<200x32xf32>
    %mul3A_642 = arith.mulf %mul3A_641, %mul3A_640 : vector<200x32xf32>
    %add3A_643 = arith.addf %add3A_531, %mul3A_642 : vector<200x32xf32>
    %slice3A_644 = vector.extract_strided_slice %mul3A_623 {offsets = [0, 64], sizes = [200, 32], strides = [1, 1]} : vector<200x128xf32> to vector<200x32xf32>
    %add3A_645 = vector.broadcast %add3A : vector<1x32xf32> to vector<200x32xf32>
    %add3A_646 = arith.addf %slice3A_644, %add3A_645 : vector<200x32xf32>
    %slice3A_647 = vector.extract_strided_slice %mul3A_623 {offsets = [0, 96], sizes = [200, 32], strides = [1, 1]} : vector<200x128xf32> to vector<200x32xf32>
    %add3A_648 = vector.broadcast %add3A_34 : vector<1x32xf32> to vector<200x32xf32>
    %add3A_649 = arith.addf %slice3A_647, %add3A_648 : vector<200x32xf32>
    %logistic3A_650 = arith.negf %add3A_646 : vector<200x32xf32>
    %logistic3A_651 = math.exp %logistic3A_650 : vector<200x32xf32>
    %logistic3A_652 = arith.constant 1.000000e+00 : f32
    %logistic3A_653 = vector.broadcast %logistic3A_652 : f32 to vector<200x32xf32>
    %logistic3A_654 = arith.addf %logistic3A_653, %logistic3A_651 : vector<200x32xf32>
    %logistic3A_655 = arith.divf %logistic3A_653, %logistic3A_654 : vector<200x32xf32>
    %sub3A_656 = arith.constant 1.000000e+00 : f32
    %sub3A_657 = vector.broadcast %sub3A_656 : f32 to vector<200x32xf32>
    %sub3A_658 = arith.subf %sub3A_657, %logistic3A_655 : vector<200x32xf32>
    %tanh3A_659 = math.tanh %add3A_649 : vector<200x32xf32>
    %mul3A_660 = arith.mulf %sub3A_658, %tanh3A_659 : vector<200x32xf32>
    %mul3A_661 = vector.broadcast %squeeze3A_608 : f32 to vector<200x32xf32>
    %mul3A_662 = arith.mulf %mul3A_661, %mul3A_660 : vector<200x32xf32>
    %add3A_663 = arith.addf %add3A_551, %mul3A_662 : vector<200x32xf32>
    %get3A_664 = arith.constant 1 : index
    %get3A_665 = arith.constant 5 : index
    %get3A_666 = arith.constant 0 : index
    %get3A_667 = arith.constant 0 : index
    %get3A_668 = vector.load %arg1[%get3A_664, %get3A_665, %get3A_666, %get3A_667] : memref<2x12x200x128xf32, #tpu.memory_space<vmem>>, vector<1x1x200x128xf32>
    %get3A_669 = vector.shape_cast %get3A_668 : vector<1x1x200x128xf32> to vector<200x128xf32>
    %get3A_670 = arith.constant 1 : index
    %get3A_671 = arith.constant 5 : index
    %get3A_672 = arith.constant 0 : index
    %get3A_673 = arith.constant 0 : index
    %get3A_674 = vector.load %arg2[%get3A_670, %get3A_671, %get3A_672, %get3A_673] : memref<2x12x200x128xf32, #tpu.memory_space<vmem>>, vector<1x1x200x128xf32>
    %get3A_675 = vector.shape_cast %get3A_674 : vector<1x1x200x128xf32> to vector<200x128xf32>
    %add3A_676 = arith.addf %get3A_669, %get3A_675 : vector<200x128xf32>
    %mul3A_677 = vector.broadcast %rsqrt3A : vector<200x1xf32> to vector<200x128xf32>
    %mul3A_678 = arith.mulf %mul3A_677, %add3A_676 : vector<200x128xf32>
    %slice3A_679 = vector.extract_strided_slice %mul3A_678 {offsets = [0, 0], sizes = [200, 32], strides = [1, 1]} : vector<200x128xf32> to vector<200x32xf32>
    %add3A_680 = vector.broadcast %add3A : vector<1x32xf32> to vector<200x32xf32>
    %add3A_681 = arith.addf %slice3A_679, %add3A_680 : vector<200x32xf32>
    %slice3A_682 = vector.extract_strided_slice %mul3A_678 {offsets = [0, 32], sizes = [200, 32], strides = [1, 1]} : vector<200x128xf32> to vector<200x32xf32>
    %add3A_683 = vector.broadcast %add3A_34 : vector<1x32xf32> to vector<200x32xf32>
    %add3A_684 = arith.addf %slice3A_682, %add3A_683 : vector<200x32xf32>
    %logistic3A_685 = arith.negf %add3A_681 : vector<200x32xf32>
    %logistic3A_686 = math.exp %logistic3A_685 : vector<200x32xf32>
    %logistic3A_687 = arith.constant 1.000000e+00 : f32
    %logistic3A_688 = vector.broadcast %logistic3A_687 : f32 to vector<200x32xf32>
    %logistic3A_689 = arith.addf %logistic3A_688, %logistic3A_686 : vector<200x32xf32>
    %logistic3A_690 = arith.divf %logistic3A_688, %logistic3A_689 : vector<200x32xf32>
    %sub3A_691 = arith.constant 1.000000e+00 : f32
    %sub3A_692 = vector.broadcast %sub3A_691 : f32 to vector<200x32xf32>
    %sub3A_693 = arith.subf %sub3A_692, %logistic3A_690 : vector<200x32xf32>
    %tanh3A_694 = math.tanh %add3A_684 : vector<200x32xf32>
    %mul3A_695 = arith.mulf %sub3A_693, %tanh3A_694 : vector<200x32xf32>
    %mul3A_696 = vector.broadcast %squeeze3A_608 : f32 to vector<200x32xf32>
    %mul3A_697 = arith.mulf %mul3A_696, %mul3A_695 : vector<200x32xf32>
    %add3A_698 = arith.addf %add3A_586, %mul3A_697 : vector<200x32xf32>
    %slice3A_699 = vector.extract_strided_slice %mul3A_678 {offsets = [0, 64], sizes = [200, 32], strides = [1, 1]} : vector<200x128xf32> to vector<200x32xf32>
    %add3A_700 = vector.broadcast %add3A : vector<1x32xf32> to vector<200x32xf32>
    %add3A_701 = arith.addf %slice3A_699, %add3A_700 : vector<200x32xf32>
    %slice3A_702 = vector.extract_strided_slice %mul3A_678 {offsets = [0, 96], sizes = [200, 32], strides = [1, 1]} : vector<200x128xf32> to vector<200x32xf32>
    %add3A_703 = vector.broadcast %add3A_34 : vector<1x32xf32> to vector<200x32xf32>
    %add3A_704 = arith.addf %slice3A_702, %add3A_703 : vector<200x32xf32>
    %logistic3A_705 = arith.negf %add3A_701 : vector<200x32xf32>
    %logistic3A_706 = math.exp %logistic3A_705 : vector<200x32xf32>
    %logistic3A_707 = arith.constant 1.000000e+00 : f32
    %logistic3A_708 = vector.broadcast %logistic3A_707 : f32 to vector<200x32xf32>
    %logistic3A_709 = arith.addf %logistic3A_708, %logistic3A_706 : vector<200x32xf32>
    %logistic3A_710 = arith.divf %logistic3A_708, %logistic3A_709 : vector<200x32xf32>
    %sub3A_711 = arith.constant 1.000000e+00 : f32
    %sub3A_712 = vector.broadcast %sub3A_711 : f32 to vector<200x32xf32>
    %sub3A_713 = arith.subf %sub3A_712, %logistic3A_710 : vector<200x32xf32>
    %tanh3A_714 = math.tanh %add3A_704 : vector<200x32xf32>
    %mul3A_715 = arith.mulf %sub3A_713, %tanh3A_714 : vector<200x32xf32>
    %mul3A_716 = vector.broadcast %squeeze3A_608 : f32 to vector<200x32xf32>
    %mul3A_717 = arith.mulf %mul3A_716, %mul3A_715 : vector<200x32xf32>
    %add3A_718 = arith.addf %add3A_606, %mul3A_717 : vector<200x32xf32>
    %slice3A_719 = vector.extract_strided_slice %div3A_12 {offsets = [6], sizes = [1], strides = [1]} : vector<12xf32> to vector<1xf32>
    %squeeze3A_720 = vector.extract %slice3A_719[0] : f32 from vector<1xf32>
    %get3A_721 = arith.constant 0 : index
    %get3A_722 = arith.constant 6 : index
    %get3A_723 = arith.constant 0 : index
    %get3A_724 = arith.constant 0 : index
    %get3A_725 = vector.load %arg1[%get3A_721, %get3A_722, %get3A_723, %get3A_724] : memref<2x12x200x128xf32, #tpu.memory_space<vmem>>, vector<1x1x200x128xf32>
    %get3A_726 = vector.shape_cast %get3A_725 : vector<1x1x200x128xf32> to vector<200x128xf32>
    %get3A_727 = arith.constant 0 : index
    %get3A_728 = arith.constant 6 : index
    %get3A_729 = arith.constant 0 : index
    %get3A_730 = arith.constant 0 : index
    %get3A_731 = vector.load %arg2[%get3A_727, %get3A_728, %get3A_729, %get3A_730] : memref<2x12x200x128xf32, #tpu.memory_space<vmem>>, vector<1x1x200x128xf32>
    %get3A_732 = vector.shape_cast %get3A_731 : vector<1x1x200x128xf32> to vector<200x128xf32>
    %add3A_733 = arith.addf %get3A_726, %get3A_732 : vector<200x128xf32>
    %mul3A_734 = vector.broadcast %rsqrt3A : vector<200x1xf32> to vector<200x128xf32>
    %mul3A_735 = arith.mulf %mul3A_734, %add3A_733 : vector<200x128xf32>
    %slice3A_736 = vector.extract_strided_slice %mul3A_735 {offsets = [0, 0], sizes = [200, 32], strides = [1, 1]} : vector<200x128xf32> to vector<200x32xf32>
    %add3A_737 = vector.broadcast %add3A : vector<1x32xf32> to vector<200x32xf32>
    %add3A_738 = arith.addf %slice3A_736, %add3A_737 : vector<200x32xf32>
    %slice3A_739 = vector.extract_strided_slice %mul3A_735 {offsets = [0, 32], sizes = [200, 32], strides = [1, 1]} : vector<200x128xf32> to vector<200x32xf32>
    %add3A_740 = vector.broadcast %add3A_34 : vector<1x32xf32> to vector<200x32xf32>
    %add3A_741 = arith.addf %slice3A_739, %add3A_740 : vector<200x32xf32>
    %logistic3A_742 = arith.negf %add3A_738 : vector<200x32xf32>
    %logistic3A_743 = math.exp %logistic3A_742 : vector<200x32xf32>
    %logistic3A_744 = arith.constant 1.000000e+00 : f32
    %logistic3A_745 = vector.broadcast %logistic3A_744 : f32 to vector<200x32xf32>
    %logistic3A_746 = arith.addf %logistic3A_745, %logistic3A_743 : vector<200x32xf32>
    %logistic3A_747 = arith.divf %logistic3A_745, %logistic3A_746 : vector<200x32xf32>
    %sub3A_748 = arith.constant 1.000000e+00 : f32
    %sub3A_749 = vector.broadcast %sub3A_748 : f32 to vector<200x32xf32>
    %sub3A_750 = arith.subf %sub3A_749, %logistic3A_747 : vector<200x32xf32>
    %tanh3A_751 = math.tanh %add3A_741 : vector<200x32xf32>
    %mul3A_752 = arith.mulf %sub3A_750, %tanh3A_751 : vector<200x32xf32>
    %mul3A_753 = vector.broadcast %squeeze3A_720 : f32 to vector<200x32xf32>
    %mul3A_754 = arith.mulf %mul3A_753, %mul3A_752 : vector<200x32xf32>
    %add3A_755 = arith.addf %add3A_643, %mul3A_754 : vector<200x32xf32>
    %slice3A_756 = vector.extract_strided_slice %mul3A_735 {offsets = [0, 64], sizes = [200, 32], strides = [1, 1]} : vector<200x128xf32> to vector<200x32xf32>
    %add3A_757 = vector.broadcast %add3A : vector<1x32xf32> to vector<200x32xf32>
    %add3A_758 = arith.addf %slice3A_756, %add3A_757 : vector<200x32xf32>
    %slice3A_759 = vector.extract_strided_slice %mul3A_735 {offsets = [0, 96], sizes = [200, 32], strides = [1, 1]} : vector<200x128xf32> to vector<200x32xf32>
    %add3A_760 = vector.broadcast %add3A_34 : vector<1x32xf32> to vector<200x32xf32>
    %add3A_761 = arith.addf %slice3A_759, %add3A_760 : vector<200x32xf32>
    %logistic3A_762 = arith.negf %add3A_758 : vector<200x32xf32>
    %logistic3A_763 = math.exp %logistic3A_762 : vector<200x32xf32>
    %logistic3A_764 = arith.constant 1.000000e+00 : f32
    %logistic3A_765 = vector.broadcast %logistic3A_764 : f32 to vector<200x32xf32>
    %logistic3A_766 = arith.addf %logistic3A_765, %logistic3A_763 : vector<200x32xf32>
    %logistic3A_767 = arith.divf %logistic3A_765, %logistic3A_766 : vector<200x32xf32>
    %sub3A_768 = arith.constant 1.000000e+00 : f32
    %sub3A_769 = vector.broadcast %sub3A_768 : f32 to vector<200x32xf32>
    %sub3A_770 = arith.subf %sub3A_769, %logistic3A_767 : vector<200x32xf32>
    %tanh3A_771 = math.tanh %add3A_761 : vector<200x32xf32>
    %mul3A_772 = arith.mulf %sub3A_770, %tanh3A_771 : vector<200x32xf32>
    %mul3A_773 = vector.broadcast %squeeze3A_720 : f32 to vector<200x32xf32>
    %mul3A_774 = arith.mulf %mul3A_773, %mul3A_772 : vector<200x32xf32>
    %add3A_775 = arith.addf %add3A_663, %mul3A_774 : vector<200x32xf32>
    %get3A_776 = arith.constant 1 : index
    %get3A_777 = arith.constant 6 : index
    %get3A_778 = arith.constant 0 : index
    %get3A_779 = arith.constant 0 : index
    %get3A_780 = vector.load %arg1[%get3A_776, %get3A_777, %get3A_778, %get3A_779] : memref<2x12x200x128xf32, #tpu.memory_space<vmem>>, vector<1x1x200x128xf32>
    %get3A_781 = vector.shape_cast %get3A_780 : vector<1x1x200x128xf32> to vector<200x128xf32>
    %get3A_782 = arith.constant 1 : index
    %get3A_783 = arith.constant 6 : index
    %get3A_784 = arith.constant 0 : index
    %get3A_785 = arith.constant 0 : index
    %get3A_786 = vector.load %arg2[%get3A_782, %get3A_783, %get3A_784, %get3A_785] : memref<2x12x200x128xf32, #tpu.memory_space<vmem>>, vector<1x1x200x128xf32>
    %get3A_787 = vector.shape_cast %get3A_786 : vector<1x1x200x128xf32> to vector<200x128xf32>
    %add3A_788 = arith.addf %get3A_781, %get3A_787 : vector<200x128xf32>
    %mul3A_789 = vector.broadcast %rsqrt3A : vector<200x1xf32> to vector<200x128xf32>
    %mul3A_790 = arith.mulf %mul3A_789, %add3A_788 : vector<200x128xf32>
    %slice3A_791 = vector.extract_strided_slice %mul3A_790 {offsets = [0, 0], sizes = [200, 32], strides = [1, 1]} : vector<200x128xf32> to vector<200x32xf32>
    %add3A_792 = vector.broadcast %add3A : vector<1x32xf32> to vector<200x32xf32>
    %add3A_793 = arith.addf %slice3A_791, %add3A_792 : vector<200x32xf32>
    %slice3A_794 = vector.extract_strided_slice %mul3A_790 {offsets = [0, 32], sizes = [200, 32], strides = [1, 1]} : vector<200x128xf32> to vector<200x32xf32>
    %add3A_795 = vector.broadcast %add3A_34 : vector<1x32xf32> to vector<200x32xf32>
    %add3A_796 = arith.addf %slice3A_794, %add3A_795 : vector<200x32xf32>
    %logistic3A_797 = arith.negf %add3A_793 : vector<200x32xf32>
    %logistic3A_798 = math.exp %logistic3A_797 : vector<200x32xf32>
    %logistic3A_799 = arith.constant 1.000000e+00 : f32
    %logistic3A_800 = vector.broadcast %logistic3A_799 : f32 to vector<200x32xf32>
    %logistic3A_801 = arith.addf %logistic3A_800, %logistic3A_798 : vector<200x32xf32>
    %logistic3A_802 = arith.divf %logistic3A_800, %logistic3A_801 : vector<200x32xf32>
    %sub3A_803 = arith.constant 1.000000e+00 : f32
    %sub3A_804 = vector.broadcast %sub3A_803 : f32 to vector<200x32xf32>
    %sub3A_805 = arith.subf %sub3A_804, %logistic3A_802 : vector<200x32xf32>
    %tanh3A_806 = math.tanh %add3A_796 : vector<200x32xf32>
    %mul3A_807 = arith.mulf %sub3A_805, %tanh3A_806 : vector<200x32xf32>
    %mul3A_808 = vector.broadcast %squeeze3A_720 : f32 to vector<200x32xf32>
    %mul3A_809 = arith.mulf %mul3A_808, %mul3A_807 : vector<200x32xf32>
    %add3A_810 = arith.addf %add3A_698, %mul3A_809 : vector<200x32xf32>
    %slice3A_811 = vector.extract_strided_slice %mul3A_790 {offsets = [0, 64], sizes = [200, 32], strides = [1, 1]} : vector<200x128xf32> to vector<200x32xf32>
    %add3A_812 = vector.broadcast %add3A : vector<1x32xf32> to vector<200x32xf32>
    %add3A_813 = arith.addf %slice3A_811, %add3A_812 : vector<200x32xf32>
    %slice3A_814 = vector.extract_strided_slice %mul3A_790 {offsets = [0, 96], sizes = [200, 32], strides = [1, 1]} : vector<200x128xf32> to vector<200x32xf32>
    %add3A_815 = vector.broadcast %add3A_34 : vector<1x32xf32> to vector<200x32xf32>
    %add3A_816 = arith.addf %slice3A_814, %add3A_815 : vector<200x32xf32>
    %logistic3A_817 = arith.negf %add3A_813 : vector<200x32xf32>
    %logistic3A_818 = math.exp %logistic3A_817 : vector<200x32xf32>
    %logistic3A_819 = arith.constant 1.000000e+00 : f32
    %logistic3A_820 = vector.broadcast %logistic3A_819 : f32 to vector<200x32xf32>
    %logistic3A_821 = arith.addf %logistic3A_820, %logistic3A_818 : vector<200x32xf32>
    %logistic3A_822 = arith.divf %logistic3A_820, %logistic3A_821 : vector<200x32xf32>
    %sub3A_823 = arith.constant 1.000000e+00 : f32
    %sub3A_824 = vector.broadcast %sub3A_823 : f32 to vector<200x32xf32>
    %sub3A_825 = arith.subf %sub3A_824, %logistic3A_822 : vector<200x32xf32>
    %tanh3A_826 = math.tanh %add3A_816 : vector<200x32xf32>
    %mul3A_827 = arith.mulf %sub3A_825, %tanh3A_826 : vector<200x32xf32>
    %mul3A_828 = vector.broadcast %squeeze3A_720 : f32 to vector<200x32xf32>
    %mul3A_829 = arith.mulf %mul3A_828, %mul3A_827 : vector<200x32xf32>
    %add3A_830 = arith.addf %add3A_718, %mul3A_829 : vector<200x32xf32>
    %slice3A_831 = vector.extract_strided_slice %div3A_12 {offsets = [7], sizes = [1], strides = [1]} : vector<12xf32> to vector<1xf32>
    %squeeze3A_832 = vector.extract %slice3A_831[0] : f32 from vector<1xf32>
    %get3A_833 = arith.constant 0 : index
    %get3A_834 = arith.constant 7 : index
    %get3A_835 = arith.constant 0 : index
    %get3A_836 = arith.constant 0 : index
    %get3A_837 = vector.load %arg1[%get3A_833, %get3A_834, %get3A_835, %get3A_836] : memref<2x12x200x128xf32, #tpu.memory_space<vmem>>, vector<1x1x200x128xf32>
    %get3A_838 = vector.shape_cast %get3A_837 : vector<1x1x200x128xf32> to vector<200x128xf32>
    %get3A_839 = arith.constant 0 : index
    %get3A_840 = arith.constant 7 : index
    %get3A_841 = arith.constant 0 : index
    %get3A_842 = arith.constant 0 : index
    %get3A_843 = vector.load %arg2[%get3A_839, %get3A_840, %get3A_841, %get3A_842] : memref<2x12x200x128xf32, #tpu.memory_space<vmem>>, vector<1x1x200x128xf32>
    %get3A_844 = vector.shape_cast %get3A_843 : vector<1x1x200x128xf32> to vector<200x128xf32>
    %add3A_845 = arith.addf %get3A_838, %get3A_844 : vector<200x128xf32>
    %mul3A_846 = vector.broadcast %rsqrt3A : vector<200x1xf32> to vector<200x128xf32>
    %mul3A_847 = arith.mulf %mul3A_846, %add3A_845 : vector<200x128xf32>
    %slice3A_848 = vector.extract_strided_slice %mul3A_847 {offsets = [0, 0], sizes = [200, 32], strides = [1, 1]} : vector<200x128xf32> to vector<200x32xf32>
    %add3A_849 = vector.broadcast %add3A : vector<1x32xf32> to vector<200x32xf32>
    %add3A_850 = arith.addf %slice3A_848, %add3A_849 : vector<200x32xf32>
    %slice3A_851 = vector.extract_strided_slice %mul3A_847 {offsets = [0, 32], sizes = [200, 32], strides = [1, 1]} : vector<200x128xf32> to vector<200x32xf32>
    %add3A_852 = vector.broadcast %add3A_34 : vector<1x32xf32> to vector<200x32xf32>
    %add3A_853 = arith.addf %slice3A_851, %add3A_852 : vector<200x32xf32>
    %logistic3A_854 = arith.negf %add3A_850 : vector<200x32xf32>
    %logistic3A_855 = math.exp %logistic3A_854 : vector<200x32xf32>
    %logistic3A_856 = arith.constant 1.000000e+00 : f32
    %logistic3A_857 = vector.broadcast %logistic3A_856 : f32 to vector<200x32xf32>
    %logistic3A_858 = arith.addf %logistic3A_857, %logistic3A_855 : vector<200x32xf32>
    %logistic3A_859 = arith.divf %logistic3A_857, %logistic3A_858 : vector<200x32xf32>
    %sub3A_860 = arith.constant 1.000000e+00 : f32
    %sub3A_861 = vector.broadcast %sub3A_860 : f32 to vector<200x32xf32>
    %sub3A_862 = arith.subf %sub3A_861, %logistic3A_859 : vector<200x32xf32>
    %tanh3A_863 = math.tanh %add3A_853 : vector<200x32xf32>
    %mul3A_864 = arith.mulf %sub3A_862, %tanh3A_863 : vector<200x32xf32>
    %mul3A_865 = vector.broadcast %squeeze3A_832 : f32 to vector<200x32xf32>
    %mul3A_866 = arith.mulf %mul3A_865, %mul3A_864 : vector<200x32xf32>
    %add3A_867 = arith.addf %add3A_755, %mul3A_866 : vector<200x32xf32>
    %slice3A_868 = vector.extract_strided_slice %mul3A_847 {offsets = [0, 64], sizes = [200, 32], strides = [1, 1]} : vector<200x128xf32> to vector<200x32xf32>
    %add3A_869 = vector.broadcast %add3A : vector<1x32xf32> to vector<200x32xf32>
    %add3A_870 = arith.addf %slice3A_868, %add3A_869 : vector<200x32xf32>
    %slice3A_871 = vector.extract_strided_slice %mul3A_847 {offsets = [0, 96], sizes = [200, 32], strides = [1, 1]} : vector<200x128xf32> to vector<200x32xf32>
    %add3A_872 = vector.broadcast %add3A_34 : vector<1x32xf32> to vector<200x32xf32>
    %add3A_873 = arith.addf %slice3A_871, %add3A_872 : vector<200x32xf32>
    %logistic3A_874 = arith.negf %add3A_870 : vector<200x32xf32>
    %logistic3A_875 = math.exp %logistic3A_874 : vector<200x32xf32>
    %logistic3A_876 = arith.constant 1.000000e+00 : f32
    %logistic3A_877 = vector.broadcast %logistic3A_876 : f32 to vector<200x32xf32>
    %logistic3A_878 = arith.addf %logistic3A_877, %logistic3A_875 : vector<200x32xf32>
    %logistic3A_879 = arith.divf %logistic3A_877, %logistic3A_878 : vector<200x32xf32>
    %sub3A_880 = arith.constant 1.000000e+00 : f32
    %sub3A_881 = vector.broadcast %sub3A_880 : f32 to vector<200x32xf32>
    %sub3A_882 = arith.subf %sub3A_881, %logistic3A_879 : vector<200x32xf32>
    %tanh3A_883 = math.tanh %add3A_873 : vector<200x32xf32>
    %mul3A_884 = arith.mulf %sub3A_882, %tanh3A_883 : vector<200x32xf32>
    %mul3A_885 = vector.broadcast %squeeze3A_832 : f32 to vector<200x32xf32>
    %mul3A_886 = arith.mulf %mul3A_885, %mul3A_884 : vector<200x32xf32>
    %add3A_887 = arith.addf %add3A_775, %mul3A_886 : vector<200x32xf32>
    %get3A_888 = arith.constant 1 : index
    %get3A_889 = arith.constant 7 : index
    %get3A_890 = arith.constant 0 : index
    %get3A_891 = arith.constant 0 : index
    %get3A_892 = vector.load %arg1[%get3A_888, %get3A_889, %get3A_890, %get3A_891] : memref<2x12x200x128xf32, #tpu.memory_space<vmem>>, vector<1x1x200x128xf32>
    %get3A_893 = vector.shape_cast %get3A_892 : vector<1x1x200x128xf32> to vector<200x128xf32>
    %get3A_894 = arith.constant 1 : index
    %get3A_895 = arith.constant 7 : index
    %get3A_896 = arith.constant 0 : index
    %get3A_897 = arith.constant 0 : index
    %get3A_898 = vector.load %arg2[%get3A_894, %get3A_895, %get3A_896, %get3A_897] : memref<2x12x200x128xf32, #tpu.memory_space<vmem>>, vector<1x1x200x128xf32>
    %get3A_899 = vector.shape_cast %get3A_898 : vector<1x1x200x128xf32> to vector<200x128xf32>
    %add3A_900 = arith.addf %get3A_893, %get3A_899 : vector<200x128xf32>
    %mul3A_901 = vector.broadcast %rsqrt3A : vector<200x1xf32> to vector<200x128xf32>
    %mul3A_902 = arith.mulf %mul3A_901, %add3A_900 : vector<200x128xf32>
    %slice3A_903 = vector.extract_strided_slice %mul3A_902 {offsets = [0, 0], sizes = [200, 32], strides = [1, 1]} : vector<200x128xf32> to vector<200x32xf32>
    %add3A_904 = vector.broadcast %add3A : vector<1x32xf32> to vector<200x32xf32>
    %add3A_905 = arith.addf %slice3A_903, %add3A_904 : vector<200x32xf32>
    %slice3A_906 = vector.extract_strided_slice %mul3A_902 {offsets = [0, 32], sizes = [200, 32], strides = [1, 1]} : vector<200x128xf32> to vector<200x32xf32>
    %add3A_907 = vector.broadcast %add3A_34 : vector<1x32xf32> to vector<200x32xf32>
    %add3A_908 = arith.addf %slice3A_906, %add3A_907 : vector<200x32xf32>
    %logistic3A_909 = arith.negf %add3A_905 : vector<200x32xf32>
    %logistic3A_910 = math.exp %logistic3A_909 : vector<200x32xf32>
    %logistic3A_911 = arith.constant 1.000000e+00 : f32
    %logistic3A_912 = vector.broadcast %logistic3A_911 : f32 to vector<200x32xf32>
    %logistic3A_913 = arith.addf %logistic3A_912, %logistic3A_910 : vector<200x32xf32>
    %logistic3A_914 = arith.divf %logistic3A_912, %logistic3A_913 : vector<200x32xf32>
    %sub3A_915 = arith.constant 1.000000e+00 : f32
    %sub3A_916 = vector.broadcast %sub3A_915 : f32 to vector<200x32xf32>
    %sub3A_917 = arith.subf %sub3A_916, %logistic3A_914 : vector<200x32xf32>
    %tanh3A_918 = math.tanh %add3A_908 : vector<200x32xf32>
    %mul3A_919 = arith.mulf %sub3A_917, %tanh3A_918 : vector<200x32xf32>
    %mul3A_920 = vector.broadcast %squeeze3A_832 : f32 to vector<200x32xf32>
    %mul3A_921 = arith.mulf %mul3A_920, %mul3A_919 : vector<200x32xf32>
    %add3A_922 = arith.addf %add3A_810, %mul3A_921 : vector<200x32xf32>
    %slice3A_923 = vector.extract_strided_slice %mul3A_902 {offsets = [0, 64], sizes = [200, 32], strides = [1, 1]} : vector<200x128xf32> to vector<200x32xf32>
    %add3A_924 = vector.broadcast %add3A : vector<1x32xf32> to vector<200x32xf32>
    %add3A_925 = arith.addf %slice3A_923, %add3A_924 : vector<200x32xf32>
    %slice3A_926 = vector.extract_strided_slice %mul3A_902 {offsets = [0, 96], sizes = [200, 32], strides = [1, 1]} : vector<200x128xf32> to vector<200x32xf32>
    %add3A_927 = vector.broadcast %add3A_34 : vector<1x32xf32> to vector<200x32xf32>
    %add3A_928 = arith.addf %slice3A_926, %add3A_927 : vector<200x32xf32>
    %logistic3A_929 = arith.negf %add3A_925 : vector<200x32xf32>
    %logistic3A_930 = math.exp %logistic3A_929 : vector<200x32xf32>
    %logistic3A_931 = arith.constant 1.000000e+00 : f32
    %logistic3A_932 = vector.broadcast %logistic3A_931 : f32 to vector<200x32xf32>
    %logistic3A_933 = arith.addf %logistic3A_932, %logistic3A_930 : vector<200x32xf32>
    %logistic3A_934 = arith.divf %logistic3A_932, %logistic3A_933 : vector<200x32xf32>
    %sub3A_935 = arith.constant 1.000000e+00 : f32
    %sub3A_936 = vector.broadcast %sub3A_935 : f32 to vector<200x32xf32>
    %sub3A_937 = arith.subf %sub3A_936, %logistic3A_934 : vector<200x32xf32>
    %tanh3A_938 = math.tanh %add3A_928 : vector<200x32xf32>
    %mul3A_939 = arith.mulf %sub3A_937, %tanh3A_938 : vector<200x32xf32>
    %mul3A_940 = vector.broadcast %squeeze3A_832 : f32 to vector<200x32xf32>
    %mul3A_941 = arith.mulf %mul3A_940, %mul3A_939 : vector<200x32xf32>
    %add3A_942 = arith.addf %add3A_830, %mul3A_941 : vector<200x32xf32>
    %slice3A_943 = vector.extract_strided_slice %div3A_12 {offsets = [8], sizes = [1], strides = [1]} : vector<12xf32> to vector<1xf32>
    %squeeze3A_944 = vector.extract %slice3A_943[0] : f32 from vector<1xf32>
    %get3A_945 = arith.constant 0 : index
    %get3A_946 = arith.constant 8 : index
    %get3A_947 = arith.constant 0 : index
    %get3A_948 = arith.constant 0 : index
    %get3A_949 = vector.load %arg1[%get3A_945, %get3A_946, %get3A_947, %get3A_948] : memref<2x12x200x128xf32, #tpu.memory_space<vmem>>, vector<1x1x200x128xf32>
    %get3A_950 = vector.shape_cast %get3A_949 : vector<1x1x200x128xf32> to vector<200x128xf32>
    %get3A_951 = arith.constant 0 : index
    %get3A_952 = arith.constant 8 : index
    %get3A_953 = arith.constant 0 : index
    %get3A_954 = arith.constant 0 : index
    %get3A_955 = vector.load %arg2[%get3A_951, %get3A_952, %get3A_953, %get3A_954] : memref<2x12x200x128xf32, #tpu.memory_space<vmem>>, vector<1x1x200x128xf32>
    %get3A_956 = vector.shape_cast %get3A_955 : vector<1x1x200x128xf32> to vector<200x128xf32>
    %add3A_957 = arith.addf %get3A_950, %get3A_956 : vector<200x128xf32>
    %mul3A_958 = vector.broadcast %rsqrt3A : vector<200x1xf32> to vector<200x128xf32>
    %mul3A_959 = arith.mulf %mul3A_958, %add3A_957 : vector<200x128xf32>
    %slice3A_960 = vector.extract_strided_slice %mul3A_959 {offsets = [0, 0], sizes = [200, 32], strides = [1, 1]} : vector<200x128xf32> to vector<200x32xf32>
    %add3A_961 = vector.broadcast %add3A : vector<1x32xf32> to vector<200x32xf32>
    %add3A_962 = arith.addf %slice3A_960, %add3A_961 : vector<200x32xf32>
    %slice3A_963 = vector.extract_strided_slice %mul3A_959 {offsets = [0, 32], sizes = [200, 32], strides = [1, 1]} : vector<200x128xf32> to vector<200x32xf32>
    %add3A_964 = vector.broadcast %add3A_34 : vector<1x32xf32> to vector<200x32xf32>
    %add3A_965 = arith.addf %slice3A_963, %add3A_964 : vector<200x32xf32>
    %logistic3A_966 = arith.negf %add3A_962 : vector<200x32xf32>
    %logistic3A_967 = math.exp %logistic3A_966 : vector<200x32xf32>
    %logistic3A_968 = arith.constant 1.000000e+00 : f32
    %logistic3A_969 = vector.broadcast %logistic3A_968 : f32 to vector<200x32xf32>
    %logistic3A_970 = arith.addf %logistic3A_969, %logistic3A_967 : vector<200x32xf32>
    %logistic3A_971 = arith.divf %logistic3A_969, %logistic3A_970 : vector<200x32xf32>
    %sub3A_972 = arith.constant 1.000000e+00 : f32
    %sub3A_973 = vector.broadcast %sub3A_972 : f32 to vector<200x32xf32>
    %sub3A_974 = arith.subf %sub3A_973, %logistic3A_971 : vector<200x32xf32>
    %tanh3A_975 = math.tanh %add3A_965 : vector<200x32xf32>
    %mul3A_976 = arith.mulf %sub3A_974, %tanh3A_975 : vector<200x32xf32>
    %mul3A_977 = vector.broadcast %squeeze3A_944 : f32 to vector<200x32xf32>
    %mul3A_978 = arith.mulf %mul3A_977, %mul3A_976 : vector<200x32xf32>
    %add3A_979 = arith.addf %add3A_867, %mul3A_978 : vector<200x32xf32>
    %slice3A_980 = vector.extract_strided_slice %mul3A_959 {offsets = [0, 64], sizes = [200, 32], strides = [1, 1]} : vector<200x128xf32> to vector<200x32xf32>
    %add3A_981 = vector.broadcast %add3A : vector<1x32xf32> to vector<200x32xf32>
    %add3A_982 = arith.addf %slice3A_980, %add3A_981 : vector<200x32xf32>
    %slice3A_983 = vector.extract_strided_slice %mul3A_959 {offsets = [0, 96], sizes = [200, 32], strides = [1, 1]} : vector<200x128xf32> to vector<200x32xf32>
    %add3A_984 = vector.broadcast %add3A_34 : vector<1x32xf32> to vector<200x32xf32>
    %add3A_985 = arith.addf %slice3A_983, %add3A_984 : vector<200x32xf32>
    %logistic3A_986 = arith.negf %add3A_982 : vector<200x32xf32>
    %logistic3A_987 = math.exp %logistic3A_986 : vector<200x32xf32>
    %logistic3A_988 = arith.constant 1.000000e+00 : f32
    %logistic3A_989 = vector.broadcast %logistic3A_988 : f32 to vector<200x32xf32>
    %logistic3A_990 = arith.addf %logistic3A_989, %logistic3A_987 : vector<200x32xf32>
    %logistic3A_991 = arith.divf %logistic3A_989, %logistic3A_990 : vector<200x32xf32>
    %sub3A_992 = arith.constant 1.000000e+00 : f32
    %sub3A_993 = vector.broadcast %sub3A_992 : f32 to vector<200x32xf32>
    %sub3A_994 = arith.subf %sub3A_993, %logistic3A_991 : vector<200x32xf32>
    %tanh3A_995 = math.tanh %add3A_985 : vector<200x32xf32>
    %mul3A_996 = arith.mulf %sub3A_994, %tanh3A_995 : vector<200x32xf32>
    %mul3A_997 = vector.broadcast %squeeze3A_944 : f32 to vector<200x32xf32>
    %mul3A_998 = arith.mulf %mul3A_997, %mul3A_996 : vector<200x32xf32>
    %add3A_999 = arith.addf %add3A_887, %mul3A_998 : vector<200x32xf32>
    %get3A_1000 = arith.constant 1 : index
    %get3A_1001 = arith.constant 8 : index
    %get3A_1002 = arith.constant 0 : index
    %get3A_1003 = arith.constant 0 : index
    %get3A_1004 = vector.load %arg1[%get3A_1000, %get3A_1001, %get3A_1002, %get3A_1003] : memref<2x12x200x128xf32, #tpu.memory_space<vmem>>, vector<1x1x200x128xf32>
    %get3A_1005 = vector.shape_cast %get3A_1004 : vector<1x1x200x128xf32> to vector<200x128xf32>
    %get3A_1006 = arith.constant 1 : index
    %get3A_1007 = arith.constant 8 : index
    %get3A_1008 = arith.constant 0 : index
    %get3A_1009 = arith.constant 0 : index
    %get3A_1010 = vector.load %arg2[%get3A_1006, %get3A_1007, %get3A_1008, %get3A_1009] : memref<2x12x200x128xf32, #tpu.memory_space<vmem>>, vector<1x1x200x128xf32>
    %get3A_1011 = vector.shape_cast %get3A_1010 : vector<1x1x200x128xf32> to vector<200x128xf32>
    %add3A_1012 = arith.addf %get3A_1005, %get3A_1011 : vector<200x128xf32>
    %mul3A_1013 = vector.broadcast %rsqrt3A : vector<200x1xf32> to vector<200x128xf32>
    %mul3A_1014 = arith.mulf %mul3A_1013, %add3A_1012 : vector<200x128xf32>
    %slice3A_1015 = vector.extract_strided_slice %mul3A_1014 {offsets = [0, 0], sizes = [200, 32], strides = [1, 1]} : vector<200x128xf32> to vector<200x32xf32>
    %add3A_1016 = vector.broadcast %add3A : vector<1x32xf32> to vector<200x32xf32>
    %add3A_1017 = arith.addf %slice3A_1015, %add3A_1016 : vector<200x32xf32>
    %slice3A_1018 = vector.extract_strided_slice %mul3A_1014 {offsets = [0, 32], sizes = [200, 32], strides = [1, 1]} : vector<200x128xf32> to vector<200x32xf32>
    %add3A_1019 = vector.broadcast %add3A_34 : vector<1x32xf32> to vector<200x32xf32>
    %add3A_1020 = arith.addf %slice3A_1018, %add3A_1019 : vector<200x32xf32>
    %logistic3A_1021 = arith.negf %add3A_1017 : vector<200x32xf32>
    %logistic3A_1022 = math.exp %logistic3A_1021 : vector<200x32xf32>
    %logistic3A_1023 = arith.constant 1.000000e+00 : f32
    %logistic3A_1024 = vector.broadcast %logistic3A_1023 : f32 to vector<200x32xf32>
    %logistic3A_1025 = arith.addf %logistic3A_1024, %logistic3A_1022 : vector<200x32xf32>
    %logistic3A_1026 = arith.divf %logistic3A_1024, %logistic3A_1025 : vector<200x32xf32>
    %sub3A_1027 = arith.constant 1.000000e+00 : f32
    %sub3A_1028 = vector.broadcast %sub3A_1027 : f32 to vector<200x32xf32>
    %sub3A_1029 = arith.subf %sub3A_1028, %logistic3A_1026 : vector<200x32xf32>
    %tanh3A_1030 = math.tanh %add3A_1020 : vector<200x32xf32>
    %mul3A_1031 = arith.mulf %sub3A_1029, %tanh3A_1030 : vector<200x32xf32>
    %mul3A_1032 = vector.broadcast %squeeze3A_944 : f32 to vector<200x32xf32>
    %mul3A_1033 = arith.mulf %mul3A_1032, %mul3A_1031 : vector<200x32xf32>
    %add3A_1034 = arith.addf %add3A_922, %mul3A_1033 : vector<200x32xf32>
    %slice3A_1035 = vector.extract_strided_slice %mul3A_1014 {offsets = [0, 64], sizes = [200, 32], strides = [1, 1]} : vector<200x128xf32> to vector<200x32xf32>
    %add3A_1036 = vector.broadcast %add3A : vector<1x32xf32> to vector<200x32xf32>
    %add3A_1037 = arith.addf %slice3A_1035, %add3A_1036 : vector<200x32xf32>
    %slice3A_1038 = vector.extract_strided_slice %mul3A_1014 {offsets = [0, 96], sizes = [200, 32], strides = [1, 1]} : vector<200x128xf32> to vector<200x32xf32>
    %add3A_1039 = vector.broadcast %add3A_34 : vector<1x32xf32> to vector<200x32xf32>
    %add3A_1040 = arith.addf %slice3A_1038, %add3A_1039 : vector<200x32xf32>
    %logistic3A_1041 = arith.negf %add3A_1037 : vector<200x32xf32>
    %logistic3A_1042 = math.exp %logistic3A_1041 : vector<200x32xf32>
    %logistic3A_1043 = arith.constant 1.000000e+00 : f32
    %logistic3A_1044 = vector.broadcast %logistic3A_1043 : f32 to vector<200x32xf32>
    %logistic3A_1045 = arith.addf %logistic3A_1044, %logistic3A_1042 : vector<200x32xf32>
    %logistic3A_1046 = arith.divf %logistic3A_1044, %logistic3A_1045 : vector<200x32xf32>
    %sub3A_1047 = arith.constant 1.000000e+00 : f32
    %sub3A_1048 = vector.broadcast %sub3A_1047 : f32 to vector<200x32xf32>
    %sub3A_1049 = arith.subf %sub3A_1048, %logistic3A_1046 : vector<200x32xf32>
    %tanh3A_1050 = math.tanh %add3A_1040 : vector<200x32xf32>
    %mul3A_1051 = arith.mulf %sub3A_1049, %tanh3A_1050 : vector<200x32xf32>
    %mul3A_1052 = vector.broadcast %squeeze3A_944 : f32 to vector<200x32xf32>
    %mul3A_1053 = arith.mulf %mul3A_1052, %mul3A_1051 : vector<200x32xf32>
    %add3A_1054 = arith.addf %add3A_942, %mul3A_1053 : vector<200x32xf32>
    %slice3A_1055 = vector.extract_strided_slice %div3A_12 {offsets = [9], sizes = [1], strides = [1]} : vector<12xf32> to vector<1xf32>
    %squeeze3A_1056 = vector.extract %slice3A_1055[0] : f32 from vector<1xf32>
    %get3A_1057 = arith.constant 0 : index
    %get3A_1058 = arith.constant 9 : index
    %get3A_1059 = arith.constant 0 : index
    %get3A_1060 = arith.constant 0 : index
    %get3A_1061 = vector.load %arg1[%get3A_1057, %get3A_1058, %get3A_1059, %get3A_1060] : memref<2x12x200x128xf32, #tpu.memory_space<vmem>>, vector<1x1x200x128xf32>
    %get3A_1062 = vector.shape_cast %get3A_1061 : vector<1x1x200x128xf32> to vector<200x128xf32>
    %get3A_1063 = arith.constant 0 : index
    %get3A_1064 = arith.constant 9 : index
    %get3A_1065 = arith.constant 0 : index
    %get3A_1066 = arith.constant 0 : index
    %get3A_1067 = vector.load %arg2[%get3A_1063, %get3A_1064, %get3A_1065, %get3A_1066] : memref<2x12x200x128xf32, #tpu.memory_space<vmem>>, vector<1x1x200x128xf32>
    %get3A_1068 = vector.shape_cast %get3A_1067 : vector<1x1x200x128xf32> to vector<200x128xf32>
    %add3A_1069 = arith.addf %get3A_1062, %get3A_1068 : vector<200x128xf32>
    %mul3A_1070 = vector.broadcast %rsqrt3A : vector<200x1xf32> to vector<200x128xf32>
    %mul3A_1071 = arith.mulf %mul3A_1070, %add3A_1069 : vector<200x128xf32>
    %slice3A_1072 = vector.extract_strided_slice %mul3A_1071 {offsets = [0, 0], sizes = [200, 32], strides = [1, 1]} : vector<200x128xf32> to vector<200x32xf32>
    %add3A_1073 = vector.broadcast %add3A : vector<1x32xf32> to vector<200x32xf32>
    %add3A_1074 = arith.addf %slice3A_1072, %add3A_1073 : vector<200x32xf32>
    %slice3A_1075 = vector.extract_strided_slice %mul3A_1071 {offsets = [0, 32], sizes = [200, 32], strides = [1, 1]} : vector<200x128xf32> to vector<200x32xf32>
    %add3A_1076 = vector.broadcast %add3A_34 : vector<1x32xf32> to vector<200x32xf32>
    %add3A_1077 = arith.addf %slice3A_1075, %add3A_1076 : vector<200x32xf32>
    %logistic3A_1078 = arith.negf %add3A_1074 : vector<200x32xf32>
    %logistic3A_1079 = math.exp %logistic3A_1078 : vector<200x32xf32>
    %logistic3A_1080 = arith.constant 1.000000e+00 : f32
    %logistic3A_1081 = vector.broadcast %logistic3A_1080 : f32 to vector<200x32xf32>
    %logistic3A_1082 = arith.addf %logistic3A_1081, %logistic3A_1079 : vector<200x32xf32>
    %logistic3A_1083 = arith.divf %logistic3A_1081, %logistic3A_1082 : vector<200x32xf32>
    %sub3A_1084 = arith.constant 1.000000e+00 : f32
    %sub3A_1085 = vector.broadcast %sub3A_1084 : f32 to vector<200x32xf32>
    %sub3A_1086 = arith.subf %sub3A_1085, %logistic3A_1083 : vector<200x32xf32>
    %tanh3A_1087 = math.tanh %add3A_1077 : vector<200x32xf32>
    %mul3A_1088 = arith.mulf %sub3A_1086, %tanh3A_1087 : vector<200x32xf32>
    %mul3A_1089 = vector.broadcast %squeeze3A_1056 : f32 to vector<200x32xf32>
    %mul3A_1090 = arith.mulf %mul3A_1089, %mul3A_1088 : vector<200x32xf32>
    %add3A_1091 = arith.addf %add3A_979, %mul3A_1090 : vector<200x32xf32>
    %slice3A_1092 = vector.extract_strided_slice %mul3A_1071 {offsets = [0, 64], sizes = [200, 32], strides = [1, 1]} : vector<200x128xf32> to vector<200x32xf32>
    %add3A_1093 = vector.broadcast %add3A : vector<1x32xf32> to vector<200x32xf32>
    %add3A_1094 = arith.addf %slice3A_1092, %add3A_1093 : vector<200x32xf32>
    %slice3A_1095 = vector.extract_strided_slice %mul3A_1071 {offsets = [0, 96], sizes = [200, 32], strides = [1, 1]} : vector<200x128xf32> to vector<200x32xf32>
    %add3A_1096 = vector.broadcast %add3A_34 : vector<1x32xf32> to vector<200x32xf32>
    %add3A_1097 = arith.addf %slice3A_1095, %add3A_1096 : vector<200x32xf32>
    %logistic3A_1098 = arith.negf %add3A_1094 : vector<200x32xf32>
    %logistic3A_1099 = math.exp %logistic3A_1098 : vector<200x32xf32>
    %logistic3A_1100 = arith.constant 1.000000e+00 : f32
    %logistic3A_1101 = vector.broadcast %logistic3A_1100 : f32 to vector<200x32xf32>
    %logistic3A_1102 = arith.addf %logistic3A_1101, %logistic3A_1099 : vector<200x32xf32>
    %logistic3A_1103 = arith.divf %logistic3A_1101, %logistic3A_1102 : vector<200x32xf32>
    %sub3A_1104 = arith.constant 1.000000e+00 : f32
    %sub3A_1105 = vector.broadcast %sub3A_1104 : f32 to vector<200x32xf32>
    %sub3A_1106 = arith.subf %sub3A_1105, %logistic3A_1103 : vector<200x32xf32>
    %tanh3A_1107 = math.tanh %add3A_1097 : vector<200x32xf32>
    %mul3A_1108 = arith.mulf %sub3A_1106, %tanh3A_1107 : vector<200x32xf32>
    %mul3A_1109 = vector.broadcast %squeeze3A_1056 : f32 to vector<200x32xf32>
    %mul3A_1110 = arith.mulf %mul3A_1109, %mul3A_1108 : vector<200x32xf32>
    %add3A_1111 = arith.addf %add3A_999, %mul3A_1110 : vector<200x32xf32>
    %get3A_1112 = arith.constant 1 : index
    %get3A_1113 = arith.constant 9 : index
    %get3A_1114 = arith.constant 0 : index
    %get3A_1115 = arith.constant 0 : index
    %get3A_1116 = vector.load %arg1[%get3A_1112, %get3A_1113, %get3A_1114, %get3A_1115] : memref<2x12x200x128xf32, #tpu.memory_space<vmem>>, vector<1x1x200x128xf32>
    %get3A_1117 = vector.shape_cast %get3A_1116 : vector<1x1x200x128xf32> to vector<200x128xf32>
    %get3A_1118 = arith.constant 1 : index
    %get3A_1119 = arith.constant 9 : index
    %get3A_1120 = arith.constant 0 : index
    %get3A_1121 = arith.constant 0 : index
    %get3A_1122 = vector.load %arg2[%get3A_1118, %get3A_1119, %get3A_1120, %get3A_1121] : memref<2x12x200x128xf32, #tpu.memory_space<vmem>>, vector<1x1x200x128xf32>
    %get3A_1123 = vector.shape_cast %get3A_1122 : vector<1x1x200x128xf32> to vector<200x128xf32>
    %add3A_1124 = arith.addf %get3A_1117, %get3A_1123 : vector<200x128xf32>
    %mul3A_1125 = vector.broadcast %rsqrt3A : vector<200x1xf32> to vector<200x128xf32>
    %mul3A_1126 = arith.mulf %mul3A_1125, %add3A_1124 : vector<200x128xf32>
    %slice3A_1127 = vector.extract_strided_slice %mul3A_1126 {offsets = [0, 0], sizes = [200, 32], strides = [1, 1]} : vector<200x128xf32> to vector<200x32xf32>
    %add3A_1128 = vector.broadcast %add3A : vector<1x32xf32> to vector<200x32xf32>
    %add3A_1129 = arith.addf %slice3A_1127, %add3A_1128 : vector<200x32xf32>
    %slice3A_1130 = vector.extract_strided_slice %mul3A_1126 {offsets = [0, 32], sizes = [200, 32], strides = [1, 1]} : vector<200x128xf32> to vector<200x32xf32>
    %add3A_1131 = vector.broadcast %add3A_34 : vector<1x32xf32> to vector<200x32xf32>
    %add3A_1132 = arith.addf %slice3A_1130, %add3A_1131 : vector<200x32xf32>
    %logistic3A_1133 = arith.negf %add3A_1129 : vector<200x32xf32>
    %logistic3A_1134 = math.exp %logistic3A_1133 : vector<200x32xf32>
    %logistic3A_1135 = arith.constant 1.000000e+00 : f32
    %logistic3A_1136 = vector.broadcast %logistic3A_1135 : f32 to vector<200x32xf32>
    %logistic3A_1137 = arith.addf %logistic3A_1136, %logistic3A_1134 : vector<200x32xf32>
    %logistic3A_1138 = arith.divf %logistic3A_1136, %logistic3A_1137 : vector<200x32xf32>
    %sub3A_1139 = arith.constant 1.000000e+00 : f32
    %sub3A_1140 = vector.broadcast %sub3A_1139 : f32 to vector<200x32xf32>
    %sub3A_1141 = arith.subf %sub3A_1140, %logistic3A_1138 : vector<200x32xf32>
    %tanh3A_1142 = math.tanh %add3A_1132 : vector<200x32xf32>
    %mul3A_1143 = arith.mulf %sub3A_1141, %tanh3A_1142 : vector<200x32xf32>
    %mul3A_1144 = vector.broadcast %squeeze3A_1056 : f32 to vector<200x32xf32>
    %mul3A_1145 = arith.mulf %mul3A_1144, %mul3A_1143 : vector<200x32xf32>
    %add3A_1146 = arith.addf %add3A_1034, %mul3A_1145 : vector<200x32xf32>
    %slice3A_1147 = vector.extract_strided_slice %mul3A_1126 {offsets = [0, 64], sizes = [200, 32], strides = [1, 1]} : vector<200x128xf32> to vector<200x32xf32>
    %add3A_1148 = vector.broadcast %add3A : vector<1x32xf32> to vector<200x32xf32>
    %add3A_1149 = arith.addf %slice3A_1147, %add3A_1148 : vector<200x32xf32>
    %slice3A_1150 = vector.extract_strided_slice %mul3A_1126 {offsets = [0, 96], sizes = [200, 32], strides = [1, 1]} : vector<200x128xf32> to vector<200x32xf32>
    %add3A_1151 = vector.broadcast %add3A_34 : vector<1x32xf32> to vector<200x32xf32>
    %add3A_1152 = arith.addf %slice3A_1150, %add3A_1151 : vector<200x32xf32>
    %logistic3A_1153 = arith.negf %add3A_1149 : vector<200x32xf32>
    %logistic3A_1154 = math.exp %logistic3A_1153 : vector<200x32xf32>
    %logistic3A_1155 = arith.constant 1.000000e+00 : f32
    %logistic3A_1156 = vector.broadcast %logistic3A_1155 : f32 to vector<200x32xf32>
    %logistic3A_1157 = arith.addf %logistic3A_1156, %logistic3A_1154 : vector<200x32xf32>
    %logistic3A_1158 = arith.divf %logistic3A_1156, %logistic3A_1157 : vector<200x32xf32>
    %sub3A_1159 = arith.constant 1.000000e+00 : f32
    %sub3A_1160 = vector.broadcast %sub3A_1159 : f32 to vector<200x32xf32>
    %sub3A_1161 = arith.subf %sub3A_1160, %logistic3A_1158 : vector<200x32xf32>
    %tanh3A_1162 = math.tanh %add3A_1152 : vector<200x32xf32>
    %mul3A_1163 = arith.mulf %sub3A_1161, %tanh3A_1162 : vector<200x32xf32>
    %mul3A_1164 = vector.broadcast %squeeze3A_1056 : f32 to vector<200x32xf32>
    %mul3A_1165 = arith.mulf %mul3A_1164, %mul3A_1163 : vector<200x32xf32>
    %add3A_1166 = arith.addf %add3A_1054, %mul3A_1165 : vector<200x32xf32>
    %slice3A_1167 = vector.extract_strided_slice %div3A_12 {offsets = [10], sizes = [1], strides = [1]} : vector<12xf32> to vector<1xf32>
    %squeeze3A_1168 = vector.extract %slice3A_1167[0] : f32 from vector<1xf32>
    %get3A_1169 = arith.constant 0 : index
    %get3A_1170 = arith.constant 10 : index
    %get3A_1171 = arith.constant 0 : index
    %get3A_1172 = arith.constant 0 : index
    %get3A_1173 = vector.load %arg1[%get3A_1169, %get3A_1170, %get3A_1171, %get3A_1172] : memref<2x12x200x128xf32, #tpu.memory_space<vmem>>, vector<1x1x200x128xf32>
    %get3A_1174 = vector.shape_cast %get3A_1173 : vector<1x1x200x128xf32> to vector<200x128xf32>
    %get3A_1175 = arith.constant 0 : index
    %get3A_1176 = arith.constant 10 : index
    %get3A_1177 = arith.constant 0 : index
    %get3A_1178 = arith.constant 0 : index
    %get3A_1179 = vector.load %arg2[%get3A_1175, %get3A_1176, %get3A_1177, %get3A_1178] : memref<2x12x200x128xf32, #tpu.memory_space<vmem>>, vector<1x1x200x128xf32>
    %get3A_1180 = vector.shape_cast %get3A_1179 : vector<1x1x200x128xf32> to vector<200x128xf32>
    %add3A_1181 = arith.addf %get3A_1174, %get3A_1180 : vector<200x128xf32>
    %mul3A_1182 = vector.broadcast %rsqrt3A : vector<200x1xf32> to vector<200x128xf32>
    %mul3A_1183 = arith.mulf %mul3A_1182, %add3A_1181 : vector<200x128xf32>
    %slice3A_1184 = vector.extract_strided_slice %mul3A_1183 {offsets = [0, 0], sizes = [200, 32], strides = [1, 1]} : vector<200x128xf32> to vector<200x32xf32>
    %add3A_1185 = vector.broadcast %add3A : vector<1x32xf32> to vector<200x32xf32>
    %add3A_1186 = arith.addf %slice3A_1184, %add3A_1185 : vector<200x32xf32>
    %slice3A_1187 = vector.extract_strided_slice %mul3A_1183 {offsets = [0, 32], sizes = [200, 32], strides = [1, 1]} : vector<200x128xf32> to vector<200x32xf32>
    %add3A_1188 = vector.broadcast %add3A_34 : vector<1x32xf32> to vector<200x32xf32>
    %add3A_1189 = arith.addf %slice3A_1187, %add3A_1188 : vector<200x32xf32>
    %logistic3A_1190 = arith.negf %add3A_1186 : vector<200x32xf32>
    %logistic3A_1191 = math.exp %logistic3A_1190 : vector<200x32xf32>
    %logistic3A_1192 = arith.constant 1.000000e+00 : f32
    %logistic3A_1193 = vector.broadcast %logistic3A_1192 : f32 to vector<200x32xf32>
    %logistic3A_1194 = arith.addf %logistic3A_1193, %logistic3A_1191 : vector<200x32xf32>
    %logistic3A_1195 = arith.divf %logistic3A_1193, %logistic3A_1194 : vector<200x32xf32>
    %sub3A_1196 = arith.constant 1.000000e+00 : f32
    %sub3A_1197 = vector.broadcast %sub3A_1196 : f32 to vector<200x32xf32>
    %sub3A_1198 = arith.subf %sub3A_1197, %logistic3A_1195 : vector<200x32xf32>
    %tanh3A_1199 = math.tanh %add3A_1189 : vector<200x32xf32>
    %mul3A_1200 = arith.mulf %sub3A_1198, %tanh3A_1199 : vector<200x32xf32>
    %mul3A_1201 = vector.broadcast %squeeze3A_1168 : f32 to vector<200x32xf32>
    %mul3A_1202 = arith.mulf %mul3A_1201, %mul3A_1200 : vector<200x32xf32>
    %add3A_1203 = arith.addf %add3A_1091, %mul3A_1202 : vector<200x32xf32>
    %slice3A_1204 = vector.extract_strided_slice %mul3A_1183 {offsets = [0, 64], sizes = [200, 32], strides = [1, 1]} : vector<200x128xf32> to vector<200x32xf32>
    %add3A_1205 = vector.broadcast %add3A : vector<1x32xf32> to vector<200x32xf32>
    %add3A_1206 = arith.addf %slice3A_1204, %add3A_1205 : vector<200x32xf32>
    %slice3A_1207 = vector.extract_strided_slice %mul3A_1183 {offsets = [0, 96], sizes = [200, 32], strides = [1, 1]} : vector<200x128xf32> to vector<200x32xf32>
    %add3A_1208 = vector.broadcast %add3A_34 : vector<1x32xf32> to vector<200x32xf32>
    %add3A_1209 = arith.addf %slice3A_1207, %add3A_1208 : vector<200x32xf32>
    %logistic3A_1210 = arith.negf %add3A_1206 : vector<200x32xf32>
    %logistic3A_1211 = math.exp %logistic3A_1210 : vector<200x32xf32>
    %logistic3A_1212 = arith.constant 1.000000e+00 : f32
    %logistic3A_1213 = vector.broadcast %logistic3A_1212 : f32 to vector<200x32xf32>
    %logistic3A_1214 = arith.addf %logistic3A_1213, %logistic3A_1211 : vector<200x32xf32>
    %logistic3A_1215 = arith.divf %logistic3A_1213, %logistic3A_1214 : vector<200x32xf32>
    %sub3A_1216 = arith.constant 1.000000e+00 : f32
    %sub3A_1217 = vector.broadcast %sub3A_1216 : f32 to vector<200x32xf32>
    %sub3A_1218 = arith.subf %sub3A_1217, %logistic3A_1215 : vector<200x32xf32>
    %tanh3A_1219 = math.tanh %add3A_1209 : vector<200x32xf32>
    %mul3A_1220 = arith.mulf %sub3A_1218, %tanh3A_1219 : vector<200x32xf32>
    %mul3A_1221 = vector.broadcast %squeeze3A_1168 : f32 to vector<200x32xf32>
    %mul3A_1222 = arith.mulf %mul3A_1221, %mul3A_1220 : vector<200x32xf32>
    %add3A_1223 = arith.addf %add3A_1111, %mul3A_1222 : vector<200x32xf32>
    %get3A_1224 = arith.constant 1 : index
    %get3A_1225 = arith.constant 10 : index
    %get3A_1226 = arith.constant 0 : index
    %get3A_1227 = arith.constant 0 : index
    %get3A_1228 = vector.load %arg1[%get3A_1224, %get3A_1225, %get3A_1226, %get3A_1227] : memref<2x12x200x128xf32, #tpu.memory_space<vmem>>, vector<1x1x200x128xf32>
    %get3A_1229 = vector.shape_cast %get3A_1228 : vector<1x1x200x128xf32> to vector<200x128xf32>
    %get3A_1230 = arith.constant 1 : index
    %get3A_1231 = arith.constant 10 : index
    %get3A_1232 = arith.constant 0 : index
    %get3A_1233 = arith.constant 0 : index
    %get3A_1234 = vector.load %arg2[%get3A_1230, %get3A_1231, %get3A_1232, %get3A_1233] : memref<2x12x200x128xf32, #tpu.memory_space<vmem>>, vector<1x1x200x128xf32>
    %get3A_1235 = vector.shape_cast %get3A_1234 : vector<1x1x200x128xf32> to vector<200x128xf32>
    %add3A_1236 = arith.addf %get3A_1229, %get3A_1235 : vector<200x128xf32>
    %mul3A_1237 = vector.broadcast %rsqrt3A : vector<200x1xf32> to vector<200x128xf32>
    %mul3A_1238 = arith.mulf %mul3A_1237, %add3A_1236 : vector<200x128xf32>
    %slice3A_1239 = vector.extract_strided_slice %mul3A_1238 {offsets = [0, 0], sizes = [200, 32], strides = [1, 1]} : vector<200x128xf32> to vector<200x32xf32>
    %add3A_1240 = vector.broadcast %add3A : vector<1x32xf32> to vector<200x32xf32>
    %add3A_1241 = arith.addf %slice3A_1239, %add3A_1240 : vector<200x32xf32>
    %slice3A_1242 = vector.extract_strided_slice %mul3A_1238 {offsets = [0, 32], sizes = [200, 32], strides = [1, 1]} : vector<200x128xf32> to vector<200x32xf32>
    %add3A_1243 = vector.broadcast %add3A_34 : vector<1x32xf32> to vector<200x32xf32>
    %add3A_1244 = arith.addf %slice3A_1242, %add3A_1243 : vector<200x32xf32>
    %logistic3A_1245 = arith.negf %add3A_1241 : vector<200x32xf32>
    %logistic3A_1246 = math.exp %logistic3A_1245 : vector<200x32xf32>
    %logistic3A_1247 = arith.constant 1.000000e+00 : f32
    %logistic3A_1248 = vector.broadcast %logistic3A_1247 : f32 to vector<200x32xf32>
    %logistic3A_1249 = arith.addf %logistic3A_1248, %logistic3A_1246 : vector<200x32xf32>
    %logistic3A_1250 = arith.divf %logistic3A_1248, %logistic3A_1249 : vector<200x32xf32>
    %sub3A_1251 = arith.constant 1.000000e+00 : f32
    %sub3A_1252 = vector.broadcast %sub3A_1251 : f32 to vector<200x32xf32>
    %sub3A_1253 = arith.subf %sub3A_1252, %logistic3A_1250 : vector<200x32xf32>
    %tanh3A_1254 = math.tanh %add3A_1244 : vector<200x32xf32>
    %mul3A_1255 = arith.mulf %sub3A_1253, %tanh3A_1254 : vector<200x32xf32>
    %mul3A_1256 = vector.broadcast %squeeze3A_1168 : f32 to vector<200x32xf32>
    %mul3A_1257 = arith.mulf %mul3A_1256, %mul3A_1255 : vector<200x32xf32>
    %add3A_1258 = arith.addf %add3A_1146, %mul3A_1257 : vector<200x32xf32>
    %slice3A_1259 = vector.extract_strided_slice %mul3A_1238 {offsets = [0, 64], sizes = [200, 32], strides = [1, 1]} : vector<200x128xf32> to vector<200x32xf32>
    %add3A_1260 = vector.broadcast %add3A : vector<1x32xf32> to vector<200x32xf32>
    %add3A_1261 = arith.addf %slice3A_1259, %add3A_1260 : vector<200x32xf32>
    %slice3A_1262 = vector.extract_strided_slice %mul3A_1238 {offsets = [0, 96], sizes = [200, 32], strides = [1, 1]} : vector<200x128xf32> to vector<200x32xf32>
    %add3A_1263 = vector.broadcast %add3A_34 : vector<1x32xf32> to vector<200x32xf32>
    %add3A_1264 = arith.addf %slice3A_1262, %add3A_1263 : vector<200x32xf32>
    %logistic3A_1265 = arith.negf %add3A_1261 : vector<200x32xf32>
    %logistic3A_1266 = math.exp %logistic3A_1265 : vector<200x32xf32>
    %logistic3A_1267 = arith.constant 1.000000e+00 : f32
    %logistic3A_1268 = vector.broadcast %logistic3A_1267 : f32 to vector<200x32xf32>
    %logistic3A_1269 = arith.addf %logistic3A_1268, %logistic3A_1266 : vector<200x32xf32>
    %logistic3A_1270 = arith.divf %logistic3A_1268, %logistic3A_1269 : vector<200x32xf32>
    %sub3A_1271 = arith.constant 1.000000e+00 : f32
    %sub3A_1272 = vector.broadcast %sub3A_1271 : f32 to vector<200x32xf32>
    %sub3A_1273 = arith.subf %sub3A_1272, %logistic3A_1270 : vector<200x32xf32>
    %tanh3A_1274 = math.tanh %add3A_1264 : vector<200x32xf32>
    %mul3A_1275 = arith.mulf %sub3A_1273, %tanh3A_1274 : vector<200x32xf32>
    %mul3A_1276 = vector.broadcast %squeeze3A_1168 : f32 to vector<200x32xf32>
    %mul3A_1277 = arith.mulf %mul3A_1276, %mul3A_1275 : vector<200x32xf32>
    %add3A_1278 = arith.addf %add3A_1166, %mul3A_1277 : vector<200x32xf32>
    %slice3A_1279 = vector.extract_strided_slice %div3A_12 {offsets = [11], sizes = [1], strides = [1]} : vector<12xf32> to vector<1xf32>
    %squeeze3A_1280 = vector.extract %slice3A_1279[0] : f32 from vector<1xf32>
    %get3A_1281 = arith.constant 0 : index
    %get3A_1282 = arith.constant 11 : index
    %get3A_1283 = arith.constant 0 : index
    %get3A_1284 = arith.constant 0 : index
    %get3A_1285 = vector.load %arg1[%get3A_1281, %get3A_1282, %get3A_1283, %get3A_1284] : memref<2x12x200x128xf32, #tpu.memory_space<vmem>>, vector<1x1x200x128xf32>
    %get3A_1286 = vector.shape_cast %get3A_1285 : vector<1x1x200x128xf32> to vector<200x128xf32>
    %get3A_1287 = arith.constant 0 : index
    %get3A_1288 = arith.constant 11 : index
    %get3A_1289 = arith.constant 0 : index
    %get3A_1290 = arith.constant 0 : index
    %get3A_1291 = vector.load %arg2[%get3A_1287, %get3A_1288, %get3A_1289, %get3A_1290] : memref<2x12x200x128xf32, #tpu.memory_space<vmem>>, vector<1x1x200x128xf32>
    %get3A_1292 = vector.shape_cast %get3A_1291 : vector<1x1x200x128xf32> to vector<200x128xf32>
    %add3A_1293 = arith.addf %get3A_1286, %get3A_1292 : vector<200x128xf32>
    %mul3A_1294 = vector.broadcast %rsqrt3A : vector<200x1xf32> to vector<200x128xf32>
    %mul3A_1295 = arith.mulf %mul3A_1294, %add3A_1293 : vector<200x128xf32>
    %slice3A_1296 = vector.extract_strided_slice %mul3A_1295 {offsets = [0, 0], sizes = [200, 32], strides = [1, 1]} : vector<200x128xf32> to vector<200x32xf32>
    %add3A_1297 = vector.broadcast %add3A : vector<1x32xf32> to vector<200x32xf32>
    %add3A_1298 = arith.addf %slice3A_1296, %add3A_1297 : vector<200x32xf32>
    %slice3A_1299 = vector.extract_strided_slice %mul3A_1295 {offsets = [0, 32], sizes = [200, 32], strides = [1, 1]} : vector<200x128xf32> to vector<200x32xf32>
    %add3A_1300 = vector.broadcast %add3A_34 : vector<1x32xf32> to vector<200x32xf32>
    %add3A_1301 = arith.addf %slice3A_1299, %add3A_1300 : vector<200x32xf32>
    %logistic3A_1302 = arith.negf %add3A_1298 : vector<200x32xf32>
    %logistic3A_1303 = math.exp %logistic3A_1302 : vector<200x32xf32>
    %logistic3A_1304 = arith.constant 1.000000e+00 : f32
    %logistic3A_1305 = vector.broadcast %logistic3A_1304 : f32 to vector<200x32xf32>
    %logistic3A_1306 = arith.addf %logistic3A_1305, %logistic3A_1303 : vector<200x32xf32>
    %logistic3A_1307 = arith.divf %logistic3A_1305, %logistic3A_1306 : vector<200x32xf32>
    %sub3A_1308 = arith.constant 1.000000e+00 : f32
    %sub3A_1309 = vector.broadcast %sub3A_1308 : f32 to vector<200x32xf32>
    %sub3A_1310 = arith.subf %sub3A_1309, %logistic3A_1307 : vector<200x32xf32>
    %tanh3A_1311 = math.tanh %add3A_1301 : vector<200x32xf32>
    %mul3A_1312 = arith.mulf %sub3A_1310, %tanh3A_1311 : vector<200x32xf32>
    %mul3A_1313 = vector.broadcast %squeeze3A_1280 : f32 to vector<200x32xf32>
    %mul3A_1314 = arith.mulf %mul3A_1313, %mul3A_1312 : vector<200x32xf32>
    %add3A_1315 = arith.addf %add3A_1203, %mul3A_1314 : vector<200x32xf32>
    %slice3A_1316 = vector.extract_strided_slice %mul3A_1295 {offsets = [0, 64], sizes = [200, 32], strides = [1, 1]} : vector<200x128xf32> to vector<200x32xf32>
    %add3A_1317 = vector.broadcast %add3A : vector<1x32xf32> to vector<200x32xf32>
    %add3A_1318 = arith.addf %slice3A_1316, %add3A_1317 : vector<200x32xf32>
    %slice3A_1319 = vector.extract_strided_slice %mul3A_1295 {offsets = [0, 96], sizes = [200, 32], strides = [1, 1]} : vector<200x128xf32> to vector<200x32xf32>
    %add3A_1320 = vector.broadcast %add3A_34 : vector<1x32xf32> to vector<200x32xf32>
    %add3A_1321 = arith.addf %slice3A_1319, %add3A_1320 : vector<200x32xf32>
    %logistic3A_1322 = arith.negf %add3A_1318 : vector<200x32xf32>
    %logistic3A_1323 = math.exp %logistic3A_1322 : vector<200x32xf32>
    %logistic3A_1324 = arith.constant 1.000000e+00 : f32
    %logistic3A_1325 = vector.broadcast %logistic3A_1324 : f32 to vector<200x32xf32>
    %logistic3A_1326 = arith.addf %logistic3A_1325, %logistic3A_1323 : vector<200x32xf32>
    %logistic3A_1327 = arith.divf %logistic3A_1325, %logistic3A_1326 : vector<200x32xf32>
    %sub3A_1328 = arith.constant 1.000000e+00 : f32
    %sub3A_1329 = vector.broadcast %sub3A_1328 : f32 to vector<200x32xf32>
    %sub3A_1330 = arith.subf %sub3A_1329, %logistic3A_1327 : vector<200x32xf32>
    %tanh3A_1331 = math.tanh %add3A_1321 : vector<200x32xf32>
    %mul3A_1332 = arith.mulf %sub3A_1330, %tanh3A_1331 : vector<200x32xf32>
    %mul3A_1333 = vector.broadcast %squeeze3A_1280 : f32 to vector<200x32xf32>
    %mul3A_1334 = arith.mulf %mul3A_1333, %mul3A_1332 : vector<200x32xf32>
    %add3A_1335 = arith.addf %add3A_1223, %mul3A_1334 : vector<200x32xf32>
    %get3A_1336 = arith.constant 1 : index
    %get3A_1337 = arith.constant 11 : index
    %get3A_1338 = arith.constant 0 : index
    %get3A_1339 = arith.constant 0 : index
    %get3A_1340 = vector.load %arg1[%get3A_1336, %get3A_1337, %get3A_1338, %get3A_1339] : memref<2x12x200x128xf32, #tpu.memory_space<vmem>>, vector<1x1x200x128xf32>
    %get3A_1341 = vector.shape_cast %get3A_1340 : vector<1x1x200x128xf32> to vector<200x128xf32>
    %get3A_1342 = arith.constant 1 : index
    %get3A_1343 = arith.constant 11 : index
    %get3A_1344 = arith.constant 0 : index
    %get3A_1345 = arith.constant 0 : index
    %get3A_1346 = vector.load %arg2[%get3A_1342, %get3A_1343, %get3A_1344, %get3A_1345] : memref<2x12x200x128xf32, #tpu.memory_space<vmem>>, vector<1x1x200x128xf32>
    %get3A_1347 = vector.shape_cast %get3A_1346 : vector<1x1x200x128xf32> to vector<200x128xf32>
    %add3A_1348 = arith.addf %get3A_1341, %get3A_1347 : vector<200x128xf32>
    %mul3A_1349 = vector.broadcast %rsqrt3A : vector<200x1xf32> to vector<200x128xf32>
    %mul3A_1350 = arith.mulf %mul3A_1349, %add3A_1348 : vector<200x128xf32>
    %slice3A_1351 = vector.extract_strided_slice %mul3A_1350 {offsets = [0, 0], sizes = [200, 32], strides = [1, 1]} : vector<200x128xf32> to vector<200x32xf32>
    %add3A_1352 = vector.broadcast %add3A : vector<1x32xf32> to vector<200x32xf32>
    %add3A_1353 = arith.addf %slice3A_1351, %add3A_1352 : vector<200x32xf32>
    %slice3A_1354 = vector.extract_strided_slice %mul3A_1350 {offsets = [0, 32], sizes = [200, 32], strides = [1, 1]} : vector<200x128xf32> to vector<200x32xf32>
    %add3A_1355 = vector.broadcast %add3A_34 : vector<1x32xf32> to vector<200x32xf32>
    %add3A_1356 = arith.addf %slice3A_1354, %add3A_1355 : vector<200x32xf32>
    %logistic3A_1357 = arith.negf %add3A_1353 : vector<200x32xf32>
    %logistic3A_1358 = math.exp %logistic3A_1357 : vector<200x32xf32>
    %logistic3A_1359 = arith.constant 1.000000e+00 : f32
    %logistic3A_1360 = vector.broadcast %logistic3A_1359 : f32 to vector<200x32xf32>
    %logistic3A_1361 = arith.addf %logistic3A_1360, %logistic3A_1358 : vector<200x32xf32>
    %logistic3A_1362 = arith.divf %logistic3A_1360, %logistic3A_1361 : vector<200x32xf32>
    %sub3A_1363 = arith.constant 1.000000e+00 : f32
    %sub3A_1364 = vector.broadcast %sub3A_1363 : f32 to vector<200x32xf32>
    %sub3A_1365 = arith.subf %sub3A_1364, %logistic3A_1362 : vector<200x32xf32>
    %tanh3A_1366 = math.tanh %add3A_1356 : vector<200x32xf32>
    %mul3A_1367 = arith.mulf %sub3A_1365, %tanh3A_1366 : vector<200x32xf32>
    %mul3A_1368 = vector.broadcast %squeeze3A_1280 : f32 to vector<200x32xf32>
    %mul3A_1369 = arith.mulf %mul3A_1368, %mul3A_1367 : vector<200x32xf32>
    %add3A_1370 = arith.addf %add3A_1258, %mul3A_1369 : vector<200x32xf32>
    %slice3A_1371 = vector.extract_strided_slice %mul3A_1350 {offsets = [0, 64], sizes = [200, 32], strides = [1, 1]} : vector<200x128xf32> to vector<200x32xf32>
    %add3A_1372 = vector.broadcast %add3A : vector<1x32xf32> to vector<200x32xf32>
    %add3A_1373 = arith.addf %slice3A_1371, %add3A_1372 : vector<200x32xf32>
    %slice3A_1374 = vector.extract_strided_slice %mul3A_1350 {offsets = [0, 96], sizes = [200, 32], strides = [1, 1]} : vector<200x128xf32> to vector<200x32xf32>
    %add3A_1375 = vector.broadcast %add3A_34 : vector<1x32xf32> to vector<200x32xf32>
    %add3A_1376 = arith.addf %slice3A_1374, %add3A_1375 : vector<200x32xf32>
    %logistic3A_1377 = arith.negf %add3A_1373 : vector<200x32xf32>
    %logistic3A_1378 = math.exp %logistic3A_1377 : vector<200x32xf32>
    %logistic3A_1379 = arith.constant 1.000000e+00 : f32
    %logistic3A_1380 = vector.broadcast %logistic3A_1379 : f32 to vector<200x32xf32>
    %logistic3A_1381 = arith.addf %logistic3A_1380, %logistic3A_1378 : vector<200x32xf32>
    %logistic3A_1382 = arith.divf %logistic3A_1380, %logistic3A_1381 : vector<200x32xf32>
    %sub3A_1383 = arith.constant 1.000000e+00 : f32
    %sub3A_1384 = vector.broadcast %sub3A_1383 : f32 to vector<200x32xf32>
    %sub3A_1385 = arith.subf %sub3A_1384, %logistic3A_1382 : vector<200x32xf32>
    %tanh3A_1386 = math.tanh %add3A_1376 : vector<200x32xf32>
    %mul3A_1387 = arith.mulf %sub3A_1385, %tanh3A_1386 : vector<200x32xf32>
    %mul3A_1388 = vector.broadcast %squeeze3A_1280 : f32 to vector<200x32xf32>
    %mul3A_1389 = arith.mulf %mul3A_1388, %mul3A_1387 : vector<200x32xf32>
    %add3A_1390 = arith.addf %add3A_1278, %mul3A_1389 : vector<200x32xf32>
    %tanh3A_1391 = math.tanh %add3A_1315 : vector<200x32xf32>
    %get3A_1392 = arith.constant 0 : index
    %get3A_1393 = arith.constant 0 : index
    %get3A_1394 = vector.load %arg11[%get3A_1392, %get3A_1393] : memref<32x16xf32, #tpu.memory_space<vmem>>, vector<32x16xf32>
    %dot_general3A_1395 = arith.constant dense<0.000000e+00> : vector<200x16xf32>
    %dot_general3A_1396 = tpu.matmul %tanh3A_1391, %get3A_1394, %dot_general3A_1395 {dimension_numbers = #tpu.dot_dimension_numbers<[1], [0], [0], [1], [0, 0, 1, 1], [], []>, transpose_lhs_hint = false} : vector<200x32xf32>, vector<32x16xf32>, vector<200x16xf32> -> vector<200x16xf32>
    %get3A_1397 = arith.constant 0 : index
    %get3A_1398 = arith.constant 0 : index
    %get3A_1399 = vector.load %arg12[%get3A_1397, %get3A_1398] : memref<1x16xf32, #tpu.memory_space<vmem>>, vector<1x16xf32>
    %add3A_1400 = vector.broadcast %get3A_1399 : vector<1x16xf32> to vector<200x16xf32>
    %add3A_1401 = arith.addf %dot_general3A_1396, %add3A_1400 : vector<200x16xf32>
    %tanh3A_1402 = math.tanh %add3A_1401 : vector<200x16xf32>
    %get3A_1403 = arith.constant 0 : index
    %get3A_1404 = arith.constant 0 : index
    %get3A_1405 = vector.load %arg13[%get3A_1403, %get3A_1404] : memref<16x12xf32, #tpu.memory_space<vmem>>, vector<16x12xf32>
    %dot_general3A_1406 = arith.constant dense<0.000000e+00> : vector<200x12xf32>
    %dot_general3A_1407 = tpu.matmul %tanh3A_1402, %get3A_1405, %dot_general3A_1406 {dimension_numbers = #tpu.dot_dimension_numbers<[1], [0], [0], [1], [0, 0, 1, 1], [], []>, transpose_lhs_hint = false} : vector<200x16xf32>, vector<16x12xf32>, vector<200x12xf32> -> vector<200x12xf32>
    %get3A_1408 = arith.constant 0 : index
    %get3A_1409 = arith.constant 0 : index
    %get3A_1410 = vector.load %arg14[%get3A_1408, %get3A_1409] : memref<1x12xf32, #tpu.memory_space<vmem>>, vector<1x12xf32>
    %add3A_1411 = vector.broadcast %get3A_1410 : vector<1x12xf32> to vector<200x12xf32>
    %add3A_1412 = arith.addf %dot_general3A_1407, %add3A_1411 : vector<200x12xf32>
    %swap3A = arith.constant 0 : index
    %swap3A_1413 = arith.constant 0 : index
    %swap3A_1414 = arith.constant 0 : index
    %swap3A_1415 = vector.load %arg15[%swap3A, %swap3A_1413, %swap3A_1414] : memref<4x200x12xf32, #tpu.memory_space<vmem>>, vector<1x200x12xf32>
    %swap3A_1416 = vector.shape_cast %swap3A_1415 : vector<1x200x12xf32> to vector<200x12xf32>
    %swap3A_1417 = vector.shape_cast %add3A_1412 : vector<200x12xf32> to vector<1x200x12xf32>
    tpu.vector_store %arg15[%swap3A, %swap3A_1413, %swap3A_1414], %swap3A_1417 {strides = array<i32>} : memref<4x200x12xf32, #tpu.memory_space<vmem>>, vector<1x200x12xf32>,
    %tanh3A_1418 = math.tanh %add3A_1335 : vector<200x32xf32>
    %get3A_1419 = arith.constant 0 : index
    %get3A_1420 = arith.constant 0 : index
    %get3A_1421 = vector.load %arg11[%get3A_1419, %get3A_1420] : memref<32x16xf32, #tpu.memory_space<vmem>>, vector<32x16xf32>
    %dot_general3A_1422 = arith.constant dense<0.000000e+00> : vector<200x16xf32>
    %dot_general3A_1423 = tpu.matmul %tanh3A_1418, %get3A_1421, %dot_general3A_1422 {dimension_numbers = #tpu.dot_dimension_numbers<[1], [0], [0], [1], [0, 0, 1, 1], [], []>, transpose_lhs_hint = false} : vector<200x32xf32>, vector<32x16xf32>, vector<200x16xf32> -> vector<200x16xf32>
    %get3A_1424 = arith.constant 0 : index
    %get3A_1425 = arith.constant 0 : index
    %get3A_1426 = vector.load %arg12[%get3A_1424, %get3A_1425] : memref<1x16xf32, #tpu.memory_space<vmem>>, vector<1x16xf32>
    %add3A_1427 = vector.broadcast %get3A_1426 : vector<1x16xf32> to vector<200x16xf32>
    %add3A_1428 = arith.addf %dot_general3A_1423, %add3A_1427 : vector<200x16xf32>
    %tanh3A_1429 = math.tanh %add3A_1428 : vector<200x16xf32>
    %get3A_1430 = arith.constant 0 : index
    %get3A_1431 = arith.constant 0 : index
    %get3A_1432 = vector.load %arg13[%get3A_1430, %get3A_1431] : memref<16x12xf32, #tpu.memory_space<vmem>>, vector<16x12xf32>
    %dot_general3A_1433 = arith.constant dense<0.000000e+00> : vector<200x12xf32>
    %dot_general3A_1434 = tpu.matmul %tanh3A_1429, %get3A_1432, %dot_general3A_1433 {dimension_numbers = #tpu.dot_dimension_numbers<[1], [0], [0], [1], [0, 0, 1, 1], [], []>, transpose_lhs_hint = false} : vector<200x16xf32>, vector<16x12xf32>, vector<200x12xf32> -> vector<200x12xf32>
    %get3A_1435 = arith.constant 0 : index
    %get3A_1436 = arith.constant 0 : index
    %get3A_1437 = vector.load %arg14[%get3A_1435, %get3A_1436] : memref<1x12xf32, #tpu.memory_space<vmem>>, vector<1x12xf32>
    %add3A_1438 = vector.broadcast %get3A_1437 : vector<1x12xf32> to vector<200x12xf32>
    %add3A_1439 = arith.addf %dot_general3A_1434, %add3A_1438 : vector<200x12xf32>
    %swap3A_1440 = arith.constant 1 : index
    %swap3A_1441 = arith.constant 0 : index
    %swap3A_1442 = arith.constant 0 : index
    %swap3A_1443 = vector.load %arg15[%swap3A_1440, %swap3A_1441, %swap3A_1442] : memref<4x200x12xf32, #tpu.memory_space<vmem>>, vector<1x200x12xf32>
    %swap3A_1444 = vector.shape_cast %swap3A_1443 : vector<1x200x12xf32> to vector<200x12xf32>
    %swap3A_1445 = vector.shape_cast %add3A_1439 : vector<200x12xf32> to vector<1x200x12xf32>
    tpu.vector_store %arg15[%swap3A_1440, %swap3A_1441, %swap3A_1442], %swap3A_1445 {strides = array<i32>} : memref<4x200x12xf32, #tpu.memory_space<vmem>>, vector<1x200x12xf32>,
    %tanh3A_1446 = math.tanh %add3A_1370 : vector<200x32xf32>
    %get3A_1447 = arith.constant 0 : index
    %get3A_1448 = arith.constant 0 : index
    %get3A_1449 = vector.load %arg11[%get3A_1447, %get3A_1448] : memref<32x16xf32, #tpu.memory_space<vmem>>, vector<32x16xf32>
    %dot_general3A_1450 = arith.constant dense<0.000000e+00> : vector<200x16xf32>
    %dot_general3A_1451 = tpu.matmul %tanh3A_1446, %get3A_1449, %dot_general3A_1450 {dimension_numbers = #tpu.dot_dimension_numbers<[1], [0], [0], [1], [0, 0, 1, 1], [], []>, transpose_lhs_hint = false} : vector<200x32xf32>, vector<32x16xf32>, vector<200x16xf32> -> vector<200x16xf32>
    %get3A_1452 = arith.constant 0 : index
    %get3A_1453 = arith.constant 0 : index
    %get3A_1454 = vector.load %arg12[%get3A_1452, %get3A_1453] : memref<1x16xf32, #tpu.memory_space<vmem>>, vector<1x16xf32>
    %add3A_1455 = vector.broadcast %get3A_1454 : vector<1x16xf32> to vector<200x16xf32>
    %add3A_1456 = arith.addf %dot_general3A_1451, %add3A_1455 : vector<200x16xf32>
    %tanh3A_1457 = math.tanh %add3A_1456 : vector<200x16xf32>
    %get3A_1458 = arith.constant 0 : index
    %get3A_1459 = arith.constant 0 : index
    %get3A_1460 = vector.load %arg13[%get3A_1458, %get3A_1459] : memref<16x12xf32, #tpu.memory_space<vmem>>, vector<16x12xf32>
    %dot_general3A_1461 = arith.constant dense<0.000000e+00> : vector<200x12xf32>
    %dot_general3A_1462 = tpu.matmul %tanh3A_1457, %get3A_1460, %dot_general3A_1461 {dimension_numbers = #tpu.dot_dimension_numbers<[1], [0], [0], [1], [0, 0, 1, 1], [], []>, transpose_lhs_hint = false} : vector<200x16xf32>, vector<16x12xf32>, vector<200x12xf32> -> vector<200x12xf32>
    %get3A_1463 = arith.constant 0 : index
    %get3A_1464 = arith.constant 0 : index
    %get3A_1465 = vector.load %arg14[%get3A_1463, %get3A_1464] : memref<1x12xf32, #tpu.memory_space<vmem>>, vector<1x12xf32>
    %add3A_1466 = vector.broadcast %get3A_1465 : vector<1x12xf32> to vector<200x12xf32>
    %add3A_1467 = arith.addf %dot_general3A_1462, %add3A_1466 : vector<200x12xf32>
    %swap3A_1468 = arith.constant 2 : index
    %swap3A_1469 = arith.constant 0 : index
    %swap3A_1470 = arith.constant 0 : index
    %swap3A_1471 = vector.load %arg15[%swap3A_1468, %swap3A_1469, %swap3A_1470] : memref<4x200x12xf32, #tpu.memory_space<vmem>>, vector<1x200x12xf32>
    %swap3A_1472 = vector.shape_cast %swap3A_1471 : vector<1x200x12xf32> to vector<200x12xf32>
    %swap3A_1473 = vector.shape_cast %add3A_1467 : vector<200x12xf32> to vector<1x200x12xf32>
    tpu.vector_store %arg15[%swap3A_1468, %swap3A_1469, %swap3A_1470], %swap3A_1473 {strides = array<i32>} : memref<4x200x12xf32, #tpu.memory_space<vmem>>, vector<1x200x12xf32>,
    %tanh3A_1474 = math.tanh %add3A_1390 : vector<200x32xf32>
    %get3A_1475 = arith.constant 0 : index
    %get3A_1476 = arith.constant 0 : index
    %get3A_1477 = vector.load %arg11[%get3A_1475, %get3A_1476] : memref<32x16xf32, #tpu.memory_space<vmem>>, vector<32x16xf32>
    %dot_general3A_1478 = arith.constant dense<0.000000e+00> : vector<200x16xf32>
    %dot_general3A_1479 = tpu.matmul %tanh3A_1474, %get3A_1477, %dot_general3A_1478 {dimension_numbers = #tpu.dot_dimension_numbers<[1], [0], [0], [1], [0, 0, 1, 1], [], []>, transpose_lhs_hint = false} : vector<200x32xf32>, vector<32x16xf32>, vector<200x16xf32> -> vector<200x16xf32>
    %get3A_1480 = arith.constant 0 : index
    %get3A_1481 = arith.constant 0 : index
    %get3A_1482 = vector.load %arg12[%get3A_1480, %get3A_1481] : memref<1x16xf32, #tpu.memory_space<vmem>>, vector<1x16xf32>
    %add3A_1483 = vector.broadcast %get3A_1482 : vector<1x16xf32> to vector<200x16xf32>
    %add3A_1484 = arith.addf %dot_general3A_1479, %add3A_1483 : vector<200x16xf32>
    %tanh3A_1485 = math.tanh %add3A_1484 : vector<200x16xf32>
    %get3A_1486 = arith.constant 0 : index
    %get3A_1487 = arith.constant 0 : index
    %get3A_1488 = vector.load %arg13[%get3A_1486, %get3A_1487] : memref<16x12xf32, #tpu.memory_space<vmem>>, vector<16x12xf32>
    %dot_general3A_1489 = arith.constant dense<0.000000e+00> : vector<200x12xf32>
    %dot_general3A_1490 = tpu.matmul %tanh3A_1485, %get3A_1488, %dot_general3A_1489 {dimension_numbers = #tpu.dot_dimension_numbers<[1], [0], [0], [1], [0, 0, 1, 1], [], []>, transpose_lhs_hint = false} : vector<200x16xf32>, vector<16x12xf32>, vector<200x12xf32> -> vector<200x12xf32>
    %get3A_1491 = arith.constant 0 : index
    %get3A_1492 = arith.constant 0 : index
    %get3A_1493 = vector.load %arg14[%get3A_1491, %get3A_1492] : memref<1x12xf32, #tpu.memory_space<vmem>>, vector<1x12xf32>
    %add3A_1494 = vector.broadcast %get3A_1493 : vector<1x12xf32> to vector<200x12xf32>
    %add3A_1495 = arith.addf %dot_general3A_1490, %add3A_1494 : vector<200x12xf32>
    %swap3A_1496 = arith.constant 3 : index
    %swap3A_1497 = arith.constant 0 : index
    %swap3A_1498 = arith.constant 0 : index
    %swap3A_1499 = vector.load %arg15[%swap3A_1496, %swap3A_1497, %swap3A_1498] : memref<4x200x12xf32, #tpu.memory_space<vmem>>, vector<1x200x12xf32>
    %swap3A_1500 = vector.shape_cast %swap3A_1499 : vector<1x200x12xf32> to vector<200x12xf32>
    %swap3A_1501 = vector.shape_cast %add3A_1495 : vector<200x12xf32> to vector<1x200x12xf32>
    tpu.vector_store %arg15[%swap3A_1496, %swap3A_1497, %swap3A_1498], %swap3A_1501 {strides = array<i32>} : memref<4x200x12xf32, #tpu.memory_space<vmem>>, vector<1x200x12xf32>,
    return
  }
  func.func @transform_0(%arg0: i32) -> (i32, i32, i32, i32) {
    %c0_i32 = arith.constant 0 : i32
    %c0_i32_0 = arith.constant 0 : i32
    %c0_i32_1 = arith.constant 0 : i32
    %c0_i32_2 = arith.constant 0 : i32
    return %c0_i32, %c0_i32_0, %arg0, %c0_i32_1 : i32, i32, i32, i32
  }
  func.func @transform_1(%arg0: i32) -> (i32, i32, i32, i32) {
    %c0_i32 = arith.constant 0 : i32
    %c0_i32_0 = arith.constant 0 : i32
    %c0_i32_1 = arith.constant 0 : i32
    %c0_i32_2 = arith.constant 0 : i32
    return %c0_i32, %c0_i32_0, %arg0, %c0_i32_1 : i32, i32, i32, i32
  }
  func.func @transform_2(%arg0: i32) -> (i32, i32) {
    %c0_i32 = arith.constant 0 : i32
    %c0_i32_0 = arith.constant 0 : i32
    return %arg0, %c0_i32 : i32, i32
  }
  func.func @transform_3(%arg0: i32) -> (i32, i32) {
    %c0_i32 = arith.constant 0 : i32
    %c0_i32_0 = arith.constant 0 : i32
    %c0_i32_1 = arith.constant 0 : i32
    return %c0_i32, %c0_i32_0 : i32, i32
  }
  func.func @transform_4(%arg0: i32) -> (i32, i32) {
    %c0_i32 = arith.constant 0 : i32
    %c0_i32_0 = arith.constant 0 : i32
    %c0_i32_1 = arith.constant 0 : i32
    return %c0_i32, %c0_i32_0 : i32, i32
  }
  func.func @transform_5(%arg0: i32) -> (i32, i32) {
    %c0_i32 = arith.constant 0 : i32
    %c0_i32_0 = arith.constant 0 : i32
    %c0_i32_1 = arith.constant 0 : i32
    return %c0_i32, %c0_i32_0 : i32, i32
  }
  func.func @transform_6(%arg0: i32) -> (i32, i32) {
    %c0_i32 = arith.constant 0 : i32
    %c0_i32_0 = arith.constant 0 : i32
    %c0_i32_1 = arith.constant 0 : i32
    return %c0_i32, %c0_i32_0 : i32, i32
  }
  func.func @transform_7(%arg0: i32) -> (i32, i32) {
    %c0_i32 = arith.constant 0 : i32
    %c0_i32_0 = arith.constant 0 : i32
    %c0_i32_1 = arith.constant 0 : i32
    return %c0_i32, %c0_i32_0 : i32, i32
  }
  func.func @transform_8(%arg0: i32) -> (i32, i32) {
    %c0_i32 = arith.constant 0 : i32
    %c0_i32_0 = arith.constant 0 : i32
    %c0_i32_1 = arith.constant 0 : i32
    return %c0_i32, %c0_i32_0 : i32, i32
  }
  func.func @transform_9(%arg0: i32) -> (i32, i32) {
    %c0_i32 = arith.constant 0 : i32
    %c0_i32_0 = arith.constant 0 : i32
    %c0_i32_1 = arith.constant 0 : i32
    return %c0_i32, %c0_i32_0 : i32, i32
  }
  func.func @transform_10(%arg0: i32) -> (i32, i32) {
    %c0_i32 = arith.constant 0 : i32
    %c0_i32_0 = arith.constant 0 : i32
    %c0_i32_1 = arith.constant 0 : i32
    return %c0_i32, %c0_i32_0 : i32, i32
  }
  func.func @transform_11(%arg0: i32) -> (i32, i32) {
    %c0_i32 = arith.constant 0 : i32
    %c0_i32_0 = arith.constant 0 : i32
    %c0_i32_1 = arith.constant 0 : i32
    return %c0_i32, %c0_i32_0 : i32, i32
  }
  func.func @transform_12(%arg0: i32) -> (i32, i32) {
    %c0_i32 = arith.constant 0 : i32
    %c0_i32_0 = arith.constant 0 : i32
    %c0_i32_1 = arith.constant 0 : i32
    return %c0_i32, %c0_i32_0 : i32, i32
  }
  func.func @transform_13(%arg0: i32) -> (i32, i32) {
    %c0_i32 = arith.constant 0 : i32
    %c0_i32_0 = arith.constant 0 : i32
    %c0_i32_1 = arith.constant 0 : i32
    return %c0_i32, %c0_i32_0 : i32, i32
  }
  func.func @transform_14(%arg0: i32) -> (i32, i32, i32) {
    %c0_i32 = arith.constant 0 : i32
    %c0_i32_0 = arith.constant 0 : i32
    %c0_i32_1 = arith.constant 0 : i32
    return %c0_i32, %arg0, %c0_i32_0 : i32, i32, i32
  }
}

</mosaic_0001>

<sc_bundles>
// kernel: kernel.6.cloned.1.call-start
scs
__scs_entry_jumppad:
0x0: {  	(pc) =	sbr.rel $0x88, $3  }
0x1: {  	(tag) =	ssettag $0x0;
	lr =	simm.s32 $0x1  }
0x2: {  	[smem:$0x3F92] =	sst lr;
	_ =	strace $0xD0000000  }
0x3: {  	_ = 	snop  }
0x4: {  	_ = 	snop  }
0x5: {  	_ = 	snop  }
0x6: {  	_ = 	snop  }
0x7: {  	_ = 	snop  }
__scs_overlays_trampoline_lowered:
0x8: {  	[smem:$0x3FA1] =	sst s0  }
0x9: {  	[smem:$0x3FA2] =	sst s1  }
0xa: {  	[smem:$0x3FA3] =	sst s2  }
0xb: {  	[smem:$0x3FA4] =	sst s3  }
0xc: {  	[smem:$0x3FA5] =	sst s4  }
0xd: {  	[smem:$0x3FA6] =	sst s5  }
0xe: {  	[smem:$0x3FA7] =	sst s6  }
0xf: {  	[smem:$0x3FA8] =	sst s7  }
0x10: {  	[smem:$0x3FA9] =	sst s8  }
0x11: {  	[smem:$0x3FAA] =	sst s9;
	s0 =	simm.s32 @!p0 $0x0  }
0x12: {  	s1 =	sld [smem:$0x3F90];
	s0 =	simm.s32 @p0 $0x1  }
0x13: {  	[smem:$0x3FAB] =	sst s0;
	s0 =	simm.s32 @!p1 $0x0  }
0x14: {  	s2 =	sld [smem:$0x3F8F];
	s0 =	simm.s32 @p1 $0x1  }
0x15: {  	[smem:$0x3FAC] =	sst s0;
	s0 =	simm.s32 @!p2 $0x0  }
0x16: {  	s3 =	sld [smem:$0x3FDB];
	s0 =	simm.s32 @p2 $0x1  }
0x17: {  	s4 =	simm.s32 $0x1BF5;
	[smem:$0x3FAE] =	sst s0  }
0x18: {  	s0 =	sld [smem:$0x3F91];
	_ =	swait.ge [sflag:s4], $0x0  }
0x19: {  	s7 =	sld [smem:$0x3F92]  }
0x1a: {  	s8 =	sadd.s32 $0xFFFFE003, lr  }
0x1b: {  	s9 =	sadd.s32 $0xFFFFFEF7, lr;
	s5 =	simm.s32 $0xFFFFFFFF;
	p2 =	slt.u32 s8, $0xFFFFF086  }
0x1c: {  	p1 =	slt.u32 s9, $0xF7A;
	s5 =	simm.s32 @!p2 $0x0  }
0x1d: {  	s5 =	simm.s32 @p1 $0x1;
	p0 =	seq.s32 s7, s2  }
0x1e: {  	s7 =	smul.u32 @!p0 $0xF7A, s2;
	p2 =	seq.s32 @!p0 s5, $0x0  }
0x1f: {  	s9 =	smul.u32 $0xF7A, s1;
	s8 =	simm.s32 @!p0 $0x1BF5;
	p2 =	por !p2, p0  }
0x20: {  	[sflag:s8] =	ssyncset.s32 @!p0 $0xFFFFF086;
	s6 =	sadd.s32 @!p0 s3, s7;
	s7 =	simm.s32 @!p0 $0x108  }
0x21: {  	s3 =	sadd.s32 s3, s9;
	s6 =	sadd.s32 @!p0 $0x88, s6;
	s7 =	simm.s32 @p2 $0x1082  }
0x22: {  	[simem:s7], [sflag:s8] =	dma.local @!p0 [hbm:s6], $0xF7A  }
0x23: {  	s9 =	sor.u32 $0xD0000000, s2;
	s6 =	simm.s32 $0x108;
	_ =	swait.ge @!p0 [sflag:s8], $0x0  }
0x24: {  	s3 =	sadd.s32 $0x88, s3;
	s6 =	simm.s32 @!p1 $0x1082;
	[sflag:s4] =	ssyncset.s32 $0xFFFFF086  }
0x25: {  	[simem:s6], [sflag:s4] =	dma.local [hbm:s3], $0xF7A  }
0x26: {  	[smem:$0x3F92] =	sst s1;
	(tag) =	ssettag s2;
	_ =	strace s9  }
0x27: {  	s1 =	sld [smem:$0x3FA2]  }
0x28: {  	s2 =	sld [smem:$0x3FA3]  }
0x29: {  	s4 =	sld [smem:$0x3FA5]  }
0x2a: {  	p0 =	seq.s32 s5, $0x0;
	s5 =	sld [smem:$0x3FA6]  }
0x2b: {  	s6 =	sld [smem:$0x3FA7]  }
0x2c: {  	s7 =	sld [smem:$0x3FA8]  }
0x2d: {  	s3 =	simm.s32 $0x108;
	s8 =	sld [smem:$0x3FA9]  }
0x2e: {  	s3 =	simm.s32 @!p0 $0x1082;
	s9 =	sld [smem:$0x3FAA]  }
0x2f: {  	lr =	sadd.s32 s0, s3;
	s0 =	sld [smem:$0x3FA1]  }
0x30: {  	s3 =	sld [smem:$0x3FA4]  }
0x31: {  	[smem:$0x3FAD] =	sst s10  }
0x32: {  	s10 =	sld [smem:$0x3FAB];
	_ =	sdelay $0x3  }
0x33: {  	p0 =	seq.s32 s10, $0x1;
	s10 =	sld [smem:$0x3FAD];
	_ =	sdelay $0x3  }
0x34: {  	[smem:$0x3FAD] =	sst s10  }
0x35: {  	s10 =	sld [smem:$0x3FAC];
	_ =	sdelay $0x3  }
0x36: {  	p1 =	seq.s32 s10, $0x1;
	s10 =	sld [smem:$0x3FAD];
	_ =	sdelay $0x3  }
0x37: {  	[smem:$0x3FAD] =	sst s10  }
0x38: {  	s10 =	sld [smem:$0x3FAE]  }
0x39: {  	_ = 	snop;
	(pc) =	sbr.ind lr, $3  }
0x3a: {  	_ = 	snop  }
0x3b: {  	_ = 	snop  }
0x3c: {  	p2 =	seq.s32 s10, $0x1;
	s10 =	sld [smem:$0x3FAD]  }
0x3d: {  	_ =	shalt  }
0x3e: {  	_ =	shalt  }
0x3f: {  	_ =	shalt  }
0x40: {  	_ =	shalt  }
0x41: {  	_ =	shalt  }
0x42: {  	_ =	shalt  }
0x43: {  	_ =	shalt  }
0x44: {  	_ =	shalt  }
0x45: {  	_ =	shalt  }
0x46: {  	_ =	shalt  }
0x47: {  	_ =	shalt  }
0x48: {  	_ =	shalt  }
0x49: {  	_ =	shalt  }
0x4a: {  	_ =	shalt  }
0x4b: {  	_ =	shalt  }
0x4c: {  	_ =	shalt  }
0x4d: {  	_ =	shalt  }
0x4e: {  	_ =	shalt  }
0x4f: {  	_ =	shalt  }
0x50: {  	_ =	shalt  }
0x51: {  	_ =	shalt  }
0x52: {  	_ =	shalt  }
0x53: {  	_ =	shalt  }
0x54: {  	_ =	shalt  }
0x55: {  	_ =	shalt  }
0x56: {  	_ =	shalt  }
0x57: {  	_ =	shalt  }
0x58: {  	_ =	shalt  }
0x59: {  	_ =	shalt  }
0x5a: {  	_ =	shalt  }
0x5b: {  	_ =	shalt  }
0x5c: {  	_ =	shalt  }
0x5d: {  	_ =	shalt  }
0x5e: {  	_ =	shalt  }
0x5f: {  	_ =	shalt  }
0x60: {  	_ =	shalt  }
0x61: {  	_ =	shalt  }
0x62: {  	_ =	shalt  }
0x63: {  	_ =	shalt  }
0x64: {  	_ =	shalt  }
0x65: {  	_ =	shalt  }
0x66: {  	_ =	shalt  }
0x67: {  	_ =	shalt  }
0x68: {  	_ =	shalt  }
0x69: {  	_ =	shalt  }
0x6a: {  	_ =	shalt  }
0x6b: {  	_ =	shalt  }
0x6c: {  	_ =	shalt  }
0x6d: {  	_ =	shalt  }
0x6e: {  	_ =	shalt  }
0x6f: {  	_ =	shalt  }
0x70: {  	_ =	shalt  }
0x71: {  	_ =	shalt  }
0x72: {  	_ =	shalt  }
0x73: {  	_ =	shalt  }
0x74: {  	_ =	shalt  }
0x75: {  	_ =	shalt  }
0x76: {  	_ =	shalt  }
0x77: {  	_ =	shalt  }
0x78: {  	_ =	shalt  }
0x79: {  	_ =	shalt  }
0x7a: {  	_ =	shalt  }
0x7b: {  	_ =	shalt  }
0x7c: {  	_ =	shalt  }
0x7d: {  	_ =	shalt  }
0x7e: {  	_ =	shalt  }
0x7f: {  	_ =	shalt  }
0x80: {  	_ =	shalt  }
0x81: {  	_ =	shalt  }
0x82: {  	_ =	shalt  }
0x83: {  	_ =	shalt  }
0x84: {  	_ =	shalt  }
0x85: {  	_ =	shalt  }
0x86: {  	_ =	shalt  }
0x87: {  	_ =	shalt  }
.Lfunc_end0:
.L_simem_size_0:
called_computation_lowered:
.L_overlay_start_0:
0x88: {  	s2 =	sld [smem:$0x3FD9]  }
0x89: {  	s3 =	sld [smem:$0x3FFE];
	_ =	sdelay $0x1  }
0x8a: {  	s1 =	srdreg.scid  }
0x8b: {  	s0 =	sand.u32 $0x1, s1  }
0x8c: {  	s17 =	sshll.u32 s0, $0xA;
	s2 =	sadd.s32 s3, s2  }
0x8d: {  	s2 =	sadd.s32 s2, s17  }
0x8e: {  	[smem:$0x3FB9] =	sst s2  }
0x8f: {  	_ = 	snop  }
0x90: {  	s2 =	sld [smem:$0x3FD0];
	(tm) =	ssettm $0x1  }
0x91: {  	s18 =	sld [smem:$0x3FFB];
	_ =	sdelay $0x3  }
0x92: {  	_ =	strace s18  }
0x93: {  	s3 =	sld [smem:$0x3FFC];
	_ =	sdelay $0x3  }
0x94: {  	_ =	strace s3  }
0x95: {  	s3 =	sld [smem:$0x3FFD];
	_ =	sdelay $0x3  }
0x96: {  	_ =	strace s3  }
0x97: {  	_ =	strace $0x8FFFFFFF  }
0x98: {  	s19 =	sld [smem:$0x3FDB];
	_ =	sdelay $0x1  }
0x99: {  	s4 =	simm.s32 $_scs_section_size  }
0x9a: {  	s5 =	simm.s32 $_size__tile_overlayer_lowered;
	s6 =	simm.s32 $_tile_overlayer_lowered  }
0x9b: {  	s22 =	simm.s32 $0x1BFF;
	s21 =	sshll.u32 s6, $0x1;
	s3 =	sadd.s32 s4, s19  }
0x9c: {  	s7 =	simm.s32 $0x0;
	s20 =	sshll.u32 s5, $0x1;
	s5 =	sadd.s32 s21, s3  }
0x9d: {  	[timem:s7], [sflag:s22] =	dma.local [hbm:s5], s20  }
0x9e: {  	_ =	swait.ge [sflag:s22], s20  }
0x9f: {  	s4 =	ssub.s32 $0x0, s20;
	[sflag:s22] =	ssyncset.done $0x0  }
0xa0: {  	[sflag:s22] =	ssyncadd.s32 s4;
	_ =	sdelay $0x1  }
0xa1: {  	s23 =	simm.s32 $0x1B8B  }
0xa2: {  	_ =	swait.ge [sflag:s23], $0x1  }
0xa3: {  	[sflag:s23] =	ssyncset.done $0x0  }
0xa4: {  	s25 =	simm.s32 $0x1B8E;
	s24 =	sld [smem:$0x3FFE];
	[sflag:s23] =	ssyncadd.s32 $0xFFFFFFFF  }
0xa5: {  	s26 =	simm.s32 $execute0_lowered;
	[smem:$0x3FD2] =	sst s25  }
0xa6: {  	s5 =	sshll.u32 s26, $0x1;
	_ =	strace $0x80000046;
	[dreg:$0x1] =	wrdreg $0xFFFFFFFF  }
0xa7: {  	s28 =	simm.s32 $_size_execute0_lowered;
	s3 =	sadd.s32 s3, s5;
	[dreg:$0x0] =	wrdreg $0x0  }
0xa8: {  	s5 =	sshll.u32 s28, $0x1;
	[dreg:$0x2] =	wrdreg s3  }
0xa9: {  	[dreg:$0x3] =	wrdreg s5  }
0xaa: {  	[dreg:$0x4] =	wrdreg $0xC0  }
0xab: {  	_ =	task [dreg:s7], $0x5FFFF  }
0xac: {  	[dreg:$0x1] =	wrdreg $0xFFFFFFFF  }
0xad: {  	[dreg:$0x0] =	wrdreg $0x60  }
0xae: {  	[dreg:$0x2] =	wrdreg s2  }
0xaf: {  	[dreg:$0x3] =	wrdreg s24  }
0xb0: {  	[dreg:$0x4] =	wrdreg $0x3800  }
0xb1: {  	[dreg:$0x5] =	wrdreg $0x9  }
0xb2: {  	_ =	task.clear_ibuf [dreg:s7], $0x6FFFF;
	_ =	strace $0x90000046  }
0xb3: {  	s29 =	simm.s32 $0x9;
	_ =	strace $0x80000048  }
0xb4: {  	_ =	swait.ge [sflag:s29], $0x1  }
0xb5: {  	[sflag:s29] =	ssyncadd.s32 $0xFFFFFFFF  }
0xb6: {  	_ =	strace $0x90000048  }
0xb7: {  	_ =	sfence  }
0xb8: {  	s30 =	sld [smem:$0x0];
	_ =	sdelay $0x2  }
0xb9: {  	s31 =	sshll.u32 s1, $0xD;
	s1 =	sshrl.u32 s1, $0x2  }
0xba: {  	s3 =	sand.u32 $0x4000, s31;
	s1 =	sadd.s32 s1, s30  }
0xbb: {  	s0 =	sor.u32 s3, s0;
	s1 =	sshll.u32 s1, $0x11  }
0xbc: {  	s0 =	sor.u32 s1, s0  }
0xbd: {  	s0 =	sadd.s32 $0x8F2B, s0  }
0xbe: {  	[sflag:s0] =	ssyncadd.remote.s32 $0x1  }
0xbf: {  	_ =	sfence.sel $0xFFFF  }
0xc0: {  	[dreg:$0x0] =	wrdreg $0xFFFFFFFF;
	(pc) =	sbr.abs _section_cstart, $3  }
0xc1: {  	[dreg:$0x1] =	wrdreg $0xFFFFFFFF  }
0xc2: {  	_ =	task.clear_ibuf [dreg:s7], $0x2FFFF;
	_ =	strace $0x9FFFFFFF  }
0xc3: {  	(tm) =	ssettm $0x7FFFFFFF  }
tec
execute0_lowered:
.L_overlay_start_1:
0x0: {  	(tag) =	ssettag $0x1  }
0x1: {  	s8 =	rddreg [dreg:$0x0]  }
0x2: {  	s4 =	rddreg [dreg:$0x1]  }
0x3: {  	s5 =	srdreg.scid;
	s2 =	rddreg [dreg:$0x2]  }
0x4: {  	s0 =	stileid.u32;
	s1 =	rddreg [dreg:$0x3];
	s3 =	simm.s32 $0x0  }
0x5: {  	s14 =	simm.s32 $0x20;
	s15 =	simm.s32 $0x10;
	s16 =	simm.s32 $0x0  }
0x6: {  	s6 =	sand.u32 $0x1, s5;
	s7 =	smul.u32 $0x500, s0;
	[smem:$0x7FF] =	sst s3  }
0x7: {  	s28 =	smul.u32 $0xA00, s0;
	s29 =	sshll.u32 s0, $0x7;
	s5 =	sshll.u32 s5, $0xB  }
0x8: {  	s12 =	sshll.u32 s0, $0x6;
	s9 =	sshll.u32 s6, $0x7;
	s26 =	ssub.s32 $0x2, s6  }
0x9: {  	_ =	strace $0x80000047;
	s6 =	sshll.u32 s6, $0x4;
	s5 =	sor.u32 s5, s29  }
0xa: {  	s12 =	sor.u32 $0x1C01, s12;
	s7 =	sor.u32 s9, s7;
	s10 =	sshrl.u32 s26, $0x1  }
0xb: {  	s6 =	sor.u32 s0, s6;
	s11 =	sshrl.u32 s28, $0x2;
	s30 =	sand.u32 $0xF80, s5  }
0xc: {  	s7 =	sshrl.u32 s7, $0x3;
	s9 =	ssub.s32 s26, s10;
	p0 =	slt.u32 s6, $0x2  }
0xd: {  	s5 =	sadd.s32 s11, s2;
	s31 =	sshrl.u32 s30, $0x3;
	s10 =	simm.s32 $0x1  }
0xe: {  	s11 =	simm.s32 $0x80;
	s7 =	sadd.s32 s7, s4;
	s4 =	simm.s32 $0x28  }
0xf: {  	s8 =	sadd.s32 s31, s8;
	s13 =	sshrl.u32 s5, $0x3;
	s4 =	simm.s32 @!p0 $0x27  }
0x10: {  	v0 =	vimm.f32 $1.000000000e+00;
	v1 =	vimm.f32 $0.0e+00;
	s6 =	sadd.s32 $0x2800, s7;
	s7 =	smax.u32 s9, $0x1;
	s9 =	simm.s32 $0x100  }
.LBB2_1:
0x11: {  	[tilespmem:$0x80] =	vst v0  }
0x12: {  	[tilespmem:$0x90] =	vst v0  }
0x13: {  	[tilespmem:$0xA0] =	vst v0  }
0x14: {  	[tilespmem:$0xB0] =	vst v0  }
0x15: {  	[tilespmem:$0xC0] =	vst v0  }
0x16: {  	[tilespmem:$0xD0] =	vst v0  }
0x17: {  	[tilespmem:$0xE0] =	vst v0  }
0x18: {  	[tilespmem:$0xF0] =	vst v0  }
0x19: {  	[tilespmem:$0x100] =	vst v1  }
0x1a: {  	[tilespmem:$0x110] =	vst v1  }
0x1b: {  	[tilespmem:$0x120] =	vst v1  }
0x1c: {  	[tilespmem:$0x130] =	vst v1  }
0x1d: {  	[tilespmem:$0x140] =	vst v1  }
0x1e: {  	[tilespmem:$0x150] =	vst v1  }
0x1f: {  	[tilespmem:$0x160] =	vst v1  }
0x20: {  	[tilespmem:$0x170] =	vst v1  }
0x21: {  	[tilespmem:$0x180] =	vst v1  }
0x22: {  	[tilespmem:$0x190] =	vst v1  }
0x23: {  	[tilespmem:$0x1A0] =	vst v1  }
0x24: {  	[tilespmem:$0x1B0] =	vst v1  }
0x25: {  	[tilespmem:$0x1C0] =	vst v1  }
0x26: {  	[tilespmem:$0x1D0] =	vst v1  }
0x27: {  	[tilespmem:$0x1E0] =	vst v1  }
0x28: {  	[tilespmem:$0x1F0] =	vst v1  }
0x29: {  	[tilespmem:$0x200] =	vst v1  }
0x2a: {  	[tilespmem:$0x210] =	vst v1  }
0x2b: {  	[tilespmem:$0x220] =	vst v1  }
0x2c: {  	[tilespmem:$0x230] =	vst v1  }
0x2d: {  	[tilespmem:$0x240] =	vst v1  }
0x2e: {  	[tilespmem:$0x250] =	vst v1  }
0x2f: {  	[tilespmem:$0x260] =	vst v1  }
0x30: {  	[tilespmem:$0x270] =	vst v1  }
0x31: {  	[tilespmem:$0x280] =	vst v1  }
0x32: {  	[tilespmem:$0x290] =	vst v1  }
0x33: {  	[tilespmem:$0x2A0] =	vst v1  }
0x34: {  	[tilespmem:$0x2B0] =	vst v1  }
0x35: {  	[tilespmem:$0x2C0] =	vst v1  }
0x36: {  	[tilespmem:$0x2D0] =	vst v1  }
0x37: {  	[tilespmem:$0x2E0] =	vst v1  }
0x38: {  	[tilespmem:$0x2F0] =	vst v1  }
0x39: {  	[tilespmem:$0x300] =	vst v1  }
0x3a: {  	[tilespmem:$0x310] =	vst v1  }
0x3b: {  	[tilespmem:$0x320] =	vst v1  }
0x3c: {  	[tilespmem:$0x330] =	vst v1  }
0x3d: {  	[tilespmem:$0x340] =	vst v1  }
0x3e: {  	[tilespmem:$0x350] =	vst v1  }
0x3f: {  	[tilespmem:$0x360] =	vst v1  }
0x40: {  	[tilespmem:$0x370] =	vst v1  }
0x41: {  	[spmem:s5] =	stream.linear.scatter [tilespmem:s9], [sflag:$0x1], $0x280, $0x38;
	[tilespmem:$0x600] =	vst v63  }
0x42: {  	_ =	swait.ge [sflag:s10], $0x280  }
0x43: {  	[sflag:s10] =	ssyncset.done $0x0  }
0x44: {  	[sflag:s10] =	ssyncadd.s32 $0xFFFFFD80  }
0x45: {  	[bflag:$0x0] =	sbarrier.arrive $0xFFFF  }
0x46: {  	[tilespmem:s3], [sflag:$0x1] =	stream.linear.gather [hbm4b:s8+s3], $0x80, $0x38;
	[tilespmem:$0x600] =	vst v63  }
0x47: {  	p0 =	sne.s32 s4, $0x1;
	_ =	swait.ge [sflag:s10], $0x80  }
.Ltmp0:
0x48: {  	[sflag:s10] =	ssyncset.done $0x0;
	(pc) =	sbr.rel @!p0 .LBB2_3-.Ltmp0, $4  }
0x49: {  	[sflag:s10] =	ssyncadd.s32 $0xFFFFFF80  }
0x4a: {  	[spmem:s2] =	stream.indirect.scatter.add.f32 [tilespmem:s11], [sflag:$0x1], $0x1, s3, s11, $0xb8;
	[tilespmem:$0x600] =	vst v63  }
0x4b: {  	_ =	swait.ge [sflag:s10], $0x80  }
0x4c: {  	s17 =	sadd.s32 $0xFFFFFFFF, s4;
	s18 =	smov.u32 s8;
	[sflag:s10] =	ssyncset.done $0x0  }
.LBB2_2:
0x4d: {  	p0 =	sne.s32 s17, $0x1;
	[sflag:s10] =	ssyncadd.s32 $0xFFFFFF80;
	s18 =	sadd.s32 $0x200, s18  }
0x4e: {  	[tilespmem:s3], [sflag:$0x1] =	stream.linear.gather [hbm4b:s18+s3], $0x80, $0x38;
	[tilespmem:$0x600] =	vst v63  }
0x4f: {  	s17 =	sadd.s32 $0xFFFFFFFF, s17;
	_ =	swait.ge [sflag:s10], $0x80  }
.Ltmp1:
0x50: {  	[sflag:s10] =	ssyncset.done $0x0;
	(pc) =	sbr.rel @p0 .LBB2_2-.Ltmp1, $4  }
0x51: {  	[sflag:s10] =	ssyncadd.s32 $0xFFFFFF80  }
0x52: {  	[spmem:s2] =	stream.indirect.scatter.add.f32 [tilespmem:s11], [sflag:$0x1], $0x1, s3, s11, $0xb8;
	[tilespmem:$0x600] =	vst v63  }
0x53: {  	_ =	swait.ge [sflag:s10], $0x80  }
0x54: {  	[sflag:s10] =	ssyncset.done $0x0  }
.LBB2_3:
0x55: {  	s16 =	sadd.s32 $0x1, s16  }
0x56: {  	[sflag:s10] =	ssyncadd.s32 $0xFFFFFF80;
	p0 =	sne.s32 s16, s7  }
.Ltmp2:
0x57: {  	[bflag:$0x0] =	sbarrier.arrive $0xFFFF;
	(pc) =	sbr.rel @p0 .LBB2_1-.Ltmp2, $4  }
0x58: {  	[hbm:s6@s14], [sflag:s12] =	dma.strided [spmem:s13@s15], $0x50, s10, $0x10   }
0x59: {  	_ =	swait.ge [sflag:s10], $0x50  }
0x5a: {  	[sflag:s10] =	ssyncset.done $0x0  }
0x5b: {  	[sflag:s10] =	ssyncadd.s32 $0xFFFFFFB0  }
0x5c: {  	_ =	sfence.sel $0x180000  }
0x5d: {  	[bflag:$0x0] =	sbarrier.arrive $0xFFFF  }
0x5e: {  	p0 =	sne.s32 s0, $0x0;
	_ =	strace $0x90000047  }
0x5f: {  	s0 =	sadd.s32 @!p0 $0x100000, s1;
	[bflag:$0x2] =	sbarrier.arrive $0xFFFF  }
0x60: {  	[sflag:s0] =	ssyncadd.tile.s32 @!p0 $0x1;
	_ =	shalt  }
.Lfunc_end2:
_tile_overlayer_lowered:
.L_overlay_start_2:
0x61: {  	(tag) =	ssettag $0x2  }
0x62: {  	s0 =	rddreg [dreg:$0x0];
	s2 =	stileid.u32  }
0x63: {  	s1 =	rddreg [dreg:$0x1];
	p0 =	sne.s32 s2, $0x0  }
0x64: {  	s3 =	rddreg [dreg:$0x2];
	[bflag:$0x3] =	sbarrier.arrive $0xFFFF;
	s2 =	simm.s32 @!p0 $0x1C01  }
0x65: {  	[timem:s3], [sflag:s2] =	dma.local @!p0 [hbm:s0], s1  }
0x66: {  	s0 =	simm.s32 @!p0 $0x1  }
0x67: {  	_ =	swait.ge @!p0 [sflag:s0], s1  }
0x68: {  	s1 =	ssub.s32 @!p0 $0x0, s1;
	[sflag:s0] =	ssyncset.done @!p0 $0x0  }
0x69: {  	[sflag:s0] =	ssyncadd.s32 @!p0 s1  }
0x6a: {  	[bflag:$0x3] =	sbarrier.arrive $0xFFFF  }
0x6b: {  	_ =	shalt  }

// kernel: kernel.9.cloned.1.call-start
scs
__scs_entry_jumppad:
0x0: {  	(pc) =	sbr.rel $0x88, $3  }
0x1: {  	(tag) =	ssettag $0x0;
	lr =	simm.s32 $0x1  }
0x2: {  	[smem:$0x3F92] =	sst lr;
	_ =	strace $0xD0000000  }
0x3: {  	_ = 	snop  }
0x4: {  	_ = 	snop  }
0x5: {  	_ = 	snop  }
0x6: {  	_ = 	snop  }
0x7: {  	_ = 	snop  }
__scs_overlays_trampoline_lowered:
0x8: {  	[smem:$0x3FA1] =	sst s0  }
0x9: {  	[smem:$0x3FA2] =	sst s1  }
0xa: {  	[smem:$0x3FA3] =	sst s2  }
0xb: {  	[smem:$0x3FA4] =	sst s3  }
0xc: {  	[smem:$0x3FA5] =	sst s4  }
0xd: {  	[smem:$0x3FA6] =	sst s5  }
0xe: {  	[smem:$0x3FA7] =	sst s6  }
0xf: {  	[smem:$0x3FA8] =	sst s7  }
0x10: {  	[smem:$0x3FA9] =	sst s8  }
0x11: {  	[smem:$0x3FAA] =	sst s9;
	s0 =	simm.s32 @!p0 $0x0  }
0x12: {  	s1 =	sld [smem:$0x3F90];
	s0 =	simm.s32 @p0 $0x1  }
0x13: {  	[smem:$0x3FAB] =	sst s0;
	s0 =	simm.s32 @!p1 $0x0  }
0x14: {  	s2 =	sld [smem:$0x3F8F];
	s0 =	simm.s32 @p1 $0x1  }
0x15: {  	[smem:$0x3FAC] =	sst s0;
	s0 =	simm.s32 @!p2 $0x0  }
0x16: {  	s3 =	sld [smem:$0x3FDB];
	s0 =	simm.s32 @p2 $0x1  }
0x17: {  	s4 =	simm.s32 $0x1BF5;
	[smem:$0x3FAE] =	sst s0  }
0x18: {  	s0 =	sld [smem:$0x3F91];
	_ =	swait.ge [sflag:s4], $0x0  }
0x19: {  	s7 =	sld [smem:$0x3F92]  }
0x1a: {  	s8 =	sadd.s32 $0xFFFFE003, lr  }
0x1b: {  	s9 =	sadd.s32 $0xFFFFFEF7, lr;
	s5 =	simm.s32 $0xFFFFFFFF;
	p2 =	slt.u32 s8, $0xFFFFF086  }
0x1c: {  	p1 =	slt.u32 s9, $0xF7A;
	s5 =	simm.s32 @!p2 $0x0  }
0x1d: {  	s5 =	simm.s32 @p1 $0x1;
	p0 =	seq.s32 s7, s2  }
0x1e: {  	s7 =	smul.u32 @!p0 $0xF7A, s2;
	p2 =	seq.s32 @!p0 s5, $0x0  }
0x1f: {  	s9 =	smul.u32 $0xF7A, s1;
	s8 =	simm.s32 @!p0 $0x1BF5;
	p2 =	por !p2, p0  }
0x20: {  	[sflag:s8] =	ssyncset.s32 @!p0 $0xFFFFF086;
	s6 =	sadd.s32 @!p0 s3, s7;
	s7 =	simm.s32 @!p0 $0x108  }
0x21: {  	s3 =	sadd.s32 s3, s9;
	s6 =	sadd.s32 @!p0 $0x88, s6;
	s7 =	simm.s32 @p2 $0x1082  }
0x22: {  	[simem:s7], [sflag:s8] =	dma.local @!p0 [hbm:s6], $0xF7A  }
0x23: {  	s9 =	sor.u32 $0xD0000000, s2;
	s6 =	simm.s32 $0x108;
	_ =	swait.ge @!p0 [sflag:s8], $0x0  }
0x24: {  	s3 =	sadd.s32 $0x88, s3;
	s6 =	simm.s32 @!p1 $0x1082;
	[sflag:s4] =	ssyncset.s32 $0xFFFFF086  }
0x25: {  	[simem:s6], [sflag:s4] =	dma.local [hbm:s3], $0xF7A  }
0x26: {  	[smem:$0x3F92] =	sst s1;
	(tag) =	ssettag s2;
	_ =	strace s9  }
0x27: {  	s1 =	sld [smem:$0x3FA2]  }
0x28: {  	s2 =	sld [smem:$0x3FA3]  }
0x29: {  	s4 =	sld [smem:$0x3FA5]  }
0x2a: {  	p0 =	seq.s32 s5, $0x0;
	s5 =	sld [smem:$0x3FA6]  }
0x2b: {  	s6 =	sld [smem:$0x3FA7]  }
0x2c: {  	s7 =	sld [smem:$0x3FA8]  }
0x2d: {  	s3 =	simm.s32 $0x108;
	s8 =	sld [smem:$0x3FA9]  }
0x2e: {  	s3 =	simm.s32 @!p0 $0x1082;
	s9 =	sld [smem:$0x3FAA]  }
0x2f: {  	lr =	sadd.s32 s0, s3;
	s0 =	sld [smem:$0x3FA1]  }
0x30: {  	s3 =	sld [smem:$0x3FA4]  }
0x31: {  	[smem:$0x3FAD] =	sst s10  }
0x32: {  	s10 =	sld [smem:$0x3FAB];
	_ =	sdelay $0x3  }
0x33: {  	p0 =	seq.s32 s10, $0x1;
	s10 =	sld [smem:$0x3FAD];
	_ =	sdelay $0x3  }
0x34: {  	[smem:$0x3FAD] =	sst s10  }
0x35: {  	s10 =	sld [smem:$0x3FAC];
	_ =	sdelay $0x3  }
0x36: {  	p1 =	seq.s32 s10, $0x1;
	s10 =	sld [smem:$0x3FAD];
	_ =	sdelay $0x3  }
0x37: {  	[smem:$0x3FAD] =	sst s10  }
0x38: {  	s10 =	sld [smem:$0x3FAE]  }
0x39: {  	_ = 	snop;
	(pc) =	sbr.ind lr, $3  }
0x3a: {  	_ = 	snop  }
0x3b: {  	_ = 	snop  }
0x3c: {  	p2 =	seq.s32 s10, $0x1;
	s10 =	sld [smem:$0x3FAD]  }
0x3d: {  	_ =	shalt  }
0x3e: {  	_ =	shalt  }
0x3f: {  	_ =	shalt  }
0x40: {  	_ =	shalt  }
0x41: {  	_ =	shalt  }
0x42: {  	_ =	shalt  }
0x43: {  	_ =	shalt  }
0x44: {  	_ =	shalt  }
0x45: {  	_ =	shalt  }
0x46: {  	_ =	shalt  }
0x47: {  	_ =	shalt  }
0x48: {  	_ =	shalt  }
0x49: {  	_ =	shalt  }
0x4a: {  	_ =	shalt  }
0x4b: {  	_ =	shalt  }
0x4c: {  	_ =	shalt  }
0x4d: {  	_ =	shalt  }
0x4e: {  	_ =	shalt  }
0x4f: {  	_ =	shalt  }
0x50: {  	_ =	shalt  }
0x51: {  	_ =	shalt  }
0x52: {  	_ =	shalt  }
0x53: {  	_ =	shalt  }
0x54: {  	_ =	shalt  }
0x55: {  	_ =	shalt  }
0x56: {  	_ =	shalt  }
0x57: {  	_ =	shalt  }
0x58: {  	_ =	shalt  }
0x59: {  	_ =	shalt  }
0x5a: {  	_ =	shalt  }
0x5b: {  	_ =	shalt  }
0x5c: {  	_ =	shalt  }
0x5d: {  	_ =	shalt  }
0x5e: {  	_ =	shalt  }
0x5f: {  	_ =	shalt  }
0x60: {  	_ =	shalt  }
0x61: {  	_ =	shalt  }
0x62: {  	_ =	shalt  }
0x63: {  	_ =	shalt  }
0x64: {  	_ =	shalt  }
0x65: {  	_ =	shalt  }
0x66: {  	_ =	shalt  }
0x67: {  	_ =	shalt  }
0x68: {  	_ =	shalt  }
0x69: {  	_ =	shalt  }
0x6a: {  	_ =	shalt  }
0x6b: {  	_ =	shalt  }
0x6c: {  	_ =	shalt  }
0x6d: {  	_ =	shalt  }
0x6e: {  	_ =	shalt  }
0x6f: {  	_ =	shalt  }
0x70: {  	_ =	shalt  }
0x71: {  	_ =	shalt  }
0x72: {  	_ =	shalt  }
0x73: {  	_ =	shalt  }
0x74: {  	_ =	shalt  }
0x75: {  	_ =	shalt  }
0x76: {  	_ =	shalt  }
0x77: {  	_ =	shalt  }
0x78: {  	_ =	shalt  }
0x79: {  	_ =	shalt  }
0x7a: {  	_ =	shalt  }
0x7b: {  	_ =	shalt  }
0x7c: {  	_ =	shalt  }
0x7d: {  	_ =	shalt  }
0x7e: {  	_ =	shalt  }
0x7f: {  	_ =	shalt  }
0x80: {  	_ =	shalt  }
0x81: {  	_ =	shalt  }
0x82: {  	_ =	shalt  }
0x83: {  	_ =	shalt  }
0x84: {  	_ =	shalt  }
0x85: {  	_ =	shalt  }
0x86: {  	_ =	shalt  }
0x87: {  	_ =	shalt  }
.Lfunc_end0:
.L_simem_size_0:
called_computation.1_lowered:
.L_overlay_start_0:
0x88: {  	s2 =	sld [smem:$0x3FD9]  }
0x89: {  	s3 =	sld [smem:$0x3FFE];
	_ =	sdelay $0x1  }
0x8a: {  	s1 =	srdreg.scid  }
0x8b: {  	s0 =	sand.u32 $0x1, s1  }
0x8c: {  	s17 =	sshll.u32 s0, $0xA;
	s2 =	sadd.s32 s3, s2  }
0x8d: {  	s2 =	sadd.s32 s2, s17  }
0x8e: {  	[smem:$0x3FB9] =	sst s2  }
0x8f: {  	_ = 	snop  }
0x90: {  	s2 =	sld [smem:$0x3FD0];
	(tm) =	ssettm $0x1  }
0x91: {  	s18 =	sld [smem:$0x3FFB];
	_ =	sdelay $0x3  }
0x92: {  	_ =	strace s18  }
0x93: {  	s3 =	sld [smem:$0x3FFC];
	_ =	sdelay $0x3  }
0x94: {  	_ =	strace s3  }
0x95: {  	s3 =	sld [smem:$0x3FFD];
	_ =	sdelay $0x3  }
0x96: {  	_ =	strace s3  }
0x97: {  	_ =	strace $0x8FFFFFFF  }
0x98: {  	s19 =	sld [smem:$0x3FDB];
	_ =	sdelay $0x1  }
0x99: {  	s4 =	simm.s32 $_scs_section_size  }
0x9a: {  	s5 =	simm.s32 $_size__tile_overlayer_lowered;
	s6 =	simm.s32 $_tile_overlayer_lowered  }
0x9b: {  	s22 =	simm.s32 $0x1BFF;
	s21 =	sshll.u32 s6, $0x1;
	s3 =	sadd.s32 s4, s19  }
0x9c: {  	s7 =	simm.s32 $0x0;
	s20 =	sshll.u32 s5, $0x1;
	s5 =	sadd.s32 s21, s3  }
0x9d: {  	[timem:s7], [sflag:s22] =	dma.local [hbm:s5], s20  }
0x9e: {  	_ =	swait.ge [sflag:s22], s20  }
0x9f: {  	s4 =	ssub.s32 $0x0, s20;
	[sflag:s22] =	ssyncset.done $0x0  }
0xa0: {  	[sflag:s22] =	ssyncadd.s32 s4;
	_ =	sdelay $0x1  }
0xa1: {  	s23 =	simm.s32 $0x1B8B  }
0xa2: {  	_ =	swait.ge [sflag:s23], $0x1  }
0xa3: {  	[sflag:s23] =	ssyncset.done $0x0  }
0xa4: {  	s25 =	simm.s32 $0x1B8E;
	s24 =	sld [smem:$0x3FFE];
	[sflag:s23] =	ssyncadd.s32 $0xFFFFFFFF  }
0xa5: {  	s26 =	simm.s32 $execute0_lowered;
	[smem:$0x3FD2] =	sst s25  }
0xa6: {  	s5 =	sshll.u32 s26, $0x1;
	_ =	strace $0x80000049;
	[dreg:$0x1] =	wrdreg $0xFFFFFFFF  }
0xa7: {  	s28 =	simm.s32 $_size_execute0_lowered;
	s3 =	sadd.s32 s3, s5;
	[dreg:$0x0] =	wrdreg $0x0  }
0xa8: {  	s5 =	sshll.u32 s28, $0x1;
	[dreg:$0x2] =	wrdreg s3  }
0xa9: {  	[dreg:$0x3] =	wrdreg s5  }
0xaa: {  	[dreg:$0x4] =	wrdreg $0xC0  }
0xab: {  	_ =	task [dreg:s7], $0x5FFFF  }
0xac: {  	[dreg:$0x1] =	wrdreg $0xFFFFFFFF  }
0xad: {  	[dreg:$0x0] =	wrdreg $0x60  }
0xae: {  	[dreg:$0x2] =	wrdreg s24  }
0xaf: {  	[dreg:$0x3] =	wrdreg s2  }
0xb0: {  	[dreg:$0x4] =	wrdreg $0x66000  }
0xb1: {  	[dreg:$0x5] =	wrdreg $0x9  }
0xb2: {  	_ =	task.clear_ibuf [dreg:s7], $0x6FFFF;
	_ =	strace $0x90000049  }
0xb3: {  	s29 =	simm.s32 $0x9;
	_ =	strace $0x8000004B  }
0xb4: {  	_ =	swait.ge [sflag:s29], $0x1  }
0xb5: {  	[sflag:s29] =	ssyncadd.s32 $0xFFFFFFFF  }
0xb6: {  	_ =	strace $0x9000004B  }
0xb7: {  	_ =	sfence  }
0xb8: {  	s30 =	sld [smem:$0x0];
	_ =	sdelay $0x2  }
0xb9: {  	s31 =	sshll.u32 s1, $0xD;
	s1 =	sshrl.u32 s1, $0x2  }
0xba: {  	s3 =	sand.u32 $0x4000, s31;
	s1 =	sadd.s32 s1, s30  }
0xbb: {  	s0 =	sor.u32 s3, s0;
	s1 =	sshll.u32 s1, $0x11  }
0xbc: {  	s0 =	sor.u32 s1, s0  }
0xbd: {  	s0 =	sadd.s32 $0x8F2B, s0  }
0xbe: {  	[sflag:s0] =	ssyncadd.remote.s32 $0x1  }
0xbf: {  	_ =	sfence.sel $0xFFFF  }
0xc0: {  	[dreg:$0x0] =	wrdreg $0xFFFFFFFF;
	(pc) =	sbr.abs _section_cstart, $3  }
0xc1: {  	[dreg:$0x1] =	wrdreg $0xFFFFFFFF  }
0xc2: {  	_ =	task.clear_ibuf [dreg:s7], $0x2FFFF;
	_ =	strace $0x9FFFFFFF  }
0xc3: {  	(tm) =	ssettm $0x7FFFFFFF  }
tec
execute0_lowered:
.L_overlay_start_1:
0x0: {  	(tag) =	ssettag $0x1  }
0x1: {  	s0 =	rddreg [dreg:$0x0]  }
0x2: {  	s1 =	rddreg [dreg:$0x1]  }
0x3: {  	s3 =	rddreg [dreg:$0x2]  }
0x4: {  	s4 =	simm.s32 $0x0;
	s15 =	stileid.u32;
	s7 =	srdreg.scid  }
0x5: {  	s29 =	simm.s32 $0x2600;
	s30 =	simm.s32 $0x200;
	s17 =	simm.s32 $0x4  }
0x6: {  	s28 =	simm.s32 $0x2;
	s31 =	simm.s32 $0x500;
	[smem:$0x7FF] =	sst s4  }
0x7: {  	s2 =	sshll.u32 s15, $0x5;
	s6 =	smul.u32 $0x50000, s15;
	s5 =	sadd.s32 $0x792400, s0  }
0x8: {  	s18 =	sand.u32 $0x1, s7;
	s19 =	sshll.u32 s15, $0x6;
	s22 =	smul.u32 $0x14000, s15  }
0x9: {  	p0 =	slt.u32 s15, $0x4;
	p1 =	sgt.u32 s15, $0x3;
	_ =	strace $0x8000004A  }
0xa: {  	s2 =	sadd.s32 s2, s0;
	s0 =	sadd.s32 $0x3A00, s0;
	s8 =	ssub.s32 $0x2, s18  }
0xb: {  	s7 =	sor.u32 $0x1C07, s19;
	s10 =	smul.u32 $0xC, s18;
	s19 =	simm.s32 $0x7  }
0xc: {  	[dreg:$0x4] =	wrdreg s0;
	s6 =	sshrl.u32 s6, $0x2;
	s9 =	sshrl.u32 s8, $0x1  }
0xd: {  	s0 =	smul.u32 $0xF00000, s18;
	s14 =	sadd.s32 $0x757000, s2;
	[dreg:$0x5] =	wrdreg s10  }
0xe: {  	s21 =	sadd.s32 $0x756C00, s2;
	s23 =	sadd.s32 $0x757200, s2;
	[dreg:$0x7] =	wrdreg s14  }
0xf: {  	s24 =	sadd.s32 $0x756E00, s2;
	s6 =	sadd.s32 s6, s3;
	[dreg:$0x8] =	wrdreg s21  }
0x10: {  	s10 =	sadd.s32 $0x756A00, s2;
	s8 =	ssub.s32 s8, s9;
	[dreg:$0x9] =	wrdreg s23  }
0x11: {  	[dreg:$0xa] =	wrdreg s24;
	s2 =	sadd.s32 $0x757400, s2;
	s23 =	simm.s32 $0x40  }
0x12: {  	s24 =	simm.s32 $0x300;
	s9 =	simm.s32 $0x480;
	s11 =	sadd.s32 $0x4000, s6  }
0x13: {  	s12 =	sadd.s32 $0x8000, s6;
	s13 =	sadd.s32 $0xC000, s6;
	s20 =	sadd.s32 $0x10000, s6  }
0x14: {  	[dreg:$0xb] =	wrdreg s2;
	s0 =	sadd.s32 s0, s22;
	s25 =	smax.u32 s8, $0x1  }
0x15: {  	s18 =	sshrl.u32 s6, $0x3;
	s2 =	simm.s32 $0x1;
	[dreg:$0x6] =	wrdreg s20  }
0x16: {  	s6 =	simm.s32 $0x3;
	s8 =	simm.s32 $0x580;
	[dreg:$0xc] =	wrdreg s0  }
0x17: {  	[dreg:$0xd] =	wrdreg s25;
	s26 =	sshrl.u32 s11, $0x3;
	s21 =	sshrl.u32 s12, $0x3  }
0x18: {  	s22 =	sshrl.u32 s13, $0x3;
	s25 =	simm.s32 $0x600;
	s0 =	simm.s32 $0x4600  }
0x19: {  	s12 =	simm.s32 $0x0;
	[dreg:$0xe] =	wrdreg s26;
	s26 =	simm.s32 $0x100  }
.LBB2_1:
0x1a: {  	[dreg:$0xf] =	wrdreg s12  }
0x1b: {  	[spmem:s18], [sflag:s7] =	dma.local [hbm:s1], $0x800  }
0x1c: {  	_ =	swait.ge [sflag:s19], $0x800  }
0x1d: {  	[sflag:s19] =	ssyncset.done $0x0  }
0x1e: {  	s11 =	rddreg [dreg:$0xe];
	[sflag:s19] =	ssyncadd.s32 $0xFFFFF800  }
0x1f: {  	[spmem:s11], [sflag:s7] =	dma.local [hbm:s1], $0x800  }
0x20: {  	_ =	swait.ge [sflag:s19], $0x800  }
0x21: {  	[sflag:s19] =	ssyncset.done $0x0  }
0x22: {  	[sflag:s19] =	ssyncadd.s32 $0xFFFFF800  }
0x23: {  	[spmem:s21], [sflag:s7] =	dma.local [hbm:s1], $0x800  }
0x24: {  	_ =	swait.ge [sflag:s19], $0x800  }
0x25: {  	[sflag:s19] =	ssyncset.done $0x0  }
0x26: {  	[sflag:s19] =	ssyncadd.s32 $0xFFFFF800  }
0x27: {  	[spmem:s22], [sflag:s7] =	dma.local [hbm:s1], $0x800  }
0x28: {  	_ =	swait.ge [sflag:s19], $0x800  }
0x29: {  	[sflag:s19] =	ssyncset.done $0x0;
	s20 =	rddreg [dreg:$0x6]  }
0x2a: {  	[sflag:s19] =	ssyncadd.s32 $0xFFFFF800;
	s11 =	sshrl.u32 s20, $0x3  }
0x2b: {  	[spmem:s11], [sflag:s7] =	dma.local [hbm:s1], $0x800  }
0x2c: {  	_ =	swait.ge [sflag:s19], $0x800  }
0x2d: {  	[sflag:s19] =	ssyncset.done $0x0  }
0x2e: {  	[sflag:s19] =	ssyncadd.s32 $0xFFFFF800  }
0x2f: {  	s12 =	simm.s32 $0x0;
	[bflag:$0x0] =	sbarrier.arrive $0xFFFF  }
.LBB2_2:
0x30: {  	s13 =	simm.s32 $0x0  }
0x31: {  	[tilespmem:s13], [sflag:$0x7] =	stream.linear.gather [hbm4b:s10+s13], $0x100, $0x38;
	[tilespmem:$0x1A600] =	vst v63  }
0x32: {  	_ =	swait.ge [sflag:s19], $0x100  }
0x33: {  	[sflag:s19] =	ssyncset.done $0x0  }
0x34: {  	[sflag:s19] =	ssyncadd.s32 $0xFFFFFF00  }
0x35: {  	v0 =	vld [tilespmem:$0x0]  }
0x36: {  	v1 =	vld [tilespmem:$0x80]  }
0x37: {  	s14 =	rddreg [dreg:$0x5];
	v2 =	vld [tilespmem:$0x10]  }
0x38: {  	s14 =	sadd.s32 s14, s12  }
0x39: {  	s14 =	smul.u32 $0x2710, s14;
	v3 =	vld [tilespmem:$0x90]  }
0x3a: {  	v4 =	vld [tilespmem:$0x20]  }
0x3b: {  	v5 =	vld [tilespmem:$0xA0];
	v0 =	vadd.s32 s14, v0;
	[tilespmem:$0x480] =	vst v1  }
0x3c: {  	v1 =	vadd.s32 s14, v2;
	[tilespmem:$0x300] =	vst v0;
	v0 =	vld [tilespmem:$0x30]  }
0x3d: {  	[tilespmem:$0x310] =	vst v1;
	v1 =	vld [tilespmem:$0xB0];
	_ =	sdelay $0x1  }
0x3e: {  	[tilespmem:$0x490] =	vst v3  }
0x3f: {  	v2 =	vadd.s32 s14, v4;
	[tilespmem:$0x4A0] =	vst v5  }
0x40: {  	[tilespmem:$0x320] =	vst v2  }
0x41: {  	v0 =	vadd.s32 s14, v0;
	[tilespmem:$0x4B0] =	vst v1  }
0x42: {  	[tilespmem:$0x330] =	vst v0  }
0x43: {  	[tilespmem:s25], [sflag:$0x1] =	stream.indirect.gather [hbm4b:s5+s23], $0x80, s24, s23, $0xb8;
	[tilespmem:$0x1A600] =	vst v63  }
0x44: {  	s15 =	rddreg [dreg:$0x7]  }
0x45: {  	[tilespmem:s13], [sflag:$0x4] =	stream.linear.gather [hbm4b:s15+s13], $0x100, $0x38;
	[tilespmem:$0x1A600] =	vst v63  }
0x46: {  	s16 =	rddreg [dreg:$0x8]  }
0x47: {  	[tilespmem:s26], [sflag:$0x7] =	stream.linear.gather [hbm4b:s16+s13], $0x100, $0x38;
	[tilespmem:$0x1A600] =	vst v63  }
0x48: {  	_ =	swait.ge [sflag:s19], $0x100  }
0x49: {  	[sflag:s19] =	ssyncset.done $0x0  }
0x4a: {  	[sflag:s19] =	ssyncadd.s32 $0xFFFFFF00  }
0x4b: {  	v0 =	vld [tilespmem:$0x100]  }
0x4c: {  	v1 =	vld [tilespmem:$0x180]  }
0x4d: {  	v2 =	vld [tilespmem:$0x110];
	_ =	sdelay $0x1  }
0x4e: {  	v3 =	vld [tilespmem:$0x190]  }
0x4f: {  	v60 =	vld [tilespmem:$0x120]  }
0x50: {  	v61 =	vld [tilespmem:$0x1A0];
	v0 =	vadd.s32 s14, v0;
	[tilespmem:$0x500] =	vst v1  }
0x51: {  	v1 =	vadd.s32 s14, v2;
	[tilespmem:$0x380] =	vst v0;
	v0 =	vld [tilespmem:$0x130]  }
0x52: {  	[tilespmem:$0x390] =	vst v1;
	v1 =	vld [tilespmem:$0x1B0];
	_ =	sdelay $0x1  }
0x53: {  	[tilespmem:$0x510] =	vst v3  }
0x54: {  	v2 =	vadd.s32 s14, v60;
	[tilespmem:$0x520] =	vst v61  }
0x55: {  	[tilespmem:$0x3A0] =	vst v2  }
0x56: {  	v0 =	vadd.s32 s14, v0;
	[tilespmem:$0x530] =	vst v1  }
0x57: {  	s20 =	simm.s32 $0x380;
	[tilespmem:$0x3B0] =	vst v0  }
0x58: {  	[tilespmem:s29], [sflag:$0x2] =	stream.indirect.gather [hbm4b:s5+s23], $0x80, s20, s23, $0xb8;
	[tilespmem:$0x1A600] =	vst v63  }
0x59: {  	s16 =	rddreg [dreg:$0x9]  }
0x5a: {  	[tilespmem:s26], [sflag:$0x5] =	stream.linear.gather [hbm4b:s16+s13], $0x100, $0x38;
	[tilespmem:$0x1A600] =	vst v63  }
0x5b: {  	s20 =	rddreg [dreg:$0xa]  }
0x5c: {  	[tilespmem:s30], [sflag:$0x7] =	stream.linear.gather [hbm4b:s20+s13], $0x100, $0x38;
	[tilespmem:$0x1A600] =	vst v63  }
0x5d: {  	_ =	swait.ge [sflag:s19], $0x100  }
0x5e: {  	[sflag:s19] =	ssyncset.done $0x0  }
0x5f: {  	[sflag:s19] =	ssyncadd.s32 $0xFFFFFF00  }
0x60: {  	v0 =	vld [tilespmem:$0x200]  }
0x61: {  	v1 =	vld [tilespmem:$0x280]  }
0x62: {  	v2 =	vld [tilespmem:$0x210];
	_ =	sdelay $0x1  }
0x63: {  	v3 =	vld [tilespmem:$0x290]  }
0x64: {  	v62 =	vld [tilespmem:$0x220]  }
0x65: {  	v63 =	vld [tilespmem:$0x2A0];
	v0 =	vadd.s32 s14, v0;
	[tilespmem:$0x580] =	vst v1  }
0x66: {  	v1 =	vadd.s32 s14, v2;
	[tilespmem:$0x400] =	vst v0;
	v0 =	vld [tilespmem:$0x230]  }
0x67: {  	[tilespmem:$0x410] =	vst v1;
	v1 =	vld [tilespmem:$0x2B0];
	_ =	sdelay $0x1  }
0x68: {  	[tilespmem:$0x590] =	vst v3  }
0x69: {  	v2 =	vadd.s32 s14, v62;
	[tilespmem:$0x5A0] =	vst v63  }
0x6a: {  	[tilespmem:$0x420] =	vst v2  }
0x6b: {  	v0 =	vadd.s32 s14, v0;
	[tilespmem:$0x5B0] =	vst v1  }
0x6c: {  	s16 =	simm.s32 $0x400;
	[tilespmem:$0x430] =	vst v0  }
0x6d: {  	[tilespmem:s0], [sflag:$0x3] =	stream.indirect.gather [hbm4b:s5+s23], $0x80, s16, s23, $0xb8;
	[tilespmem:$0x1A600] =	vst v63  }
0x6e: {  	s20 =	rddreg [dreg:$0xb];
	v0 =	vmov s14;
	s14 =	simm.s32 $0x0  }
0x6f: {  	[tilespmem:s30], [sflag:$0x6] =	stream.linear.gather [hbm4b:s20+s13], $0x100, $0x38;
	[tilespmem:$0x1A600] =	vst v63  }
.LBB2_3:
0x70: {  	_ =	swait.ge [sflag:s2], $0x2000  }
0x71: {  	[sflag:s2] =	ssyncset.done $0x0  }
0x72: {  	[sflag:s2] =	ssyncadd.s32 $0xFFFFE000  }
0x73: {  	[spmem:s3] =	stream.indirect.scatter.add.f32 [tilespmem:s25], [sflag:$0x7], $0x80, s9, s23, $0xb8;
	[tilespmem:$0x1A600] =	vst v63  }
0x74: {  	_ =	swait.ge [sflag:s19], $0x2000  }
0x75: {  	p2 =	seq.s32 @!p0 s13, $0x13200;
	[sflag:s19] =	ssyncset.done $0x0  }
0x76: {  	p2 =	por p0, !p2;
	[sflag:s19] =	ssyncadd.s32 $0xFFFFE000  }
0x77: {  	_ =	swait.ge @p2 [sflag:s17], $0x100  }
0x78: {  	[sflag:s17] =	ssyncset.done @p2 $0x0  }
0x79: {  	[sflag:s17] =	ssyncadd.s32 @p2 $0xFFFFFF00  }
0x7a: {  	v1 =	vld @p2 [tilespmem:$0x0]  }
0x7b: {  	v2 =	vld @p2 [tilespmem:$0x80]  }
0x7c: {  	v3 =	vld @p2 [tilespmem:$0x10];
	_ =	sdelay $0x1  }
0x7d: {  	v4 =	vld @p2 [tilespmem:$0x90]  }
0x7e: {  	v5 =	vld @p2 [tilespmem:$0x20]  }
0x7f: {  	v6 =	vld @p2 [tilespmem:$0xA0];
	v1 =	vadd.s32 @p2 v0, v1;
	[tilespmem:$0x480] =	vst @p2 v2  }
0x80: {  	v2 =	vadd.s32 @p2 v0, v3;
	[tilespmem:$0x300] =	vst @p2 v1;
	v1 =	vld @p2 [tilespmem:$0x30]  }
0x81: {  	[tilespmem:$0x310] =	vst @p2 v2;
	v2 =	vld @p2 [tilespmem:$0xB0];
	_ =	sdelay $0x1  }
0x82: {  	p4 =	seq.s32 s13, $0x12C00;
	[tilespmem:$0x490] =	vst @p2 v4  }
0x83: {  	p3 =	por !p0, !p4;
	v3 =	vadd.s32 @p2 v0, v5;
	[tilespmem:$0x4A0] =	vst @p2 v6  }
0x84: {  	p5 =	slt.u32 s14, $0x32;
	p3 =	por !p3, !p3;
	[tilespmem:$0x320] =	vst @p2 v3  }
0x85: {  	p3 =	por p5, p3;
	v1 =	vadd.s32 @p2 v0, v1;
	[tilespmem:$0x4B0] =	vst @p2 v2  }
0x86: {  	s15 =	sadd.s32 @p3 s13, s10;
	[tilespmem:$0x330] =	vst @p2 v1  }
0x87: {  	[tilespmem:s25], [sflag:$0x1] =	stream.indirect.gather @p2 [hbm4b:s5+s23], $0x80, s24, s23, $0xb8;
	[tilespmem:$0x1A600] =	vst v63  }
0x88: {  	s15 =	sadd.s32 @p3 $0xC00, s15  }
0x89: {  	[tilespmem:s4], [sflag:$0x4] =	stream.linear.gather @p3 [hbm4b:s15+s4], $0x100, $0x38;
	[tilespmem:$0x1A600] =	vst v63  }
0x8a: {  	_ =	swait.ge [sflag:s28], $0x2000  }
0x8b: {  	[sflag:s28] =	ssyncset.done $0x0  }
0x8c: {  	[sflag:s28] =	ssyncadd.s32 $0xFFFFE000  }
0x8d: {  	[spmem:s3] =	stream.indirect.scatter.add.f32 [tilespmem:s29], [sflag:$0x7], $0x80, s31, s23, $0xb8;
	[tilespmem:$0x1A600] =	vst v63  }
0x8e: {  	_ =	swait.ge [sflag:s19], $0x2000  }
0x8f: {  	p3 =	seq.s32 s13, $0x13200;
	[sflag:s19] =	ssyncset.done $0x0  }
0x90: {  	s15 =	simm.s32 @!p3 $0x5;
	[sflag:s19] =	ssyncadd.s32 $0xFFFFE000  }
0x91: {  	_ =	swait.ge @!p3 [sflag:s15], $0x100  }
0x92: {  	[sflag:s15] =	ssyncset.done @!p3 $0x0  }
0x93: {  	[sflag:s15] =	ssyncadd.s32 @!p3 $0xFFFFFF00  }
0x94: {  	v1 =	vld @!p3 [tilespmem:$0x100]  }
0x95: {  	v2 =	vld @!p3 [tilespmem:$0x180]  }
0x96: {  	v3 =	vld @!p3 [tilespmem:$0x110];
	_ =	sdelay $0x1  }
0x97: {  	v4 =	vld @!p3 [tilespmem:$0x190]  }
0x98: {  	v5 =	vld @!p3 [tilespmem:$0x120]  }
0x99: {  	v6 =	vld @!p3 [tilespmem:$0x1A0];
	v1 =	vadd.s32 @!p3 v0, v1;
	[tilespmem:$0x500] =	vst @!p3 v2  }
0x9a: {  	v2 =	vadd.s32 @!p3 v0, v3;
	[tilespmem:$0x380] =	vst @!p3 v1;
	v1 =	vld @!p3 [tilespmem:$0x130]  }
0x9b: {  	[tilespmem:$0x390] =	vst @!p3 v2;
	v2 =	vld @!p3 [tilespmem:$0x1B0];
	_ =	sdelay $0x1  }
0x9c: {  	p4 =	seq.s32 s13, $0x12A00;
	[tilespmem:$0x510] =	vst @!p3 v4  }
0x9d: {  	p4 =	por !p0, !p4;
	v3 =	vadd.s32 @!p3 v0, v5;
	[tilespmem:$0x520] =	vst @!p3 v6  }
0x9e: {  	p4 =	por !p4, !p4;
	[tilespmem:$0x3A0] =	vst @!p3 v3  }
0x9f: {  	p4 =	por p5, p4;
	v1 =	vadd.s32 @!p3 v0, v1;
	[tilespmem:$0x530] =	vst @!p3 v2  }
0xa0: {  	s16 =	simm.s32 @!p3 $0x380;
	s20 =	simm.s32 @!p3 $0x2600;
	s15 =	simm.s32 @!p3 $0x40;
	[tilespmem:$0x3B0] =	vst @!p3 v1  }
0xa1: {  	[tilespmem:s20], [sflag:$0x2] =	stream.indirect.gather @!p3 [hbm4b:s5+s15], $0x80, s16, s15, $0xb8;
	[tilespmem:$0x1A600] =	vst v63  }
0xa2: {  	s16 =	sadd.s32 @p4 s13, s10  }
0xa3: {  	s16 =	sadd.s32 @p4 $0xE00, s16  }
0xa4: {  	[tilespmem:s26], [sflag:$0x5] =	stream.linear.gather @p4 [hbm4b:s16+s4], $0x100, $0x38;
	[tilespmem:$0x1A600] =	vst v63  }
0xa5: {  	_ =	swait.ge [sflag:s6], $0x2000  }
0xa6: {  	[sflag:s6] =	ssyncset.done $0x0  }
0xa7: {  	[sflag:s6] =	ssyncadd.s32 $0xFFFFE000  }
0xa8: {  	[spmem:s3] =	stream.indirect.scatter.add.f32 [tilespmem:s0], [sflag:$0x7], $0x80, s8, s23, $0xb8;
	[tilespmem:$0x1A600] =	vst v63  }
0xa9: {  	_ =	swait.ge [sflag:s19], $0x2000  }
0xaa: {  	[sflag:s19] =	ssyncset.done $0x0  }
0xab: {  	s16 =	simm.s32 @!p3 $0x6;
	[sflag:s19] =	ssyncadd.s32 $0xFFFFE000  }
0xac: {  	_ =	swait.ge @!p3 [sflag:s16], $0x100  }
0xad: {  	[sflag:s16] =	ssyncset.done @!p3 $0x0  }
0xae: {  	[sflag:s16] =	ssyncadd.s32 @!p3 $0xFFFFFF00  }
0xaf: {  	v1 =	vld @!p3 [tilespmem:$0x200]  }
0xb0: {  	v2 =	vld @!p3 [tilespmem:$0x280]  }
0xb1: {  	v3 =	vld @!p3 [tilespmem:$0x210];
	_ =	sdelay $0x1  }
0xb2: {  	v4 =	vld @!p3 [tilespmem:$0x290]  }
0xb3: {  	v5 =	vld @!p3 [tilespmem:$0x220]  }
0xb4: {  	v6 =	vld @!p3 [tilespmem:$0x2A0];
	v1 =	vadd.s32 @!p3 v0, v1;
	[tilespmem:$0x580] =	vst @!p3 v2  }
0xb5: {  	v2 =	vadd.s32 @!p3 v0, v3;
	[tilespmem:$0x400] =	vst @!p3 v1;
	v1 =	vld @!p3 [tilespmem:$0x230]  }
0xb6: {  	[tilespmem:$0x410] =	vst @!p3 v2;
	v2 =	vld @!p3 [tilespmem:$0x2B0];
	_ =	sdelay $0x1  }
0xb7: {  	[tilespmem:$0x590] =	vst @!p3 v4  }
0xb8: {  	v3 =	vadd.s32 @!p3 v0, v5;
	[tilespmem:$0x5A0] =	vst @!p3 v6  }
0xb9: {  	[tilespmem:$0x420] =	vst @!p3 v3  }
0xba: {  	v1 =	vadd.s32 @!p3 v0, v1;
	[tilespmem:$0x5B0] =	vst @!p3 v2  }
0xbb: {  	p6 =	seq.s32 s13, $0x12800;
	s20 =	simm.s32 @!p3 $0x4600;
	s16 =	simm.s32 @!p3 $0x400;
	[tilespmem:$0x430] =	vst @!p3 v1  }
0xbc: {  	[tilespmem:s20], [sflag:$0x3] =	stream.indirect.gather @!p3 [hbm4b:s5+s15], $0x80, s16, s15, $0xb8;
	[tilespmem:$0x1A600] =	vst v63  }
0xbd: {  	p3 =	por !p0, !p6  }
0xbe: {  	p3 =	por !p3, !p3  }
0xbf: {  	p2 =	por p5, p3  }
0xc0: {  	s15 =	sadd.s32 @p2 s13, s10  }
0xc1: {  	s13 =	sadd.s32 $0x600, s13;
	s15 =	sadd.s32 @p2 $0x1000, s15  }
0xc2: {  	[tilespmem:s30], [sflag:$0x6] =	stream.linear.gather @p2 [hbm4b:s15+s4], $0x100, $0x38;
	[tilespmem:$0x1A600] =	vst v63  }
0xc3: {  	p2 =	sne.s32 s13, $0x13800  }
.Ltmp0:
0xc4: {  	_ = 	snop;
	(pc) =	sbr.rel @p2 .LBB2_3-.Ltmp0, $2  }
0xc5: {  	_ =	sdelay $0x2  }
0xc6: {  	s14 =	sadd.s32 $0x1, s14  }
0xc7: {  	s13 =	simm.s32 @!p1 $0x1  }
0xc8: {  	_ =	swait.ge @!p1 [sflag:s13], $0x2000  }
0xc9: {  	s14 =	simm.s32 @!p1 $0x480;
	[sflag:s13] =	ssyncset.done @!p1 $0x0  }
0xca: {  	s15 =	simm.s32 @!p1 $0x600;
	[sflag:s13] =	ssyncadd.s32 @!p1 $0xFFFFE000;
	s13 =	simm.s32 @!p1 $0x40  }
0xcb: {  	[spmem:s3] =	stream.indirect.scatter.add.f32 @!p1 [tilespmem:s15], [sflag:$0x7], $0x80, s14, s13, $0xb8;
	[tilespmem:$0x1A600] =	vst v63  }
0xcc: {  	s13 =	simm.s32 @!p1 $0x7  }
0xcd: {  	_ =	swait.ge @!p1 [sflag:s13], $0x2000  }
0xce: {  	s16 =	smul.u32 $0x140000, s12;
	[sflag:s13] =	ssyncset.done @!p1 $0x0  }
0xcf: {  	s20 =	rddreg [dreg:$0xc];
	[sflag:s13] =	ssyncadd.s32 @!p1 $0xFFFFE000  }
0xd0: {  	s14 =	sadd.s32 s16, s20;
	[bflag:$0x0] =	sbarrier.arrive $0xFFFF  }
0xd1: {  	s15 =	sshrl.u32 s14, $0x3;
	s16 =	rddreg [dreg:$0x4]  }
0xd2: {  	s13 =	sadd.s32 s16, s15  }
0xd3: {  	[hbm:s13], [sflag:s7] =	dma.local [spmem:s18], $0x2800  }
0xd4: {  	_ =	swait.ge [sflag:s19], $0x2800  }
0xd5: {  	[sflag:s19] =	ssyncset.done $0x0  }
0xd6: {  	[sflag:s19] =	ssyncadd.s32 $0xFFFFD800  }
0xd7: {  	[spmem:s18], [sflag:s7] =	dma.local [hbm:s1], $0x800  }
0xd8: {  	_ =	swait.ge [sflag:s19], $0x800  }
0xd9: {  	[sflag:s19] =	ssyncset.done $0x0  }
0xda: {  	s20 =	rddreg [dreg:$0xe];
	[sflag:s19] =	ssyncadd.s32 $0xFFFFF800  }
0xdb: {  	[spmem:s20], [sflag:s7] =	dma.local [hbm:s1], $0x800  }
0xdc: {  	_ =	swait.ge [sflag:s19], $0x800  }
0xdd: {  	[sflag:s19] =	ssyncset.done $0x0  }
0xde: {  	[sflag:s19] =	ssyncadd.s32 $0xFFFFF800  }
0xdf: {  	[spmem:s21], [sflag:s7] =	dma.local [hbm:s1], $0x800  }
0xe0: {  	_ =	swait.ge [sflag:s19], $0x800  }
0xe1: {  	[sflag:s19] =	ssyncset.done $0x0  }
0xe2: {  	[sflag:s19] =	ssyncadd.s32 $0xFFFFF800  }
0xe3: {  	[spmem:s22], [sflag:s7] =	dma.local [hbm:s1], $0x800  }
0xe4: {  	_ =	swait.ge [sflag:s19], $0x800  }
0xe5: {  	s12 =	sadd.s32 $0x1, s12;
	[sflag:s19] =	ssyncset.done $0x0  }
0xe6: {  	p2 =	sne.s32 s12, $0xC;
	[sflag:s19] =	ssyncadd.s32 $0xFFFFF800  }
0xe7: {  	[spmem:s11], [sflag:s7] =	dma.local [hbm:s1], $0x800  }
.Ltmp1:
0xe8: {  	_ =	swait.ge [sflag:s19], $0x800;
	(pc) =	sbr.rel @p2 .LBB2_2-.Ltmp1, $3  }
0xe9: {  	[sflag:s19] =	ssyncset.done $0x0  }
0xea: {  	[sflag:s19] =	ssyncadd.s32 $0xFFFFF800  }
0xeb: {  	[bflag:$0x0] =	sbarrier.arrive $0xFFFF;
	_ =	sdelay $0x1  }
0xec: {  	s12 =	rddreg [dreg:$0xf]  }
0xed: {  	s11 =	rddreg [dreg:$0xd];
	s12 =	sadd.s32 $0x1, s12  }
0xee: {  	p2 =	sne.s32 s12, s11  }
.Ltmp2:
0xef: {  	_ = 	snop;
	(pc) =	sbr.rel @p2 .LBB2_1-.Ltmp2, $1  }
0xf0: {  	_ =	sdelay $0x3  }
0xf1: {  	_ =	sfence.sel $0x180000  }
0xf2: {  	[bflag:$0x0] =	sbarrier.arrive $0xFFFF  }
0xf3: {  	_ =	strace $0x9000004A  }
0xf4: {  	s0 =	stileid.u32;
	[bflag:$0x2] =	sbarrier.arrive $0xFFFF  }
0xf5: {  	p0 =	sne.s32 s0, $0x0;
	s0 =	rddreg [dreg:$0x3]  }
0xf6: {  	s0 =	sadd.s32 @!p0 $0x100000, s0  }
0xf7: {  	[sflag:s0] =	ssyncadd.tile.s32 @!p0 $0x1;
	_ =	shalt  }
.Lfunc_end2:
_tile_overlayer_lowered:
.L_overlay_start_2:
0xf8: {  	(tag) =	ssettag $0x2  }
0xf9: {  	s0 =	rddreg [dreg:$0x0];
	s2 =	stileid.u32  }
0xfa: {  	s1 =	rddreg [dreg:$0x1];
	p0 =	sne.s32 s2, $0x0  }
0xfb: {  	s3 =	rddreg [dreg:$0x2];
	[bflag:$0x3] =	sbarrier.arrive $0xFFFF;
	s2 =	simm.s32 @!p0 $0x1C07  }
0xfc: {  	[timem:s3], [sflag:s2] =	dma.local @!p0 [hbm:s0], s1  }
0xfd: {  	s0 =	simm.s32 @!p0 $0x7  }
0xfe: {  	_ =	swait.ge @!p0 [sflag:s0], s1  }
0xff: {  	s1 =	ssub.s32 @!p0 $0x0, s1;
	[sflag:s0] =	ssyncset.done @!p0 $0x0  }
0x100: {  	[sflag:s0] =	ssyncadd.s32 @!p0 s1  }
0x101: {  	[bflag:$0x3] =	sbarrier.arrive $0xFFFF  }
0x102: {  	_ =	shalt  }

</sc_bundles>
